<compile_context>
chip_gen: v7x
topology: tpu7x:2x2x1
jax: 0.10.2.dev20260603
libtpu: 0.0.44.dev20260713+nightly
codegen_flags: <defaults>
</compile_context>

<pallas_src>
import functools

import jax
import jax.numpy as jnp
from jax import lax
from jax.experimental import pallas as pl
from jax.experimental.pallas import tpu as pltpu
from jax.experimental.pallas import tpu_sc as plsc

SIGMA = 1.0

_B = 1024
_N = 200
_NC = 2
_NS = 16
_NW = _NC * _NS
_SC_ROWS = 608
_RPW = _SC_ROWS // _NW
_FPW = _RPW * _N
_NCHUNK = 13
_NP = _NCHUNK * 16
_INF = float("inf")
_STG = 32
_TC_RB = 16


def _sc_body(sims_hbm, levs_hbm, out_hbm, ss_v, sl_v, d_v, l_v, o_v):
    wid = lax.axis_index("s") * _NC + lax.axis_index("c")
    row0 = wid * _RPW
    a0 = pl.multiple_of((row0 // 8) * 8, 8)
    skip = row0 - a0

    pltpu.sync_copy(sims_hbm.at[pl.ds(a0, _STG)], ss_v)
    pltpu.sync_copy(levs_hbm.at[pl.ds(a0, _STG)], sl_v)

    iota = lax.iota(jnp.int32, 16)
    inf16 = jnp.full((16,), _INF, jnp.float32)

    def lay_row(r, carry):
        rr = skip + r
        dst = r * _NP
        for c in range(12):
            sv = ss_v[rr, pl.ds(16 * c, 16)]
            lv = sl_v[rr, pl.ds(16 * c, 16)]
            d_v[pl.ds(dst + 16 * c, 16)] = sv - SIGMA * lv
            l_v[pl.ds(dst + 16 * c, 16)] = lv
        d_v[pl.ds(dst + 192, 16)] = inf16
        l_v[pl.ds(dst + 192, 16)] = inf16
        sv = ss_v[rr, pl.ds(184, 16)]
        lv = sl_v[rr, pl.ds(184, 16)]
        d_v[pl.ds(dst + 184, 16)] = sv - SIGMA * lv
        l_v[pl.ds(dst + 184, 16)] = lv
        return carry
    lax.fori_loop(0, _RPW, lay_row, 0)

    zero16 = jnp.zeros((16,), jnp.float32)

    def row_body(r, accs):
        rbase = r * _NP
        dqs = [d_v[pl.ds(rbase + 16 * c, 16)] for c in range(_NCHUNK)]
        lqs = [l_v[pl.ds(rbase + 16 * c, 16)] for c in range(_NCHUNK)]

        for cp in range(_NCHUNK):
            def i_body(i, accs, cp=cp):
                pa = rbase + 16 * cp + i
                dp = jnp.full((16,), d_v[pl.ds(pa, 16)][0], jnp.float32)
                lp = jnp.full((16,), l_v[pl.ds(pa, 16)][0], jnp.float32)
                qmask = iota > jnp.full((16,), i, jnp.int32)
                new = list(accs)
                t = dp - dqs[cp]
                v = jnp.where(lp <= lqs[cp], t, -t)
                c = jnp.maximum(v, 0.0)
                new[cp] = new[cp] + jnp.where(qmask, c, zero16)
                for cq in range(cp + 1, _NCHUNK):
                    t = dp - dqs[cq]
                    v = jnp.where(lp <= lqs[cq], t, -t)
                    new[cq] = new[cq] + jnp.maximum(v, 0.0)
                return tuple(new)
            accs = lax.fori_loop(0, 16, i_body, accs)
        return accs

    accs = lax.fori_loop(0, _RPW, row_body, (zero16,) * _NCHUNK)
    total = accs[0]
    for c in range(1, _NCHUNK):
        total = total + accs[c]
    o_v[...] = total
    pltpu.sync_copy(o_v, out_hbm.at[wid])


@jax.jit
def _sc_pairwise(similarities, levs):
    mesh = plsc.VectorSubcoreMesh(core_axis_name="c", subcore_axis_name="s")
    f = functools.partial(
        pl.kernel,
        out_type=jax.ShapeDtypeStruct((_NW, 16), jnp.float32),
        mesh=mesh,
        scratch_types=[
            pltpu.VMEM((_STG, _N), jnp.float32),
            pltpu.VMEM((_STG, _N), jnp.float32),
            pltpu.VMEM((_RPW * _NP + 16,), jnp.float32),
            pltpu.VMEM((_RPW * _NP + 16,), jnp.float32),
            pltpu.VMEM((16,), jnp.float32),
        ],
    )(_sc_body)
    return f(similarities, levs)


def _tc_body(s_ref, l_ref, out_ref):
    s = s_ref[...]
    l = l_ref[...]
    d = s - SIGMA * l
    colq = lax.broadcasted_iota(jnp.int32, (_TC_RB, _N), 1)
    zero = jnp.zeros((_TC_RB, _N), jnp.float32)

    acc = zero
    for p in range(128):
        dp = jnp.broadcast_to(d[:, p : p + 1], (_TC_RB, _N))
        lp = jnp.broadcast_to(l[:, p : p + 1], (_TC_RB, _N))
        t = dp - d
        v = jnp.where(lp <= l, t, -t)
        c = jnp.maximum(v, 0.0)
        acc = acc + jnp.where(colq > p, c, zero)

    nhi = _N - 128
    dh = d[:, 128:]
    lh = l[:, 128:]
    colqh = colq[:, 128:]
    zeroh = jnp.zeros((_TC_RB, nhi), jnp.float32)
    acch = zeroh
    for p in range(128, _N):
        dp = jnp.broadcast_to(d[:, p : p + 1], (_TC_RB, nhi))
        lp = jnp.broadcast_to(l[:, p : p + 1], (_TC_RB, nhi))
        t = dp - dh
        v = jnp.where(lp <= lh, t, -t)
        c = jnp.maximum(v, 0.0)
        acch = acch + jnp.where(colqh > p, c, zeroh)

    row_tot = jnp.sum(acc, axis=0, keepdims=True)
    row_hi = jnp.sum(acch, axis=0, keepdims=True)
    row_tot = row_tot + jnp.concatenate(
        [jnp.zeros((1, 128), jnp.float32), row_hi], axis=1)

    @pl.when(pl.program_id(0) == 0)
    def _():
        out_ref[...] = jnp.zeros_like(out_ref)

    out_ref[...] += row_tot[None]


@jax.jit
def _tc_pairwise(similarities, levs):
    nblk = (_B - _SC_ROWS) // _TC_RB
    blk0 = _SC_ROWS // _TC_RB
    return pl.pallas_call(
        _tc_body,
        out_shape=jax.ShapeDtypeStruct((1, 1, _N), jnp.float32),
        grid=(nblk,),
        in_specs=[
            pl.BlockSpec((_TC_RB, _N), lambda b: (blk0 + b, 0)),
            pl.BlockSpec((_TC_RB, _N), lambda b: (blk0 + b, 0)),
        ],
        out_specs=pl.BlockSpec((1, 1, _N), lambda b: (0, 0, 0)),
    )(similarities, levs)


def kernel(similarities, levs):
    levs = levs.reshape(similarities.shape)
    sc_part = _sc_pairwise(similarities, levs)
    tc_part = _tc_pairwise(similarities, levs)
    total = jnp.sum(sc_part) + jnp.sum(tc_part)
    return total / jnp.float32(_B * _N * _N)

# --- scband reference (transcript-rebuilt; emitter-appended) ---
"""Pipeline reference for scband-adaptive-margin-rank-loss-30391188586560 (READ-ONLY COPY).

The authoritative reference and input builder live on the scoring server;
editing this copy changes nothing except your own understanding.
"""

import jax, jax.numpy as jnp
import numpy as np

SIGMA = 1.0

def setup_inputs(seed: int = 0) -> dict:
    key = jax.random.key(seed)
    k1, k2 = jax.random.split(key, 2)
    similarities = jax.random.normal(k1, (1024, 200), dtype=jnp.float32)
    levs = jax.random.normal(k2, (1024, 200), dtype=jnp.float32)
    return {"similarities": similarities, "levs": levs}

def reference(similarities, levs):
    levs = levs.reshape(similarities.shape)
    rank = jnp.argsort(levs, axis=-1)
    B, N = levs.shape
    levs_s = jnp.take_along_axis(levs, rank, axis=1)
    sims_s = jnp.take_along_axis(similarities, rank, axis=1)
    C = (jnp.abs(levs_s.reshape(B, N, 1) - levs_s.reshape(B, 1, N)) * SIGMA
         + sims_s.reshape(B, N, 1) - sims_s.reshape(B, 1, N))
    C = jnp.triu(C, k=1)
    C = jnp.maximum(C, 0.0)
    return jnp.mean(C)

if __name__ == "__main__":
    import jax
    _d = setup_inputs()
    print(jax.jit(kernel)(*tuple(_d.values())))

</pallas_src>

<mosaic_0001>
#map = affine_map<(d0, d1) -> (0, 0)>
module attributes {stable_mosaic.version = 14 : i64} {
  func.func @_sc_body(%arg0: i32, %arg1: i32, %arg2: memref<1024x200xf32, #tpu.memory_space<hbm>>, %arg3: memref<1024x200xf32, #tpu.memory_space<hbm>>, %arg4: memref<32x16xf32, #tpu.memory_space<hbm>>, %arg5: memref<32x200xf32, #tpu.memory_space<vmem>>, %arg6: memref<32x200xf32, #tpu.memory_space<vmem>>, %arg7: memref<3968xf32, #tpu.memory_space<vmem>>, %arg8: memref<3968xf32, #tpu.memory_space<vmem>>, %arg9: memref<16xf32, #tpu.memory_space<vmem>>) attributes {dimension_semantics = [#tpu.dimension_semantics<core_parallel>, #tpu.dimension_semantics<subcore_parallel>], iteration_bounds = array<i64: 2, 16>, scalar_prefetch = 0 : i64, scratch_operands = 5 : i64, tpu.core_type = #tpu.core_type<sc_vector_subcore>, window_params = [{transform_indices = #map}, {transform_indices = #map}, {transform_indices = #map}]} {
    %mul3A = arith.constant 2 : i32
    %mul3A_0 = arith.muli %arg1, %mul3A : i32
    %add3A = arith.addi %mul3A_0, %arg0 : i32
    %mul3A_1 = arith.constant 19 : i32
    %mul3A_2 = arith.muli %add3A, %mul3A_1 : i32
    %jit3A = arith.constant 8 : i32
    %div3A = arith.divsi %mul3A_2, %jit3A : i32
    %sign3A = arith.constant 0 : i32
    %sign3A_3 = arith.cmpi sgt, %mul3A_2, %sign3A : i32
    %sign3A_4 = arith.extui %sign3A_3 : i1 to i32
    %sign3A_5 = arith.constant 0 : i32
    %sign3A_6 = arith.cmpi slt, %mul3A_2, %sign3A_5 : i32
    %sign3A_7 = arith.extui %sign3A_6 : i1 to i32
    %sign3A_8 = arith.subi %sign3A_4, %sign3A_7 : i32
    %sign3A_9 = arith.constant 0 : i32
    %sign3A_10 = arith.cmpi sgt, %jit3A, %sign3A_9 : i32
    %sign3A_11 = arith.extui %sign3A_10 : i1 to i32
    %sign3A_12 = arith.constant 0 : i32
    %sign3A_13 = arith.cmpi slt, %jit3A, %sign3A_12 : i32
    %sign3A_14 = arith.extui %sign3A_13 : i1 to i32
    %sign3A_15 = arith.subi %sign3A_11, %sign3A_14 : i32
    %ne3A = arith.cmpi ne, %sign3A_8, %sign3A_15 : i32
    %rem3A = arith.remsi %mul3A_2, %jit3A : i32
    %ne3A_16 = arith.constant 0 : i32
    %ne3A_17 = arith.cmpi ne, %rem3A, %ne3A_16 : i32
    %and3A = arith.andi %ne3A, %ne3A_17 : i1
    %sub3A = arith.constant 1 : i32
    %sub3A_18 = arith.subi %div3A, %sub3A : i32
    %select_n3A = arith.select %and3A, %sub3A_18, %div3A : i32
    %mul3A_19 = arith.constant 8 : i32
    %mul3A_20 = arith.muli %select_n3A, %mul3A_19 : i32
    %multiple_of3A = tpu.assume_multiple %mul3A_20, 8 : i32
    %sub3A_21 = arith.subi %mul3A_2, %multiple_of3A : i32
    "tpu.region"() ({
      %run_scoped3A = tpu.sem_alloc : memref<!tpu.dma_semaphore, #tpu.memory_space<semaphore_mem>>
      %dma_start3A = arith.constant 0 : i32
      %dma_start3A_51 = tpu.memref_slice %arg2[%multiple_of3A, %dma_start3A] : memref<1024x200xf32, #tpu.memory_space<hbm>> -> memref<32x200xf32, #tpu.memory_space<hbm>>
      %dma_start3A_52 = arith.constant 0 : i32
      %dma_start3A_53 = tpu.memref_slice %arg2[%multiple_of3A, %dma_start3A_52] : memref<1024x200xf32, #tpu.memory_space<hbm>> -> memref<32x200xf32, #tpu.memory_space<hbm>>
      tpu.enqueue_dma source(%dma_start3A_53 : memref<32x200xf32, #tpu.memory_space<hbm>>) target(%arg5 : memref<32x200xf32, #tpu.memory_space<vmem>>) target_semaphore(%run_scoped3A : memref<!tpu.dma_semaphore, #tpu.memory_space<semaphore_mem>>)
      %dma_wait3A = arith.constant 0 : i32
      %dma_wait3A_54 = tpu.memref_slice %arg2[%multiple_of3A, %dma_wait3A] : memref<1024x200xf32, #tpu.memory_space<hbm>> -> memref<32x200xf32, #tpu.memory_space<hbm>>
      %dma_wait3A_55 = arith.constant 0 : i32
      %dma_wait3A_56 = tpu.memref_slice %arg2[%multiple_of3A, %dma_wait3A_55] : memref<1024x200xf32, #tpu.memory_space<hbm>> -> memref<32x200xf32, #tpu.memory_space<hbm>>
      tpu.wait_dma2 semaphore(%run_scoped3A : memref<!tpu.dma_semaphore, #tpu.memory_space<semaphore_mem>>) src(%dma_wait3A_56 : memref<32x200xf32, #tpu.memory_space<hbm>>) dst(%arg5 : memref<32x200xf32, #tpu.memory_space<vmem>>)
      tpu.yield
    }) : () -> ()
    "tpu.region"() ({
      %run_scoped3A = tpu.sem_alloc : memref<!tpu.dma_semaphore, #tpu.memory_space<semaphore_mem>>
      %dma_start3A = arith.constant 0 : i32
      %dma_start3A_51 = tpu.memref_slice %arg3[%multiple_of3A, %dma_start3A] : memref<1024x200xf32, #tpu.memory_space<hbm>> -> memref<32x200xf32, #tpu.memory_space<hbm>>
      %dma_start3A_52 = arith.constant 0 : i32
      %dma_start3A_53 = tpu.memref_slice %arg3[%multiple_of3A, %dma_start3A_52] : memref<1024x200xf32, #tpu.memory_space<hbm>> -> memref<32x200xf32, #tpu.memory_space<hbm>>
      tpu.enqueue_dma source(%dma_start3A_53 : memref<32x200xf32, #tpu.memory_space<hbm>>) target(%arg6 : memref<32x200xf32, #tpu.memory_space<vmem>>) target_semaphore(%run_scoped3A : memref<!tpu.dma_semaphore, #tpu.memory_space<semaphore_mem>>)
      %dma_wait3A = arith.constant 0 : i32
      %dma_wait3A_54 = tpu.memref_slice %arg3[%multiple_of3A, %dma_wait3A] : memref<1024x200xf32, #tpu.memory_space<hbm>> -> memref<32x200xf32, #tpu.memory_space<hbm>>
      %dma_wait3A_55 = arith.constant 0 : i32
      %dma_wait3A_56 = tpu.memref_slice %arg3[%multiple_of3A, %dma_wait3A_55] : memref<1024x200xf32, #tpu.memory_space<hbm>> -> memref<32x200xf32, #tpu.memory_space<hbm>>
      tpu.wait_dma2 semaphore(%run_scoped3A : memref<!tpu.dma_semaphore, #tpu.memory_space<semaphore_mem>>) src(%dma_wait3A_56 : memref<32x200xf32, #tpu.memory_space<hbm>>) dst(%arg6 : memref<32x200xf32, #tpu.memory_space<vmem>>)
      tpu.yield
    }) : () -> ()
    %iota3A = tpu.iota {dimensions = array<i32: 0>} : vector<16xi32>
    %broadcast_in_dim3A = arith.constant 0x7F800000 : f32
    %broadcast_in_dim3A_22 = vector.broadcast %broadcast_in_dim3A : f32 to vector<16xf32>
    %scan3A = arith.constant 0 : i32
    %scan3A_23 = arith.constant 0 : i32
    %scan3A_24 = arith.constant 19 : i32
    %scan3A_25 = arith.addi %scan3A_23, %scan3A_24 : i32
    %scan3A_26 = arith.constant 1 : i32
    scf.for %scan3A_51 = %scan3A_23 to %scan3A_25 step %scan3A_26  : i32 {
      %add3A_52 = arith.addi %sub3A_21, %scan3A_51 : i32
      %mul3A_53 = arith.constant 208 : i32
      %mul3A_54 = arith.muli %scan3A_51, %mul3A_53 : i32
      %get3A = arith.index_cast %add3A_52 : i32 to index
      %get3A_55 = arith.constant 0 : index
      %get3A_56 = tpu.vector_load %arg5[%get3A, %get3A_55] {strides = array<i32>} : memref<32x200xf32, #tpu.memory_space<vmem>>, vector<1x16xf32>,
      %get3A_57 = vector.shape_cast %get3A_56 : vector<1x16xf32> to vector<16xf32>
      %get3A_58 = arith.index_cast %add3A_52 : i32 to index
      %get3A_59 = arith.constant 0 : index
      %get3A_60 = tpu.vector_load %arg6[%get3A_58, %get3A_59] {strides = array<i32>} : memref<32x200xf32, #tpu.memory_space<vmem>>, vector<1x16xf32>,
      %get3A_61 = vector.shape_cast %get3A_60 : vector<1x16xf32> to vector<16xf32>
      %mul3A_62 = arith.constant 1.000000e+00 : f32
      %mul3A_63 = vector.broadcast %mul3A_62 : f32 to vector<16xf32>
      %mul3A_64 = arith.mulf %mul3A_63, %get3A_61 : vector<16xf32>
      %sub3A_65 = arith.subf %get3A_57, %mul3A_64 : vector<16xf32>
      %add3A_66 = arith.constant 0 : i32
      %add3A_67 = arith.addi %mul3A_54, %add3A_66 : i32
      %swap3A_68 = arith.index_cast %add3A_67 : i32 to index
      %swap3A_69 = tpu.vector_load %arg7[%swap3A_68] {strides = array<i32>} : memref<3968xf32, #tpu.memory_space<vmem>>, vector<16xf32>,
      %swap3A_70 = vector.shape_cast %swap3A_69 : vector<16xf32> to vector<16xf32>
      %swap3A_71 = vector.shape_cast %sub3A_65 : vector<16xf32> to vector<16xf32>
      tpu.vector_store %arg7[%swap3A_68], %swap3A_71 {strides = array<i32>} : memref<3968xf32, #tpu.memory_space<vmem>>, vector<16xf32>,
      %add3A_72 = arith.constant 0 : i32
      %add3A_73 = arith.addi %mul3A_54, %add3A_72 : i32
      %swap3A_74 = arith.index_cast %add3A_73 : i32 to index
      %swap3A_75 = tpu.vector_load %arg8[%swap3A_74] {strides = array<i32>} : memref<3968xf32, #tpu.memory_space<vmem>>, vector<16xf32>,
      %swap3A_76 = vector.shape_cast %swap3A_75 : vector<16xf32> to vector<16xf32>
      %swap3A_77 = vector.shape_cast %get3A_61 : vector<16xf32> to vector<16xf32>
      tpu.vector_store %arg8[%swap3A_74], %swap3A_77 {strides = array<i32>} : memref<3968xf32, #tpu.memory_space<vmem>>, vector<16xf32>,
      %get3A_78 = arith.index_cast %add3A_52 : i32 to index
      %get3A_79 = arith.constant 16 : index
      %get3A_80 = tpu.vector_load %arg5[%get3A_78, %get3A_79] {strides = array<i32>} : memref<32x200xf32, #tpu.memory_space<vmem>>, vector<1x16xf32>,
      %get3A_81 = vector.shape_cast %get3A_80 : vector<1x16xf32> to vector<16xf32>
      %get3A_82 = arith.index_cast %add3A_52 : i32 to index
      %get3A_83 = arith.constant 16 : index
      %get3A_84 = tpu.vector_load %arg6[%get3A_82, %get3A_83] {strides = array<i32>} : memref<32x200xf32, #tpu.memory_space<vmem>>, vector<1x16xf32>,
      %get3A_85 = vector.shape_cast %get3A_84 : vector<1x16xf32> to vector<16xf32>
      %mul3A_86 = arith.constant 1.000000e+00 : f32
      %mul3A_87 = vector.broadcast %mul3A_86 : f32 to vector<16xf32>
      %mul3A_88 = arith.mulf %mul3A_87, %get3A_85 : vector<16xf32>
      %sub3A_89 = arith.subf %get3A_81, %mul3A_88 : vector<16xf32>
      %add3A_90 = arith.constant 16 : i32
      %add3A_91 = arith.addi %mul3A_54, %add3A_90 : i32
      %swap3A_92 = arith.index_cast %add3A_91 : i32 to index
      %swap3A_93 = tpu.vector_load %arg7[%swap3A_92] {strides = array<i32>} : memref<3968xf32, #tpu.memory_space<vmem>>, vector<16xf32>,
      %swap3A_94 = vector.shape_cast %swap3A_93 : vector<16xf32> to vector<16xf32>
      %swap3A_95 = vector.shape_cast %sub3A_89 : vector<16xf32> to vector<16xf32>
      tpu.vector_store %arg7[%swap3A_92], %swap3A_95 {strides = array<i32>} : memref<3968xf32, #tpu.memory_space<vmem>>, vector<16xf32>,
      %add3A_96 = arith.constant 16 : i32
      %add3A_97 = arith.addi %mul3A_54, %add3A_96 : i32
      %swap3A_98 = arith.index_cast %add3A_97 : i32 to index
      %swap3A_99 = tpu.vector_load %arg8[%swap3A_98] {strides = array<i32>} : memref<3968xf32, #tpu.memory_space<vmem>>, vector<16xf32>,
      %swap3A_100 = vector.shape_cast %swap3A_99 : vector<16xf32> to vector<16xf32>
      %swap3A_101 = vector.shape_cast %get3A_85 : vector<16xf32> to vector<16xf32>
      tpu.vector_store %arg8[%swap3A_98], %swap3A_101 {strides = array<i32>} : memref<3968xf32, #tpu.memory_space<vmem>>, vector<16xf32>,
      %get3A_102 = arith.index_cast %add3A_52 : i32 to index
      %get3A_103 = arith.constant 32 : index
      %get3A_104 = tpu.vector_load %arg5[%get3A_102, %get3A_103] {strides = array<i32>} : memref<32x200xf32, #tpu.memory_space<vmem>>, vector<1x16xf32>,
      %get3A_105 = vector.shape_cast %get3A_104 : vector<1x16xf32> to vector<16xf32>
      %get3A_106 = arith.index_cast %add3A_52 : i32 to index
      %get3A_107 = arith.constant 32 : index
      %get3A_108 = tpu.vector_load %arg6[%get3A_106, %get3A_107] {strides = array<i32>} : memref<32x200xf32, #tpu.memory_space<vmem>>, vector<1x16xf32>,
      %get3A_109 = vector.shape_cast %get3A_108 : vector<1x16xf32> to vector<16xf32>
      %mul3A_110 = arith.constant 1.000000e+00 : f32
      %mul3A_111 = vector.broadcast %mul3A_110 : f32 to vector<16xf32>
      %mul3A_112 = arith.mulf %mul3A_111, %get3A_109 : vector<16xf32>
      %sub3A_113 = arith.subf %get3A_105, %mul3A_112 : vector<16xf32>
      %add3A_114 = arith.constant 32 : i32
      %add3A_115 = arith.addi %mul3A_54, %add3A_114 : i32
      %swap3A_116 = arith.index_cast %add3A_115 : i32 to index
      %swap3A_117 = tpu.vector_load %arg7[%swap3A_116] {strides = array<i32>} : memref<3968xf32, #tpu.memory_space<vmem>>, vector<16xf32>,
      %swap3A_118 = vector.shape_cast %swap3A_117 : vector<16xf32> to vector<16xf32>
      %swap3A_119 = vector.shape_cast %sub3A_113 : vector<16xf32> to vector<16xf32>
      tpu.vector_store %arg7[%swap3A_116], %swap3A_119 {strides = array<i32>} : memref<3968xf32, #tpu.memory_space<vmem>>, vector<16xf32>,
      %add3A_120 = arith.constant 32 : i32
      %add3A_121 = arith.addi %mul3A_54, %add3A_120 : i32
      %swap3A_122 = arith.index_cast %add3A_121 : i32 to index
      %swap3A_123 = tpu.vector_load %arg8[%swap3A_122] {strides = array<i32>} : memref<3968xf32, #tpu.memory_space<vmem>>, vector<16xf32>,
      %swap3A_124 = vector.shape_cast %swap3A_123 : vector<16xf32> to vector<16xf32>
      %swap3A_125 = vector.shape_cast %get3A_109 : vector<16xf32> to vector<16xf32>
      tpu.vector_store %arg8[%swap3A_122], %swap3A_125 {strides = array<i32>} : memref<3968xf32, #tpu.memory_space<vmem>>, vector<16xf32>,
      %get3A_126 = arith.index_cast %add3A_52 : i32 to index
      %get3A_127 = arith.constant 48 : index
      %get3A_128 = tpu.vector_load %arg5[%get3A_126, %get3A_127] {strides = array<i32>} : memref<32x200xf32, #tpu.memory_space<vmem>>, vector<1x16xf32>,
      %get3A_129 = vector.shape_cast %get3A_128 : vector<1x16xf32> to vector<16xf32>
      %get3A_130 = arith.index_cast %add3A_52 : i32 to index
      %get3A_131 = arith.constant 48 : index
      %get3A_132 = tpu.vector_load %arg6[%get3A_130, %get3A_131] {strides = array<i32>} : memref<32x200xf32, #tpu.memory_space<vmem>>, vector<1x16xf32>,
      %get3A_133 = vector.shape_cast %get3A_132 : vector<1x16xf32> to vector<16xf32>
      %mul3A_134 = arith.constant 1.000000e+00 : f32
      %mul3A_135 = vector.broadcast %mul3A_134 : f32 to vector<16xf32>
      %mul3A_136 = arith.mulf %mul3A_135, %get3A_133 : vector<16xf32>
      %sub3A_137 = arith.subf %get3A_129, %mul3A_136 : vector<16xf32>
      %add3A_138 = arith.constant 48 : i32
      %add3A_139 = arith.addi %mul3A_54, %add3A_138 : i32
      %swap3A_140 = arith.index_cast %add3A_139 : i32 to index
      %swap3A_141 = tpu.vector_load %arg7[%swap3A_140] {strides = array<i32>} : memref<3968xf32, #tpu.memory_space<vmem>>, vector<16xf32>,
      %swap3A_142 = vector.shape_cast %swap3A_141 : vector<16xf32> to vector<16xf32>
      %swap3A_143 = vector.shape_cast %sub3A_137 : vector<16xf32> to vector<16xf32>
      tpu.vector_store %arg7[%swap3A_140], %swap3A_143 {strides = array<i32>} : memref<3968xf32, #tpu.memory_space<vmem>>, vector<16xf32>,
      %add3A_144 = arith.constant 48 : i32
      %add3A_145 = arith.addi %mul3A_54, %add3A_144 : i32
      %swap3A_146 = arith.index_cast %add3A_145 : i32 to index
      %swap3A_147 = tpu.vector_load %arg8[%swap3A_146] {strides = array<i32>} : memref<3968xf32, #tpu.memory_space<vmem>>, vector<16xf32>,
      %swap3A_148 = vector.shape_cast %swap3A_147 : vector<16xf32> to vector<16xf32>
      %swap3A_149 = vector.shape_cast %get3A_133 : vector<16xf32> to vector<16xf32>
      tpu.vector_store %arg8[%swap3A_146], %swap3A_149 {strides = array<i32>} : memref<3968xf32, #tpu.memory_space<vmem>>, vector<16xf32>,
      %get3A_150 = arith.index_cast %add3A_52 : i32 to index
      %get3A_151 = arith.constant 64 : index
      %get3A_152 = tpu.vector_load %arg5[%get3A_150, %get3A_151] {strides = array<i32>} : memref<32x200xf32, #tpu.memory_space<vmem>>, vector<1x16xf32>,
      %get3A_153 = vector.shape_cast %get3A_152 : vector<1x16xf32> to vector<16xf32>
      %get3A_154 = arith.index_cast %add3A_52 : i32 to index
      %get3A_155 = arith.constant 64 : index
      %get3A_156 = tpu.vector_load %arg6[%get3A_154, %get3A_155] {strides = array<i32>} : memref<32x200xf32, #tpu.memory_space<vmem>>, vector<1x16xf32>,
      %get3A_157 = vector.shape_cast %get3A_156 : vector<1x16xf32> to vector<16xf32>
      %mul3A_158 = arith.constant 1.000000e+00 : f32
      %mul3A_159 = vector.broadcast %mul3A_158 : f32 to vector<16xf32>
      %mul3A_160 = arith.mulf %mul3A_159, %get3A_157 : vector<16xf32>
      %sub3A_161 = arith.subf %get3A_153, %mul3A_160 : vector<16xf32>
      %add3A_162 = arith.constant 64 : i32
      %add3A_163 = arith.addi %mul3A_54, %add3A_162 : i32
      %swap3A_164 = arith.index_cast %add3A_163 : i32 to index
      %swap3A_165 = tpu.vector_load %arg7[%swap3A_164] {strides = array<i32>} : memref<3968xf32, #tpu.memory_space<vmem>>, vector<16xf32>,
      %swap3A_166 = vector.shape_cast %swap3A_165 : vector<16xf32> to vector<16xf32>
      %swap3A_167 = vector.shape_cast %sub3A_161 : vector<16xf32> to vector<16xf32>
      tpu.vector_store %arg7[%swap3A_164], %swap3A_167 {strides = array<i32>} : memref<3968xf32, #tpu.memory_space<vmem>>, vector<16xf32>,
      %add3A_168 = arith.constant 64 : i32
      %add3A_169 = arith.addi %mul3A_54, %add3A_168 : i32
      %swap3A_170 = arith.index_cast %add3A_169 : i32 to index
      %swap3A_171 = tpu.vector_load %arg8[%swap3A_170] {strides = array<i32>} : memref<3968xf32, #tpu.memory_space<vmem>>, vector<16xf32>,
      %swap3A_172 = vector.shape_cast %swap3A_171 : vector<16xf32> to vector<16xf32>
      %swap3A_173 = vector.shape_cast %get3A_157 : vector<16xf32> to vector<16xf32>
      tpu.vector_store %arg8[%swap3A_170], %swap3A_173 {strides = array<i32>} : memref<3968xf32, #tpu.memory_space<vmem>>, vector<16xf32>,
      %get3A_174 = arith.index_cast %add3A_52 : i32 to index
      %get3A_175 = arith.constant 80 : index
      %get3A_176 = tpu.vector_load %arg5[%get3A_174, %get3A_175] {strides = array<i32>} : memref<32x200xf32, #tpu.memory_space<vmem>>, vector<1x16xf32>,
      %get3A_177 = vector.shape_cast %get3A_176 : vector<1x16xf32> to vector<16xf32>
      %get3A_178 = arith.index_cast %add3A_52 : i32 to index
      %get3A_179 = arith.constant 80 : index
      %get3A_180 = tpu.vector_load %arg6[%get3A_178, %get3A_179] {strides = array<i32>} : memref<32x200xf32, #tpu.memory_space<vmem>>, vector<1x16xf32>,
      %get3A_181 = vector.shape_cast %get3A_180 : vector<1x16xf32> to vector<16xf32>
      %mul3A_182 = arith.constant 1.000000e+00 : f32
      %mul3A_183 = vector.broadcast %mul3A_182 : f32 to vector<16xf32>
      %mul3A_184 = arith.mulf %mul3A_183, %get3A_181 : vector<16xf32>
      %sub3A_185 = arith.subf %get3A_177, %mul3A_184 : vector<16xf32>
      %add3A_186 = arith.constant 80 : i32
      %add3A_187 = arith.addi %mul3A_54, %add3A_186 : i32
      %swap3A_188 = arith.index_cast %add3A_187 : i32 to index
      %swap3A_189 = tpu.vector_load %arg7[%swap3A_188] {strides = array<i32>} : memref<3968xf32, #tpu.memory_space<vmem>>, vector<16xf32>,
      %swap3A_190 = vector.shape_cast %swap3A_189 : vector<16xf32> to vector<16xf32>
      %swap3A_191 = vector.shape_cast %sub3A_185 : vector<16xf32> to vector<16xf32>
      tpu.vector_store %arg7[%swap3A_188], %swap3A_191 {strides = array<i32>} : memref<3968xf32, #tpu.memory_space<vmem>>, vector<16xf32>,
      %add3A_192 = arith.constant 80 : i32
      %add3A_193 = arith.addi %mul3A_54, %add3A_192 : i32
      %swap3A_194 = arith.index_cast %add3A_193 : i32 to index
      %swap3A_195 = tpu.vector_load %arg8[%swap3A_194] {strides = array<i32>} : memref<3968xf32, #tpu.memory_space<vmem>>, vector<16xf32>,
      %swap3A_196 = vector.shape_cast %swap3A_195 : vector<16xf32> to vector<16xf32>
      %swap3A_197 = vector.shape_cast %get3A_181 : vector<16xf32> to vector<16xf32>
      tpu.vector_store %arg8[%swap3A_194], %swap3A_197 {strides = array<i32>} : memref<3968xf32, #tpu.memory_space<vmem>>, vector<16xf32>,
      %get3A_198 = arith.index_cast %add3A_52 : i32 to index
      %get3A_199 = arith.constant 96 : index
      %get3A_200 = tpu.vector_load %arg5[%get3A_198, %get3A_199] {strides = array<i32>} : memref<32x200xf32, #tpu.memory_space<vmem>>, vector<1x16xf32>,
      %get3A_201 = vector.shape_cast %get3A_200 : vector<1x16xf32> to vector<16xf32>
      %get3A_202 = arith.index_cast %add3A_52 : i32 to index
      %get3A_203 = arith.constant 96 : index
      %get3A_204 = tpu.vector_load %arg6[%get3A_202, %get3A_203] {strides = array<i32>} : memref<32x200xf32, #tpu.memory_space<vmem>>, vector<1x16xf32>,
      %get3A_205 = vector.shape_cast %get3A_204 : vector<1x16xf32> to vector<16xf32>
      %mul3A_206 = arith.constant 1.000000e+00 : f32
      %mul3A_207 = vector.broadcast %mul3A_206 : f32 to vector<16xf32>
      %mul3A_208 = arith.mulf %mul3A_207, %get3A_205 : vector<16xf32>
      %sub3A_209 = arith.subf %get3A_201, %mul3A_208 : vector<16xf32>
      %add3A_210 = arith.constant 96 : i32
      %add3A_211 = arith.addi %mul3A_54, %add3A_210 : i32
      %swap3A_212 = arith.index_cast %add3A_211 : i32 to index
      %swap3A_213 = tpu.vector_load %arg7[%swap3A_212] {strides = array<i32>} : memref<3968xf32, #tpu.memory_space<vmem>>, vector<16xf32>,
      %swap3A_214 = vector.shape_cast %swap3A_213 : vector<16xf32> to vector<16xf32>
      %swap3A_215 = vector.shape_cast %sub3A_209 : vector<16xf32> to vector<16xf32>
      tpu.vector_store %arg7[%swap3A_212], %swap3A_215 {strides = array<i32>} : memref<3968xf32, #tpu.memory_space<vmem>>, vector<16xf32>,
      %add3A_216 = arith.constant 96 : i32
      %add3A_217 = arith.addi %mul3A_54, %add3A_216 : i32
      %swap3A_218 = arith.index_cast %add3A_217 : i32 to index
      %swap3A_219 = tpu.vector_load %arg8[%swap3A_218] {strides = array<i32>} : memref<3968xf32, #tpu.memory_space<vmem>>, vector<16xf32>,
      %swap3A_220 = vector.shape_cast %swap3A_219 : vector<16xf32> to vector<16xf32>
      %swap3A_221 = vector.shape_cast %get3A_205 : vector<16xf32> to vector<16xf32>
      tpu.vector_store %arg8[%swap3A_218], %swap3A_221 {strides = array<i32>} : memref<3968xf32, #tpu.memory_space<vmem>>, vector<16xf32>,
      %get3A_222 = arith.index_cast %add3A_52 : i32 to index
      %get3A_223 = arith.constant 112 : index
      %get3A_224 = tpu.vector_load %arg5[%get3A_222, %get3A_223] {strides = array<i32>} : memref<32x200xf32, #tpu.memory_space<vmem>>, vector<1x16xf32>,
      %get3A_225 = vector.shape_cast %get3A_224 : vector<1x16xf32> to vector<16xf32>
      %get3A_226 = arith.index_cast %add3A_52 : i32 to index
      %get3A_227 = arith.constant 112 : index
      %get3A_228 = tpu.vector_load %arg6[%get3A_226, %get3A_227] {strides = array<i32>} : memref<32x200xf32, #tpu.memory_space<vmem>>, vector<1x16xf32>,
      %get3A_229 = vector.shape_cast %get3A_228 : vector<1x16xf32> to vector<16xf32>
      %mul3A_230 = arith.constant 1.000000e+00 : f32
      %mul3A_231 = vector.broadcast %mul3A_230 : f32 to vector<16xf32>
      %mul3A_232 = arith.mulf %mul3A_231, %get3A_229 : vector<16xf32>
      %sub3A_233 = arith.subf %get3A_225, %mul3A_232 : vector<16xf32>
      %add3A_234 = arith.constant 112 : i32
      %add3A_235 = arith.addi %mul3A_54, %add3A_234 : i32
      %swap3A_236 = arith.index_cast %add3A_235 : i32 to index
      %swap3A_237 = tpu.vector_load %arg7[%swap3A_236] {strides = array<i32>} : memref<3968xf32, #tpu.memory_space<vmem>>, vector<16xf32>,
      %swap3A_238 = vector.shape_cast %swap3A_237 : vector<16xf32> to vector<16xf32>
      %swap3A_239 = vector.shape_cast %sub3A_233 : vector<16xf32> to vector<16xf32>
      tpu.vector_store %arg7[%swap3A_236], %swap3A_239 {strides = array<i32>} : memref<3968xf32, #tpu.memory_space<vmem>>, vector<16xf32>,
      %add3A_240 = arith.constant 112 : i32
      %add3A_241 = arith.addi %mul3A_54, %add3A_240 : i32
      %swap3A_242 = arith.index_cast %add3A_241 : i32 to index
      %swap3A_243 = tpu.vector_load %arg8[%swap3A_242] {strides = array<i32>} : memref<3968xf32, #tpu.memory_space<vmem>>, vector<16xf32>,
      %swap3A_244 = vector.shape_cast %swap3A_243 : vector<16xf32> to vector<16xf32>
      %swap3A_245 = vector.shape_cast %get3A_229 : vector<16xf32> to vector<16xf32>
      tpu.vector_store %arg8[%swap3A_242], %swap3A_245 {strides = array<i32>} : memref<3968xf32, #tpu.memory_space<vmem>>, vector<16xf32>,
      %get3A_246 = arith.index_cast %add3A_52 : i32 to index
      %get3A_247 = arith.constant 128 : index
      %get3A_248 = tpu.vector_load %arg5[%get3A_246, %get3A_247] {strides = array<i32>} : memref<32x200xf32, #tpu.memory_space<vmem>>, vector<1x16xf32>,
      %get3A_249 = vector.shape_cast %get3A_248 : vector<1x16xf32> to vector<16xf32>
      %get3A_250 = arith.index_cast %add3A_52 : i32 to index
      %get3A_251 = arith.constant 128 : index
      %get3A_252 = tpu.vector_load %arg6[%get3A_250, %get3A_251] {strides = array<i32>} : memref<32x200xf32, #tpu.memory_space<vmem>>, vector<1x16xf32>,
      %get3A_253 = vector.shape_cast %get3A_252 : vector<1x16xf32> to vector<16xf32>
      %mul3A_254 = arith.constant 1.000000e+00 : f32
      %mul3A_255 = vector.broadcast %mul3A_254 : f32 to vector<16xf32>
      %mul3A_256 = arith.mulf %mul3A_255, %get3A_253 : vector<16xf32>
      %sub3A_257 = arith.subf %get3A_249, %mul3A_256 : vector<16xf32>
      %add3A_258 = arith.constant 128 : i32
      %add3A_259 = arith.addi %mul3A_54, %add3A_258 : i32
      %swap3A_260 = arith.index_cast %add3A_259 : i32 to index
      %swap3A_261 = tpu.vector_load %arg7[%swap3A_260] {strides = array<i32>} : memref<3968xf32, #tpu.memory_space<vmem>>, vector<16xf32>,
      %swap3A_262 = vector.shape_cast %swap3A_261 : vector<16xf32> to vector<16xf32>
      %swap3A_263 = vector.shape_cast %sub3A_257 : vector<16xf32> to vector<16xf32>
      tpu.vector_store %arg7[%swap3A_260], %swap3A_263 {strides = array<i32>} : memref<3968xf32, #tpu.memory_space<vmem>>, vector<16xf32>,
      %add3A_264 = arith.constant 128 : i32
      %add3A_265 = arith.addi %mul3A_54, %add3A_264 : i32
      %swap3A_266 = arith.index_cast %add3A_265 : i32 to index
      %swap3A_267 = tpu.vector_load %arg8[%swap3A_266] {strides = array<i32>} : memref<3968xf32, #tpu.memory_space<vmem>>, vector<16xf32>,
      %swap3A_268 = vector.shape_cast %swap3A_267 : vector<16xf32> to vector<16xf32>
      %swap3A_269 = vector.shape_cast %get3A_253 : vector<16xf32> to vector<16xf32>
      tpu.vector_store %arg8[%swap3A_266], %swap3A_269 {strides = array<i32>} : memref<3968xf32, #tpu.memory_space<vmem>>, vector<16xf32>,
      %get3A_270 = arith.index_cast %add3A_52 : i32 to index
      %get3A_271 = arith.constant 144 : index
      %get3A_272 = tpu.vector_load %arg5[%get3A_270, %get3A_271] {strides = array<i32>} : memref<32x200xf32, #tpu.memory_space<vmem>>, vector<1x16xf32>,
      %get3A_273 = vector.shape_cast %get3A_272 : vector<1x16xf32> to vector<16xf32>
      %get3A_274 = arith.index_cast %add3A_52 : i32 to index
      %get3A_275 = arith.constant 144 : index
      %get3A_276 = tpu.vector_load %arg6[%get3A_274, %get3A_275] {strides = array<i32>} : memref<32x200xf32, #tpu.memory_space<vmem>>, vector<1x16xf32>,
      %get3A_277 = vector.shape_cast %get3A_276 : vector<1x16xf32> to vector<16xf32>
      %mul3A_278 = arith.constant 1.000000e+00 : f32
      %mul3A_279 = vector.broadcast %mul3A_278 : f32 to vector<16xf32>
      %mul3A_280 = arith.mulf %mul3A_279, %get3A_277 : vector<16xf32>
      %sub3A_281 = arith.subf %get3A_273, %mul3A_280 : vector<16xf32>
      %add3A_282 = arith.constant 144 : i32
      %add3A_283 = arith.addi %mul3A_54, %add3A_282 : i32
      %swap3A_284 = arith.index_cast %add3A_283 : i32 to index
      %swap3A_285 = tpu.vector_load %arg7[%swap3A_284] {strides = array<i32>} : memref<3968xf32, #tpu.memory_space<vmem>>, vector<16xf32>,
      %swap3A_286 = vector.shape_cast %swap3A_285 : vector<16xf32> to vector<16xf32>
      %swap3A_287 = vector.shape_cast %sub3A_281 : vector<16xf32> to vector<16xf32>
      tpu.vector_store %arg7[%swap3A_284], %swap3A_287 {strides = array<i32>} : memref<3968xf32, #tpu.memory_space<vmem>>, vector<16xf32>,
      %add3A_288 = arith.constant 144 : i32
      %add3A_289 = arith.addi %mul3A_54, %add3A_288 : i32
      %swap3A_290 = arith.index_cast %add3A_289 : i32 to index
      %swap3A_291 = tpu.vector_load %arg8[%swap3A_290] {strides = array<i32>} : memref<3968xf32, #tpu.memory_space<vmem>>, vector<16xf32>,
      %swap3A_292 = vector.shape_cast %swap3A_291 : vector<16xf32> to vector<16xf32>
      %swap3A_293 = vector.shape_cast %get3A_277 : vector<16xf32> to vector<16xf32>
      tpu.vector_store %arg8[%swap3A_290], %swap3A_293 {strides = array<i32>} : memref<3968xf32, #tpu.memory_space<vmem>>, vector<16xf32>,
      %get3A_294 = arith.index_cast %add3A_52 : i32 to index
      %get3A_295 = arith.constant 160 : index
      %get3A_296 = tpu.vector_load %arg5[%get3A_294, %get3A_295] {strides = array<i32>} : memref<32x200xf32, #tpu.memory_space<vmem>>, vector<1x16xf32>,
      %get3A_297 = vector.shape_cast %get3A_296 : vector<1x16xf32> to vector<16xf32>
      %get3A_298 = arith.index_cast %add3A_52 : i32 to index
      %get3A_299 = arith.constant 160 : index
      %get3A_300 = tpu.vector_load %arg6[%get3A_298, %get3A_299] {strides = array<i32>} : memref<32x200xf32, #tpu.memory_space<vmem>>, vector<1x16xf32>,
      %get3A_301 = vector.shape_cast %get3A_300 : vector<1x16xf32> to vector<16xf32>
      %mul3A_302 = arith.constant 1.000000e+00 : f32
      %mul3A_303 = vector.broadcast %mul3A_302 : f32 to vector<16xf32>
      %mul3A_304 = arith.mulf %mul3A_303, %get3A_301 : vector<16xf32>
      %sub3A_305 = arith.subf %get3A_297, %mul3A_304 : vector<16xf32>
      %add3A_306 = arith.constant 160 : i32
      %add3A_307 = arith.addi %mul3A_54, %add3A_306 : i32
      %swap3A_308 = arith.index_cast %add3A_307 : i32 to index
      %swap3A_309 = tpu.vector_load %arg7[%swap3A_308] {strides = array<i32>} : memref<3968xf32, #tpu.memory_space<vmem>>, vector<16xf32>,
      %swap3A_310 = vector.shape_cast %swap3A_309 : vector<16xf32> to vector<16xf32>
      %swap3A_311 = vector.shape_cast %sub3A_305 : vector<16xf32> to vector<16xf32>
      tpu.vector_store %arg7[%swap3A_308], %swap3A_311 {strides = array<i32>} : memref<3968xf32, #tpu.memory_space<vmem>>, vector<16xf32>,
      %add3A_312 = arith.constant 160 : i32
      %add3A_313 = arith.addi %mul3A_54, %add3A_312 : i32
      %swap3A_314 = arith.index_cast %add3A_313 : i32 to index
      %swap3A_315 = tpu.vector_load %arg8[%swap3A_314] {strides = array<i32>} : memref<3968xf32, #tpu.memory_space<vmem>>, vector<16xf32>,
      %swap3A_316 = vector.shape_cast %swap3A_315 : vector<16xf32> to vector<16xf32>
      %swap3A_317 = vector.shape_cast %get3A_301 : vector<16xf32> to vector<16xf32>
      tpu.vector_store %arg8[%swap3A_314], %swap3A_317 {strides = array<i32>} : memref<3968xf32, #tpu.memory_space<vmem>>, vector<16xf32>,
      %get3A_318 = arith.index_cast %add3A_52 : i32 to index
      %get3A_319 = arith.constant 176 : index
      %get3A_320 = tpu.vector_load %arg5[%get3A_318, %get3A_319] {strides = array<i32>} : memref<32x200xf32, #tpu.memory_space<vmem>>, vector<1x16xf32>,
      %get3A_321 = vector.shape_cast %get3A_320 : vector<1x16xf32> to vector<16xf32>
      %get3A_322 = arith.index_cast %add3A_52 : i32 to index
      %get3A_323 = arith.constant 176 : index
      %get3A_324 = tpu.vector_load %arg6[%get3A_322, %get3A_323] {strides = array<i32>} : memref<32x200xf32, #tpu.memory_space<vmem>>, vector<1x16xf32>,
      %get3A_325 = vector.shape_cast %get3A_324 : vector<1x16xf32> to vector<16xf32>
      %mul3A_326 = arith.constant 1.000000e+00 : f32
      %mul3A_327 = vector.broadcast %mul3A_326 : f32 to vector<16xf32>
      %mul3A_328 = arith.mulf %mul3A_327, %get3A_325 : vector<16xf32>
      %sub3A_329 = arith.subf %get3A_321, %mul3A_328 : vector<16xf32>
      %add3A_330 = arith.constant 176 : i32
      %add3A_331 = arith.addi %mul3A_54, %add3A_330 : i32
      %swap3A_332 = arith.index_cast %add3A_331 : i32 to index
      %swap3A_333 = tpu.vector_load %arg7[%swap3A_332] {strides = array<i32>} : memref<3968xf32, #tpu.memory_space<vmem>>, vector<16xf32>,
      %swap3A_334 = vector.shape_cast %swap3A_333 : vector<16xf32> to vector<16xf32>
      %swap3A_335 = vector.shape_cast %sub3A_329 : vector<16xf32> to vector<16xf32>
      tpu.vector_store %arg7[%swap3A_332], %swap3A_335 {strides = array<i32>} : memref<3968xf32, #tpu.memory_space<vmem>>, vector<16xf32>,
      %add3A_336 = arith.constant 176 : i32
      %add3A_337 = arith.addi %mul3A_54, %add3A_336 : i32
      %swap3A_338 = arith.index_cast %add3A_337 : i32 to index
      %swap3A_339 = tpu.vector_load %arg8[%swap3A_338] {strides = array<i32>} : memref<3968xf32, #tpu.memory_space<vmem>>, vector<16xf32>,
      %swap3A_340 = vector.shape_cast %swap3A_339 : vector<16xf32> to vector<16xf32>
      %swap3A_341 = vector.shape_cast %get3A_325 : vector<16xf32> to vector<16xf32>
      tpu.vector_store %arg8[%swap3A_338], %swap3A_341 {strides = array<i32>} : memref<3968xf32, #tpu.memory_space<vmem>>, vector<16xf32>,
      %add3A_342 = arith.constant 192 : i32
      %add3A_343 = arith.addi %mul3A_54, %add3A_342 : i32
      %swap3A_344 = arith.index_cast %add3A_343 : i32 to index
      %swap3A_345 = tpu.vector_load %arg7[%swap3A_344] {strides = array<i32>} : memref<3968xf32, #tpu.memory_space<vmem>>, vector<16xf32>,
      %swap3A_346 = vector.shape_cast %swap3A_345 : vector<16xf32> to vector<16xf32>
      %swap3A_347 = vector.shape_cast %broadcast_in_dim3A_22 : vector<16xf32> to vector<16xf32>
      tpu.vector_store %arg7[%swap3A_344], %swap3A_347 {strides = array<i32>} : memref<3968xf32, #tpu.memory_space<vmem>>, vector<16xf32>,
      %add3A_348 = arith.constant 192 : i32
      %add3A_349 = arith.addi %mul3A_54, %add3A_348 : i32
      %swap3A_350 = arith.index_cast %add3A_349 : i32 to index
      %swap3A_351 = tpu.vector_load %arg8[%swap3A_350] {strides = array<i32>} : memref<3968xf32, #tpu.memory_space<vmem>>, vector<16xf32>,
      %swap3A_352 = vector.shape_cast %swap3A_351 : vector<16xf32> to vector<16xf32>
      %swap3A_353 = vector.shape_cast %broadcast_in_dim3A_22 : vector<16xf32> to vector<16xf32>
      tpu.vector_store %arg8[%swap3A_350], %swap3A_353 {strides = array<i32>} : memref<3968xf32, #tpu.memory_space<vmem>>, vector<16xf32>,
      %get3A_354 = arith.index_cast %add3A_52 : i32 to index
      %get3A_355 = arith.constant 184 : index
      %get3A_356 = tpu.vector_load %arg5[%get3A_354, %get3A_355] {strides = array<i32>} : memref<32x200xf32, #tpu.memory_space<vmem>>, vector<1x16xf32>,
      %get3A_357 = vector.shape_cast %get3A_356 : vector<1x16xf32> to vector<16xf32>
      %get3A_358 = arith.index_cast %add3A_52 : i32 to index
      %get3A_359 = arith.constant 184 : index
      %get3A_360 = tpu.vector_load %arg6[%get3A_358, %get3A_359] {strides = array<i32>} : memref<32x200xf32, #tpu.memory_space<vmem>>, vector<1x16xf32>,
      %get3A_361 = vector.shape_cast %get3A_360 : vector<1x16xf32> to vector<16xf32>
      %mul3A_362 = arith.constant 1.000000e+00 : f32
      %mul3A_363 = vector.broadcast %mul3A_362 : f32 to vector<16xf32>
      %mul3A_364 = arith.mulf %mul3A_363, %get3A_361 : vector<16xf32>
      %sub3A_365 = arith.subf %get3A_357, %mul3A_364 : vector<16xf32>
      %add3A_366 = arith.constant 184 : i32
      %add3A_367 = arith.addi %mul3A_54, %add3A_366 : i32
      %swap3A_368 = arith.index_cast %add3A_367 : i32 to index
      %swap3A_369 = tpu.vector_load %arg7[%swap3A_368] {strides = array<i32>} : memref<3968xf32, #tpu.memory_space<vmem>>, vector<16xf32>,
      %swap3A_370 = vector.shape_cast %swap3A_369 : vector<16xf32> to vector<16xf32>
      %swap3A_371 = vector.shape_cast %sub3A_365 : vector<16xf32> to vector<16xf32>
      tpu.vector_store %arg7[%swap3A_368], %swap3A_371 {strides = array<i32>} : memref<3968xf32, #tpu.memory_space<vmem>>, vector<16xf32>,
      %add3A_372 = arith.constant 184 : i32
      %add3A_373 = arith.addi %mul3A_54, %add3A_372 : i32
      %swap3A_374 = arith.index_cast %add3A_373 : i32 to index
      %swap3A_375 = tpu.vector_load %arg8[%swap3A_374] {strides = array<i32>} : memref<3968xf32, #tpu.memory_space<vmem>>, vector<16xf32>,
      %swap3A_376 = vector.shape_cast %swap3A_375 : vector<16xf32> to vector<16xf32>
      %swap3A_377 = vector.shape_cast %get3A_361 : vector<16xf32> to vector<16xf32>
      tpu.vector_store %arg8[%swap3A_374], %swap3A_377 {strides = array<i32>} : memref<3968xf32, #tpu.memory_space<vmem>>, vector<16xf32>,
    }
    %scan3A_27 = arith.constant 19 : i32
    %broadcast_in_dim3A_28 = arith.constant 0.000000e+00 : f32
    %broadcast_in_dim3A_29 = vector.broadcast %broadcast_in_dim3A_28 : f32 to vector<16xf32>
    %scan3A_30 = arith.constant 0 : i32
    %scan3A_31 = arith.constant 19 : i32
    %scan3A_32 = arith.addi %scan3A_30, %scan3A_31 : i32
    %scan3A_33 = arith.constant 1 : i32
    %scan3A_34:13 = scf.for %scan3A_51 = %scan3A_30 to %scan3A_32 step %scan3A_33 iter_args(%scan3A_52 = %broadcast_in_dim3A_29, %scan3A_53 = %broadcast_in_dim3A_29, %scan3A_54 = %broadcast_in_dim3A_29, %scan3A_55 = %broadcast_in_dim3A_29, %scan3A_56 = %broadcast_in_dim3A_29, %scan3A_57 = %broadcast_in_dim3A_29, %scan3A_58 = %broadcast_in_dim3A_29, %scan3A_59 = %broadcast_in_dim3A_29, %scan3A_60 = %broadcast_in_dim3A_29, %scan3A_61 = %broadcast_in_dim3A_29, %scan3A_62 = %broadcast_in_dim3A_29, %scan3A_63 = %broadcast_in_dim3A_29, %scan3A_64 = %broadcast_in_dim3A_29) -> (vector<16xf32>, vector<16xf32>, vector<16xf32>, vector<16xf32>, vector<16xf32>, vector<16xf32>, vector<16xf32>, vector<16xf32>, vector<16xf32>, vector<16xf32>, vector<16xf32>, vector<16xf32>, vector<16xf32>)  : i32 {
      %mul3A_65 = arith.constant 208 : i32
      %mul3A_66 = arith.muli %scan3A_51, %mul3A_65 : i32
      %add3A_67 = arith.constant 0 : i32
      %add3A_68 = arith.addi %mul3A_66, %add3A_67 : i32
      %get3A = arith.index_cast %add3A_68 : i32 to index
      %get3A_69 = tpu.vector_load %arg7[%get3A] {strides = array<i32>} : memref<3968xf32, #tpu.memory_space<vmem>>, vector<16xf32>,
      %get3A_70 = vector.shape_cast %get3A_69 : vector<16xf32> to vector<16xf32>
      %add3A_71 = arith.constant 16 : i32
      %add3A_72 = arith.addi %mul3A_66, %add3A_71 : i32
      %get3A_73 = arith.index_cast %add3A_72 : i32 to index
      %get3A_74 = tpu.vector_load %arg7[%get3A_73] {strides = array<i32>} : memref<3968xf32, #tpu.memory_space<vmem>>, vector<16xf32>,
      %get3A_75 = vector.shape_cast %get3A_74 : vector<16xf32> to vector<16xf32>
      %add3A_76 = arith.constant 32 : i32
      %add3A_77 = arith.addi %mul3A_66, %add3A_76 : i32
      %get3A_78 = arith.index_cast %add3A_77 : i32 to index
      %get3A_79 = tpu.vector_load %arg7[%get3A_78] {strides = array<i32>} : memref<3968xf32, #tpu.memory_space<vmem>>, vector<16xf32>,
      %get3A_80 = vector.shape_cast %get3A_79 : vector<16xf32> to vector<16xf32>
      %add3A_81 = arith.constant 48 : i32
      %add3A_82 = arith.addi %mul3A_66, %add3A_81 : i32
      %get3A_83 = arith.index_cast %add3A_82 : i32 to index
      %get3A_84 = tpu.vector_load %arg7[%get3A_83] {strides = array<i32>} : memref<3968xf32, #tpu.memory_space<vmem>>, vector<16xf32>,
      %get3A_85 = vector.shape_cast %get3A_84 : vector<16xf32> to vector<16xf32>
      %add3A_86 = arith.constant 64 : i32
      %add3A_87 = arith.addi %mul3A_66, %add3A_86 : i32
      %get3A_88 = arith.index_cast %add3A_87 : i32 to index
      %get3A_89 = tpu.vector_load %arg7[%get3A_88] {strides = array<i32>} : memref<3968xf32, #tpu.memory_space<vmem>>, vector<16xf32>,
      %get3A_90 = vector.shape_cast %get3A_89 : vector<16xf32> to vector<16xf32>
      %add3A_91 = arith.constant 80 : i32
      %add3A_92 = arith.addi %mul3A_66, %add3A_91 : i32
      %get3A_93 = arith.index_cast %add3A_92 : i32 to index
      %get3A_94 = tpu.vector_load %arg7[%get3A_93] {strides = array<i32>} : memref<3968xf32, #tpu.memory_space<vmem>>, vector<16xf32>,
      %get3A_95 = vector.shape_cast %get3A_94 : vector<16xf32> to vector<16xf32>
      %add3A_96 = arith.constant 96 : i32
      %add3A_97 = arith.addi %mul3A_66, %add3A_96 : i32
      %get3A_98 = arith.index_cast %add3A_97 : i32 to index
      %get3A_99 = tpu.vector_load %arg7[%get3A_98] {strides = array<i32>} : memref<3968xf32, #tpu.memory_space<vmem>>, vector<16xf32>,
      %get3A_100 = vector.shape_cast %get3A_99 : vector<16xf32> to vector<16xf32>
      %add3A_101 = arith.constant 112 : i32
      %add3A_102 = arith.addi %mul3A_66, %add3A_101 : i32
      %get3A_103 = arith.index_cast %add3A_102 : i32 to index
      %get3A_104 = tpu.vector_load %arg7[%get3A_103] {strides = array<i32>} : memref<3968xf32, #tpu.memory_space<vmem>>, vector<16xf32>,
      %get3A_105 = vector.shape_cast %get3A_104 : vector<16xf32> to vector<16xf32>
      %add3A_106 = arith.constant 128 : i32
      %add3A_107 = arith.addi %mul3A_66, %add3A_106 : i32
      %get3A_108 = arith.index_cast %add3A_107 : i32 to index
      %get3A_109 = tpu.vector_load %arg7[%get3A_108] {strides = array<i32>} : memref<3968xf32, #tpu.memory_space<vmem>>, vector<16xf32>,
      %get3A_110 = vector.shape_cast %get3A_109 : vector<16xf32> to vector<16xf32>
      %add3A_111 = arith.constant 144 : i32
      %add3A_112 = arith.addi %mul3A_66, %add3A_111 : i32
      %get3A_113 = arith.index_cast %add3A_112 : i32 to index
      %get3A_114 = tpu.vector_load %arg7[%get3A_113] {strides = array<i32>} : memref<3968xf32, #tpu.memory_space<vmem>>, vector<16xf32>,
      %get3A_115 = vector.shape_cast %get3A_114 : vector<16xf32> to vector<16xf32>
      %add3A_116 = arith.constant 160 : i32
      %add3A_117 = arith.addi %mul3A_66, %add3A_116 : i32
      %get3A_118 = arith.index_cast %add3A_117 : i32 to index
      %get3A_119 = tpu.vector_load %arg7[%get3A_118] {strides = array<i32>} : memref<3968xf32, #tpu.memory_space<vmem>>, vector<16xf32>,
      %get3A_120 = vector.shape_cast %get3A_119 : vector<16xf32> to vector<16xf32>
      %add3A_121 = arith.constant 176 : i32
      %add3A_122 = arith.addi %mul3A_66, %add3A_121 : i32
      %get3A_123 = arith.index_cast %add3A_122 : i32 to index
      %get3A_124 = tpu.vector_load %arg7[%get3A_123] {strides = array<i32>} : memref<3968xf32, #tpu.memory_space<vmem>>, vector<16xf32>,
      %get3A_125 = vector.shape_cast %get3A_124 : vector<16xf32> to vector<16xf32>
      %add3A_126 = arith.constant 192 : i32
      %add3A_127 = arith.addi %mul3A_66, %add3A_126 : i32
      %get3A_128 = arith.index_cast %add3A_127 : i32 to index
      %get3A_129 = tpu.vector_load %arg7[%get3A_128] {strides = array<i32>} : memref<3968xf32, #tpu.memory_space<vmem>>, vector<16xf32>,
      %get3A_130 = vector.shape_cast %get3A_129 : vector<16xf32> to vector<16xf32>
      %add3A_131 = arith.constant 0 : i32
      %add3A_132 = arith.addi %mul3A_66, %add3A_131 : i32
      %get3A_133 = arith.index_cast %add3A_132 : i32 to index
      %get3A_134 = tpu.vector_load %arg8[%get3A_133] {strides = array<i32>} : memref<3968xf32, #tpu.memory_space<vmem>>, vector<16xf32>,
      %get3A_135 = vector.shape_cast %get3A_134 : vector<16xf32> to vector<16xf32>
      %add3A_136 = arith.constant 16 : i32
      %add3A_137 = arith.addi %mul3A_66, %add3A_136 : i32
      %get3A_138 = arith.index_cast %add3A_137 : i32 to index
      %get3A_139 = tpu.vector_load %arg8[%get3A_138] {strides = array<i32>} : memref<3968xf32, #tpu.memory_space<vmem>>, vector<16xf32>,
      %get3A_140 = vector.shape_cast %get3A_139 : vector<16xf32> to vector<16xf32>
      %add3A_141 = arith.constant 32 : i32
      %add3A_142 = arith.addi %mul3A_66, %add3A_141 : i32
      %get3A_143 = arith.index_cast %add3A_142 : i32 to index
      %get3A_144 = tpu.vector_load %arg8[%get3A_143] {strides = array<i32>} : memref<3968xf32, #tpu.memory_space<vmem>>, vector<16xf32>,
      %get3A_145 = vector.shape_cast %get3A_144 : vector<16xf32> to vector<16xf32>
      %add3A_146 = arith.constant 48 : i32
      %add3A_147 = arith.addi %mul3A_66, %add3A_146 : i32
      %get3A_148 = arith.index_cast %add3A_147 : i32 to index
      %get3A_149 = tpu.vector_load %arg8[%get3A_148] {strides = array<i32>} : memref<3968xf32, #tpu.memory_space<vmem>>, vector<16xf32>,
      %get3A_150 = vector.shape_cast %get3A_149 : vector<16xf32> to vector<16xf32>
      %add3A_151 = arith.constant 64 : i32
      %add3A_152 = arith.addi %mul3A_66, %add3A_151 : i32
      %get3A_153 = arith.index_cast %add3A_152 : i32 to index
      %get3A_154 = tpu.vector_load %arg8[%get3A_153] {strides = array<i32>} : memref<3968xf32, #tpu.memory_space<vmem>>, vector<16xf32>,
      %get3A_155 = vector.shape_cast %get3A_154 : vector<16xf32> to vector<16xf32>
      %add3A_156 = arith.constant 80 : i32
      %add3A_157 = arith.addi %mul3A_66, %add3A_156 : i32
      %get3A_158 = arith.index_cast %add3A_157 : i32 to index
      %get3A_159 = tpu.vector_load %arg8[%get3A_158] {strides = array<i32>} : memref<3968xf32, #tpu.memory_space<vmem>>, vector<16xf32>,
      %get3A_160 = vector.shape_cast %get3A_159 : vector<16xf32> to vector<16xf32>
      %add3A_161 = arith.constant 96 : i32
      %add3A_162 = arith.addi %mul3A_66, %add3A_161 : i32
      %get3A_163 = arith.index_cast %add3A_162 : i32 to index
      %get3A_164 = tpu.vector_load %arg8[%get3A_163] {strides = array<i32>} : memref<3968xf32, #tpu.memory_space<vmem>>, vector<16xf32>,
      %get3A_165 = vector.shape_cast %get3A_164 : vector<16xf32> to vector<16xf32>
      %add3A_166 = arith.constant 112 : i32
      %add3A_167 = arith.addi %mul3A_66, %add3A_166 : i32
      %get3A_168 = arith.index_cast %add3A_167 : i32 to index
      %get3A_169 = tpu.vector_load %arg8[%get3A_168] {strides = array<i32>} : memref<3968xf32, #tpu.memory_space<vmem>>, vector<16xf32>,
      %get3A_170 = vector.shape_cast %get3A_169 : vector<16xf32> to vector<16xf32>
      %add3A_171 = arith.constant 128 : i32
      %add3A_172 = arith.addi %mul3A_66, %add3A_171 : i32
      %get3A_173 = arith.index_cast %add3A_172 : i32 to index
      %get3A_174 = tpu.vector_load %arg8[%get3A_173] {strides = array<i32>} : memref<3968xf32, #tpu.memory_space<vmem>>, vector<16xf32>,
      %get3A_175 = vector.shape_cast %get3A_174 : vector<16xf32> to vector<16xf32>
      %add3A_176 = arith.constant 144 : i32
      %add3A_177 = arith.addi %mul3A_66, %add3A_176 : i32
      %get3A_178 = arith.index_cast %add3A_177 : i32 to index
      %get3A_179 = tpu.vector_load %arg8[%get3A_178] {strides = array<i32>} : memref<3968xf32, #tpu.memory_space<vmem>>, vector<16xf32>,
      %get3A_180 = vector.shape_cast %get3A_179 : vector<16xf32> to vector<16xf32>
      %add3A_181 = arith.constant 160 : i32
      %add3A_182 = arith.addi %mul3A_66, %add3A_181 : i32
      %get3A_183 = arith.index_cast %add3A_182 : i32 to index
      %get3A_184 = tpu.vector_load %arg8[%get3A_183] {strides = array<i32>} : memref<3968xf32, #tpu.memory_space<vmem>>, vector<16xf32>,
      %get3A_185 = vector.shape_cast %get3A_184 : vector<16xf32> to vector<16xf32>
      %add3A_186 = arith.constant 176 : i32
      %add3A_187 = arith.addi %mul3A_66, %add3A_186 : i32
      %get3A_188 = arith.index_cast %add3A_187 : i32 to index
      %get3A_189 = tpu.vector_load %arg8[%get3A_188] {strides = array<i32>} : memref<3968xf32, #tpu.memory_space<vmem>>, vector<16xf32>,
      %get3A_190 = vector.shape_cast %get3A_189 : vector<16xf32> to vector<16xf32>
      %add3A_191 = arith.constant 192 : i32
      %add3A_192 = arith.addi %mul3A_66, %add3A_191 : i32
      %get3A_193 = arith.index_cast %add3A_192 : i32 to index
      %get3A_194 = tpu.vector_load %arg8[%get3A_193] {strides = array<i32>} : memref<3968xf32, #tpu.memory_space<vmem>>, vector<16xf32>,
      %get3A_195 = vector.shape_cast %get3A_194 : vector<16xf32> to vector<16xf32>
      %scan3A_196 = arith.constant 0 : i32
      %scan3A_197 = arith.constant 16 : i32
      %scan3A_198 = arith.addi %scan3A_196, %scan3A_197 : i32
      %scan3A_199 = arith.constant 1 : i32
      %scan3A_200:13 = scf.for %scan3A_274 = %scan3A_196 to %scan3A_198 step %scan3A_199 iter_args(%scan3A_275 = %scan3A_52, %scan3A_276 = %scan3A_53, %scan3A_277 = %scan3A_54, %scan3A_278 = %scan3A_55, %scan3A_279 = %scan3A_56, %scan3A_280 = %scan3A_57, %scan3A_281 = %scan3A_58, %scan3A_282 = %scan3A_59, %scan3A_283 = %scan3A_60, %scan3A_284 = %scan3A_61, %scan3A_285 = %scan3A_62, %scan3A_286 = %scan3A_63, %scan3A_287 = %scan3A_64) -> (vector<16xf32>, vector<16xf32>, vector<16xf32>, vector<16xf32>, vector<16xf32>, vector<16xf32>, vector<16xf32>, vector<16xf32>, vector<16xf32>, vector<16xf32>, vector<16xf32>, vector<16xf32>, vector<16xf32>)  : i32 {
        %add3A_288 = arith.constant 0 : i32
        %add3A_289 = arith.addi %mul3A_66, %add3A_288 : i32
        %add3A_290 = arith.addi %add3A_289, %scan3A_274 : i32
        %get3A_291 = arith.index_cast %add3A_290 : i32 to index
        %get3A_292 = tpu.vector_load %arg7[%get3A_291] {strides = array<i32>} : memref<3968xf32, #tpu.memory_space<vmem>>, vector<16xf32>,
        %get3A_293 = vector.shape_cast %get3A_292 : vector<16xf32> to vector<16xf32>
        %slice3A = vector.extract_strided_slice %get3A_293 {offsets = [0], sizes = [1], strides = [1]} : vector<16xf32> to vector<1xf32>
        %squeeze3A = vector.extract %slice3A[0] : f32 from vector<1xf32>
        %broadcast_in_dim3A_294 = vector.broadcast %squeeze3A : f32 to vector<16xf32>
        %get3A_295 = arith.index_cast %add3A_290 : i32 to index
        %get3A_296 = tpu.vector_load %arg8[%get3A_295] {strides = array<i32>} : memref<3968xf32, #tpu.memory_space<vmem>>, vector<16xf32>,
        %get3A_297 = vector.shape_cast %get3A_296 : vector<16xf32> to vector<16xf32>
        %slice3A_298 = vector.extract_strided_slice %get3A_297 {offsets = [0], sizes = [1], strides = [1]} : vector<16xf32> to vector<1xf32>
        %squeeze3A_299 = vector.extract %slice3A_298[0] : f32 from vector<1xf32>
        %broadcast_in_dim3A_300 = vector.broadcast %squeeze3A_299 : f32 to vector<16xf32>
        %broadcast_in_dim3A_301 = vector.broadcast %scan3A_274 : i32 to vector<16xi32>
        %gt3A = arith.cmpi sgt, %iota3A, %broadcast_in_dim3A_301 : vector<16xi32>
        %sub3A_302 = arith.subf %broadcast_in_dim3A_294, %get3A_70 : vector<16xf32>
        %le3A = arith.cmpf ole, %broadcast_in_dim3A_300, %get3A_135 : vector<16xf32>
        %neg3A = arith.constant 0.000000e+00 : f32
        %neg3A_303 = vector.broadcast %neg3A : f32 to vector<16xf32>
        %neg3A_304 = arith.subf %neg3A_303, %sub3A_302 : vector<16xf32>
        %select_n3A_305 = arith.select %le3A, %sub3A_302, %neg3A_304 : vector<16xi1>, vector<16xf32>
        %max3A = arith.constant 0.000000e+00 : f32
        %max3A_306 = vector.broadcast %max3A : f32 to vector<16xf32>
        %max3A_307 = arith.maximumf %select_n3A_305, %max3A_306 : vector<16xf32>
        %select_n3A_308 = arith.select %gt3A, %max3A_307, %broadcast_in_dim3A_29 : vector<16xi1>, vector<16xf32>
        %add3A_309 = arith.addf %scan3A_275, %select_n3A_308 : vector<16xf32>
        %sub3A_310 = arith.subf %broadcast_in_dim3A_294, %get3A_75 : vector<16xf32>
        %le3A_311 = arith.cmpf ole, %broadcast_in_dim3A_300, %get3A_140 : vector<16xf32>
        %neg3A_312 = arith.constant 0.000000e+00 : f32
        %neg3A_313 = vector.broadcast %neg3A_312 : f32 to vector<16xf32>
        %neg3A_314 = arith.subf %neg3A_313, %sub3A_310 : vector<16xf32>
        %select_n3A_315 = arith.select %le3A_311, %sub3A_310, %neg3A_314 : vector<16xi1>, vector<16xf32>
        %max3A_316 = arith.constant 0.000000e+00 : f32
        %max3A_317 = vector.broadcast %max3A_316 : f32 to vector<16xf32>
        %max3A_318 = arith.maximumf %select_n3A_315, %max3A_317 : vector<16xf32>
        %add3A_319 = arith.addf %scan3A_276, %max3A_318 : vector<16xf32>
        %sub3A_320 = arith.subf %broadcast_in_dim3A_294, %get3A_80 : vector<16xf32>
        %le3A_321 = arith.cmpf ole, %broadcast_in_dim3A_300, %get3A_145 : vector<16xf32>
        %neg3A_322 = arith.constant 0.000000e+00 : f32
        %neg3A_323 = vector.broadcast %neg3A_322 : f32 to vector<16xf32>
        %neg3A_324 = arith.subf %neg3A_323, %sub3A_320 : vector<16xf32>
        %select_n3A_325 = arith.select %le3A_321, %sub3A_320, %neg3A_324 : vector<16xi1>, vector<16xf32>
        %max3A_326 = arith.constant 0.000000e+00 : f32
        %max3A_327 = vector.broadcast %max3A_326 : f32 to vector<16xf32>
        %max3A_328 = arith.maximumf %select_n3A_325, %max3A_327 : vector<16xf32>
        %add3A_329 = arith.addf %scan3A_277, %max3A_328 : vector<16xf32>
        %sub3A_330 = arith.subf %broadcast_in_dim3A_294, %get3A_85 : vector<16xf32>
        %le3A_331 = arith.cmpf ole, %broadcast_in_dim3A_300, %get3A_150 : vector<16xf32>
        %neg3A_332 = arith.constant 0.000000e+00 : f32
        %neg3A_333 = vector.broadcast %neg3A_332 : f32 to vector<16xf32>
        %neg3A_334 = arith.subf %neg3A_333, %sub3A_330 : vector<16xf32>
        %select_n3A_335 = arith.select %le3A_331, %sub3A_330, %neg3A_334 : vector<16xi1>, vector<16xf32>
        %max3A_336 = arith.constant 0.000000e+00 : f32
        %max3A_337 = vector.broadcast %max3A_336 : f32 to vector<16xf32>
        %max3A_338 = arith.maximumf %select_n3A_335, %max3A_337 : vector<16xf32>
        %add3A_339 = arith.addf %scan3A_278, %max3A_338 : vector<16xf32>
        %sub3A_340 = arith.subf %broadcast_in_dim3A_294, %get3A_90 : vector<16xf32>
        %le3A_341 = arith.cmpf ole, %broadcast_in_dim3A_300, %get3A_155 : vector<16xf32>
        %neg3A_342 = arith.constant 0.000000e+00 : f32
        %neg3A_343 = vector.broadcast %neg3A_342 : f32 to vector<16xf32>
        %neg3A_344 = arith.subf %neg3A_343, %sub3A_340 : vector<16xf32>
        %select_n3A_345 = arith.select %le3A_341, %sub3A_340, %neg3A_344 : vector<16xi1>, vector<16xf32>
        %max3A_346 = arith.constant 0.000000e+00 : f32
        %max3A_347 = vector.broadcast %max3A_346 : f32 to vector<16xf32>
        %max3A_348 = arith.maximumf %select_n3A_345, %max3A_347 : vector<16xf32>
        %add3A_349 = arith.addf %scan3A_279, %max3A_348 : vector<16xf32>
        %sub3A_350 = arith.subf %broadcast_in_dim3A_294, %get3A_95 : vector<16xf32>
        %le3A_351 = arith.cmpf ole, %broadcast_in_dim3A_300, %get3A_160 : vector<16xf32>
        %neg3A_352 = arith.constant 0.000000e+00 : f32
        %neg3A_353 = vector.broadcast %neg3A_352 : f32 to vector<16xf32>
        %neg3A_354 = arith.subf %neg3A_353, %sub3A_350 : vector<16xf32>
        %select_n3A_355 = arith.select %le3A_351, %sub3A_350, %neg3A_354 : vector<16xi1>, vector<16xf32>
        %max3A_356 = arith.constant 0.000000e+00 : f32
        %max3A_357 = vector.broadcast %max3A_356 : f32 to vector<16xf32>
        %max3A_358 = arith.maximumf %select_n3A_355, %max3A_357 : vector<16xf32>
        %add3A_359 = arith.addf %scan3A_280, %max3A_358 : vector<16xf32>
        %sub3A_360 = arith.subf %broadcast_in_dim3A_294, %get3A_100 : vector<16xf32>
        %le3A_361 = arith.cmpf ole, %broadcast_in_dim3A_300, %get3A_165 : vector<16xf32>
        %neg3A_362 = arith.constant 0.000000e+00 : f32
        %neg3A_363 = vector.broadcast %neg3A_362 : f32 to vector<16xf32>
        %neg3A_364 = arith.subf %neg3A_363, %sub3A_360 : vector<16xf32>
        %select_n3A_365 = arith.select %le3A_361, %sub3A_360, %neg3A_364 : vector<16xi1>, vector<16xf32>
        %max3A_366 = arith.constant 0.000000e+00 : f32
        %max3A_367 = vector.broadcast %max3A_366 : f32 to vector<16xf32>
        %max3A_368 = arith.maximumf %select_n3A_365, %max3A_367 : vector<16xf32>
        %add3A_369 = arith.addf %scan3A_281, %max3A_368 : vector<16xf32>
        %sub3A_370 = arith.subf %broadcast_in_dim3A_294, %get3A_105 : vector<16xf32>
        %le3A_371 = arith.cmpf ole, %broadcast_in_dim3A_300, %get3A_170 : vector<16xf32>
        %neg3A_372 = arith.constant 0.000000e+00 : f32
        %neg3A_373 = vector.broadcast %neg3A_372 : f32 to vector<16xf32>
        %neg3A_374 = arith.subf %neg3A_373, %sub3A_370 : vector<16xf32>
        %select_n3A_375 = arith.select %le3A_371, %sub3A_370, %neg3A_374 : vector<16xi1>, vector<16xf32>
        %max3A_376 = arith.constant 0.000000e+00 : f32
        %max3A_377 = vector.broadcast %max3A_376 : f32 to vector<16xf32>
        %max3A_378 = arith.maximumf %select_n3A_375, %max3A_377 : vector<16xf32>
        %add3A_379 = arith.addf %scan3A_282, %max3A_378 : vector<16xf32>
        %sub3A_380 = arith.subf %broadcast_in_dim3A_294, %get3A_110 : vector<16xf32>
        %le3A_381 = arith.cmpf ole, %broadcast_in_dim3A_300, %get3A_175 : vector<16xf32>
        %neg3A_382 = arith.constant 0.000000e+00 : f32
        %neg3A_383 = vector.broadcast %neg3A_382 : f32 to vector<16xf32>
        %neg3A_384 = arith.subf %neg3A_383, %sub3A_380 : vector<16xf32>
        %select_n3A_385 = arith.select %le3A_381, %sub3A_380, %neg3A_384 : vector<16xi1>, vector<16xf32>
        %max3A_386 = arith.constant 0.000000e+00 : f32
        %max3A_387 = vector.broadcast %max3A_386 : f32 to vector<16xf32>
        %max3A_388 = arith.maximumf %select_n3A_385, %max3A_387 : vector<16xf32>
        %add3A_389 = arith.addf %scan3A_283, %max3A_388 : vector<16xf32>
        %sub3A_390 = arith.subf %broadcast_in_dim3A_294, %get3A_115 : vector<16xf32>
        %le3A_391 = arith.cmpf ole, %broadcast_in_dim3A_300, %get3A_180 : vector<16xf32>
        %neg3A_392 = arith.constant 0.000000e+00 : f32
        %neg3A_393 = vector.broadcast %neg3A_392 : f32 to vector<16xf32>
        %neg3A_394 = arith.subf %neg3A_393, %sub3A_390 : vector<16xf32>
        %select_n3A_395 = arith.select %le3A_391, %sub3A_390, %neg3A_394 : vector<16xi1>, vector<16xf32>
        %max3A_396 = arith.constant 0.000000e+00 : f32
        %max3A_397 = vector.broadcast %max3A_396 : f32 to vector<16xf32>
        %max3A_398 = arith.maximumf %select_n3A_395, %max3A_397 : vector<16xf32>
        %add3A_399 = arith.addf %scan3A_284, %max3A_398 : vector<16xf32>
        %sub3A_400 = arith.subf %broadcast_in_dim3A_294, %get3A_120 : vector<16xf32>
        %le3A_401 = arith.cmpf ole, %broadcast_in_dim3A_300, %get3A_185 : vector<16xf32>
        %neg3A_402 = arith.constant 0.000000e+00 : f32
        %neg3A_403 = vector.broadcast %neg3A_402 : f32 to vector<16xf32>
        %neg3A_404 = arith.subf %neg3A_403, %sub3A_400 : vector<16xf32>
        %select_n3A_405 = arith.select %le3A_401, %sub3A_400, %neg3A_404 : vector<16xi1>, vector<16xf32>
        %max3A_406 = arith.constant 0.000000e+00 : f32
        %max3A_407 = vector.broadcast %max3A_406 : f32 to vector<16xf32>
        %max3A_408 = arith.maximumf %select_n3A_405, %max3A_407 : vector<16xf32>
        %add3A_409 = arith.addf %scan3A_285, %max3A_408 : vector<16xf32>
        %sub3A_410 = arith.subf %broadcast_in_dim3A_294, %get3A_125 : vector<16xf32>
        %le3A_411 = arith.cmpf ole, %broadcast_in_dim3A_300, %get3A_190 : vector<16xf32>
        %neg3A_412 = arith.constant 0.000000e+00 : f32
        %neg3A_413 = vector.broadcast %neg3A_412 : f32 to vector<16xf32>
        %neg3A_414 = arith.subf %neg3A_413, %sub3A_410 : vector<16xf32>
        %select_n3A_415 = arith.select %le3A_411, %sub3A_410, %neg3A_414 : vector<16xi1>, vector<16xf32>
        %max3A_416 = arith.constant 0.000000e+00 : f32
        %max3A_417 = vector.broadcast %max3A_416 : f32 to vector<16xf32>
        %max3A_418 = arith.maximumf %select_n3A_415, %max3A_417 : vector<16xf32>
        %add3A_419 = arith.addf %scan3A_286, %max3A_418 : vector<16xf32>
        %sub3A_420 = arith.subf %broadcast_in_dim3A_294, %get3A_130 : vector<16xf32>
        %le3A_421 = arith.cmpf ole, %broadcast_in_dim3A_300, %get3A_195 : vector<16xf32>
        %neg3A_422 = arith.constant 0.000000e+00 : f32
        %neg3A_423 = vector.broadcast %neg3A_422 : f32 to vector<16xf32>
        %neg3A_424 = arith.subf %neg3A_423, %sub3A_420 : vector<16xf32>
        %select_n3A_425 = arith.select %le3A_421, %sub3A_420, %neg3A_424 : vector<16xi1>, vector<16xf32>
        %max3A_426 = arith.constant 0.000000e+00 : f32
        %max3A_427 = vector.broadcast %max3A_426 : f32 to vector<16xf32>
        %max3A_428 = arith.maximumf %select_n3A_425, %max3A_427 : vector<16xf32>
        %add3A_429 = arith.addf %scan3A_287, %max3A_428 : vector<16xf32>
        scf.yield %add3A_309, %add3A_319, %add3A_329, %add3A_339, %add3A_349, %add3A_359, %add3A_369, %add3A_379, %add3A_389, %add3A_399, %add3A_409, %add3A_419, %add3A_429 : vector<16xf32>, vector<16xf32>, vector<16xf32>, vector<16xf32>, vector<16xf32>, vector<16xf32>, vector<16xf32>, vector<16xf32>, vector<16xf32>, vector<16xf32>, vector<16xf32>, vector<16xf32>, vector<16xf32>
      }
      %scan3A_201 = arith.constant 16 : i32
      %scan3A_202 = arith.constant 0 : i32
      %scan3A_203 = arith.constant 16 : i32
      %scan3A_204 = arith.addi %scan3A_202, %scan3A_203 : i32
      %scan3A_205 = arith.constant 1 : i32
      %scan3A_206:12 = scf.for %scan3A_274 = %scan3A_202 to %scan3A_204 step %scan3A_205 iter_args(%scan3A_275 = %scan3A_200#1, %scan3A_276 = %scan3A_200#2, %scan3A_277 = %scan3A_200#3, %scan3A_278 = %scan3A_200#4, %scan3A_279 = %scan3A_200#5, %scan3A_280 = %scan3A_200#6, %scan3A_281 = %scan3A_200#7, %scan3A_282 = %scan3A_200#8, %scan3A_283 = %scan3A_200#9, %scan3A_284 = %scan3A_200#10, %scan3A_285 = %scan3A_200#11, %scan3A_286 = %scan3A_200#12) -> (vector<16xf32>, vector<16xf32>, vector<16xf32>, vector<16xf32>, vector<16xf32>, vector<16xf32>, vector<16xf32>, vector<16xf32>, vector<16xf32>, vector<16xf32>, vector<16xf32>, vector<16xf32>)  : i32 {
        %add3A_287 = arith.constant 16 : i32
        %add3A_288 = arith.addi %mul3A_66, %add3A_287 : i32
        %add3A_289 = arith.addi %add3A_288, %scan3A_274 : i32
        %get3A_290 = arith.index_cast %add3A_289 : i32 to index
        %get3A_291 = tpu.vector_load %arg7[%get3A_290] {strides = array<i32>} : memref<3968xf32, #tpu.memory_space<vmem>>, vector<16xf32>,
        %get3A_292 = vector.shape_cast %get3A_291 : vector<16xf32> to vector<16xf32>
        %slice3A = vector.extract_strided_slice %get3A_292 {offsets = [0], sizes = [1], strides = [1]} : vector<16xf32> to vector<1xf32>
        %squeeze3A = vector.extract %slice3A[0] : f32 from vector<1xf32>
        %broadcast_in_dim3A_293 = vector.broadcast %squeeze3A : f32 to vector<16xf32>
        %get3A_294 = arith.index_cast %add3A_289 : i32 to index
        %get3A_295 = tpu.vector_load %arg8[%get3A_294] {strides = array<i32>} : memref<3968xf32, #tpu.memory_space<vmem>>, vector<16xf32>,
        %get3A_296 = vector.shape_cast %get3A_295 : vector<16xf32> to vector<16xf32>
        %slice3A_297 = vector.extract_strided_slice %get3A_296 {offsets = [0], sizes = [1], strides = [1]} : vector<16xf32> to vector<1xf32>
        %squeeze3A_298 = vector.extract %slice3A_297[0] : f32 from vector<1xf32>
        %broadcast_in_dim3A_299 = vector.broadcast %squeeze3A_298 : f32 to vector<16xf32>
        %broadcast_in_dim3A_300 = vector.broadcast %scan3A_274 : i32 to vector<16xi32>
        %gt3A = arith.cmpi sgt, %iota3A, %broadcast_in_dim3A_300 : vector<16xi32>
        %sub3A_301 = arith.subf %broadcast_in_dim3A_293, %get3A_75 : vector<16xf32>
        %le3A = arith.cmpf ole, %broadcast_in_dim3A_299, %get3A_140 : vector<16xf32>
        %neg3A = arith.constant 0.000000e+00 : f32
        %neg3A_302 = vector.broadcast %neg3A : f32 to vector<16xf32>
        %neg3A_303 = arith.subf %neg3A_302, %sub3A_301 : vector<16xf32>
        %select_n3A_304 = arith.select %le3A, %sub3A_301, %neg3A_303 : vector<16xi1>, vector<16xf32>
        %max3A = arith.constant 0.000000e+00 : f32
        %max3A_305 = vector.broadcast %max3A : f32 to vector<16xf32>
        %max3A_306 = arith.maximumf %select_n3A_304, %max3A_305 : vector<16xf32>
        %select_n3A_307 = arith.select %gt3A, %max3A_306, %broadcast_in_dim3A_29 : vector<16xi1>, vector<16xf32>
        %add3A_308 = arith.addf %scan3A_275, %select_n3A_307 : vector<16xf32>
        %sub3A_309 = arith.subf %broadcast_in_dim3A_293, %get3A_80 : vector<16xf32>
        %le3A_310 = arith.cmpf ole, %broadcast_in_dim3A_299, %get3A_145 : vector<16xf32>
        %neg3A_311 = arith.constant 0.000000e+00 : f32
        %neg3A_312 = vector.broadcast %neg3A_311 : f32 to vector<16xf32>
        %neg3A_313 = arith.subf %neg3A_312, %sub3A_309 : vector<16xf32>
        %select_n3A_314 = arith.select %le3A_310, %sub3A_309, %neg3A_313 : vector<16xi1>, vector<16xf32>
        %max3A_315 = arith.constant 0.000000e+00 : f32
        %max3A_316 = vector.broadcast %max3A_315 : f32 to vector<16xf32>
        %max3A_317 = arith.maximumf %select_n3A_314, %max3A_316 : vector<16xf32>
        %add3A_318 = arith.addf %scan3A_276, %max3A_317 : vector<16xf32>
        %sub3A_319 = arith.subf %broadcast_in_dim3A_293, %get3A_85 : vector<16xf32>
        %le3A_320 = arith.cmpf ole, %broadcast_in_dim3A_299, %get3A_150 : vector<16xf32>
        %neg3A_321 = arith.constant 0.000000e+00 : f32
        %neg3A_322 = vector.broadcast %neg3A_321 : f32 to vector<16xf32>
        %neg3A_323 = arith.subf %neg3A_322, %sub3A_319 : vector<16xf32>
        %select_n3A_324 = arith.select %le3A_320, %sub3A_319, %neg3A_323 : vector<16xi1>, vector<16xf32>
        %max3A_325 = arith.constant 0.000000e+00 : f32
        %max3A_326 = vector.broadcast %max3A_325 : f32 to vector<16xf32>
        %max3A_327 = arith.maximumf %select_n3A_324, %max3A_326 : vector<16xf32>
        %add3A_328 = arith.addf %scan3A_277, %max3A_327 : vector<16xf32>
        %sub3A_329 = arith.subf %broadcast_in_dim3A_293, %get3A_90 : vector<16xf32>
        %le3A_330 = arith.cmpf ole, %broadcast_in_dim3A_299, %get3A_155 : vector<16xf32>
        %neg3A_331 = arith.constant 0.000000e+00 : f32
        %neg3A_332 = vector.broadcast %neg3A_331 : f32 to vector<16xf32>
        %neg3A_333 = arith.subf %neg3A_332, %sub3A_329 : vector<16xf32>
        %select_n3A_334 = arith.select %le3A_330, %sub3A_329, %neg3A_333 : vector<16xi1>, vector<16xf32>
        %max3A_335 = arith.constant 0.000000e+00 : f32
        %max3A_336 = vector.broadcast %max3A_335 : f32 to vector<16xf32>
        %max3A_337 = arith.maximumf %select_n3A_334, %max3A_336 : vector<16xf32>
        %add3A_338 = arith.addf %scan3A_278, %max3A_337 : vector<16xf32>
        %sub3A_339 = arith.subf %broadcast_in_dim3A_293, %get3A_95 : vector<16xf32>
        %le3A_340 = arith.cmpf ole, %broadcast_in_dim3A_299, %get3A_160 : vector<16xf32>
        %neg3A_341 = arith.constant 0.000000e+00 : f32
        %neg3A_342 = vector.broadcast %neg3A_341 : f32 to vector<16xf32>
        %neg3A_343 = arith.subf %neg3A_342, %sub3A_339 : vector<16xf32>
        %select_n3A_344 = arith.select %le3A_340, %sub3A_339, %neg3A_343 : vector<16xi1>, vector<16xf32>
        %max3A_345 = arith.constant 0.000000e+00 : f32
        %max3A_346 = vector.broadcast %max3A_345 : f32 to vector<16xf32>
        %max3A_347 = arith.maximumf %select_n3A_344, %max3A_346 : vector<16xf32>
        %add3A_348 = arith.addf %scan3A_279, %max3A_347 : vector<16xf32>
        %sub3A_349 = arith.subf %broadcast_in_dim3A_293, %get3A_100 : vector<16xf32>
        %le3A_350 = arith.cmpf ole, %broadcast_in_dim3A_299, %get3A_165 : vector<16xf32>
        %neg3A_351 = arith.constant 0.000000e+00 : f32
        %neg3A_352 = vector.broadcast %neg3A_351 : f32 to vector<16xf32>
        %neg3A_353 = arith.subf %neg3A_352, %sub3A_349 : vector<16xf32>
        %select_n3A_354 = arith.select %le3A_350, %sub3A_349, %neg3A_353 : vector<16xi1>, vector<16xf32>
        %max3A_355 = arith.constant 0.000000e+00 : f32
        %max3A_356 = vector.broadcast %max3A_355 : f32 to vector<16xf32>
        %max3A_357 = arith.maximumf %select_n3A_354, %max3A_356 : vector<16xf32>
        %add3A_358 = arith.addf %scan3A_280, %max3A_357 : vector<16xf32>
        %sub3A_359 = arith.subf %broadcast_in_dim3A_293, %get3A_105 : vector<16xf32>
        %le3A_360 = arith.cmpf ole, %broadcast_in_dim3A_299, %get3A_170 : vector<16xf32>
        %neg3A_361 = arith.constant 0.000000e+00 : f32
        %neg3A_362 = vector.broadcast %neg3A_361 : f32 to vector<16xf32>
        %neg3A_363 = arith.subf %neg3A_362, %sub3A_359 : vector<16xf32>
        %select_n3A_364 = arith.select %le3A_360, %sub3A_359, %neg3A_363 : vector<16xi1>, vector<16xf32>
        %max3A_365 = arith.constant 0.000000e+00 : f32
        %max3A_366 = vector.broadcast %max3A_365 : f32 to vector<16xf32>
        %max3A_367 = arith.maximumf %select_n3A_364, %max3A_366 : vector<16xf32>
        %add3A_368 = arith.addf %scan3A_281, %max3A_367 : vector<16xf32>
        %sub3A_369 = arith.subf %broadcast_in_dim3A_293, %get3A_110 : vector<16xf32>
        %le3A_370 = arith.cmpf ole, %broadcast_in_dim3A_299, %get3A_175 : vector<16xf32>
        %neg3A_371 = arith.constant 0.000000e+00 : f32
        %neg3A_372 = vector.broadcast %neg3A_371 : f32 to vector<16xf32>
        %neg3A_373 = arith.subf %neg3A_372, %sub3A_369 : vector<16xf32>
        %select_n3A_374 = arith.select %le3A_370, %sub3A_369, %neg3A_373 : vector<16xi1>, vector<16xf32>
        %max3A_375 = arith.constant 0.000000e+00 : f32
        %max3A_376 = vector.broadcast %max3A_375 : f32 to vector<16xf32>
        %max3A_377 = arith.maximumf %select_n3A_374, %max3A_376 : vector<16xf32>
        %add3A_378 = arith.addf %scan3A_282, %max3A_377 : vector<16xf32>
        %sub3A_379 = arith.subf %broadcast_in_dim3A_293, %get3A_115 : vector<16xf32>
        %le3A_380 = arith.cmpf ole, %broadcast_in_dim3A_299, %get3A_180 : vector<16xf32>
        %neg3A_381 = arith.constant 0.000000e+00 : f32
        %neg3A_382 = vector.broadcast %neg3A_381 : f32 to vector<16xf32>
        %neg3A_383 = arith.subf %neg3A_382, %sub3A_379 : vector<16xf32>
        %select_n3A_384 = arith.select %le3A_380, %sub3A_379, %neg3A_383 : vector<16xi1>, vector<16xf32>
        %max3A_385 = arith.constant 0.000000e+00 : f32
        %max3A_386 = vector.broadcast %max3A_385 : f32 to vector<16xf32>
        %max3A_387 = arith.maximumf %select_n3A_384, %max3A_386 : vector<16xf32>
        %add3A_388 = arith.addf %scan3A_283, %max3A_387 : vector<16xf32>
        %sub3A_389 = arith.subf %broadcast_in_dim3A_293, %get3A_120 : vector<16xf32>
        %le3A_390 = arith.cmpf ole, %broadcast_in_dim3A_299, %get3A_185 : vector<16xf32>
        %neg3A_391 = arith.constant 0.000000e+00 : f32
        %neg3A_392 = vector.broadcast %neg3A_391 : f32 to vector<16xf32>
        %neg3A_393 = arith.subf %neg3A_392, %sub3A_389 : vector<16xf32>
        %select_n3A_394 = arith.select %le3A_390, %sub3A_389, %neg3A_393 : vector<16xi1>, vector<16xf32>
        %max3A_395 = arith.constant 0.000000e+00 : f32
        %max3A_396 = vector.broadcast %max3A_395 : f32 to vector<16xf32>
        %max3A_397 = arith.maximumf %select_n3A_394, %max3A_396 : vector<16xf32>
        %add3A_398 = arith.addf %scan3A_284, %max3A_397 : vector<16xf32>
        %sub3A_399 = arith.subf %broadcast_in_dim3A_293, %get3A_125 : vector<16xf32>
        %le3A_400 = arith.cmpf ole, %broadcast_in_dim3A_299, %get3A_190 : vector<16xf32>
        %neg3A_401 = arith.constant 0.000000e+00 : f32
        %neg3A_402 = vector.broadcast %neg3A_401 : f32 to vector<16xf32>
        %neg3A_403 = arith.subf %neg3A_402, %sub3A_399 : vector<16xf32>
        %select_n3A_404 = arith.select %le3A_400, %sub3A_399, %neg3A_403 : vector<16xi1>, vector<16xf32>
        %max3A_405 = arith.constant 0.000000e+00 : f32
        %max3A_406 = vector.broadcast %max3A_405 : f32 to vector<16xf32>
        %max3A_407 = arith.maximumf %select_n3A_404, %max3A_406 : vector<16xf32>
        %add3A_408 = arith.addf %scan3A_285, %max3A_407 : vector<16xf32>
        %sub3A_409 = arith.subf %broadcast_in_dim3A_293, %get3A_130 : vector<16xf32>
        %le3A_410 = arith.cmpf ole, %broadcast_in_dim3A_299, %get3A_195 : vector<16xf32>
        %neg3A_411 = arith.constant 0.000000e+00 : f32
        %neg3A_412 = vector.broadcast %neg3A_411 : f32 to vector<16xf32>
        %neg3A_413 = arith.subf %neg3A_412, %sub3A_409 : vector<16xf32>
        %select_n3A_414 = arith.select %le3A_410, %sub3A_409, %neg3A_413 : vector<16xi1>, vector<16xf32>
        %max3A_415 = arith.constant 0.000000e+00 : f32
        %max3A_416 = vector.broadcast %max3A_415 : f32 to vector<16xf32>
        %max3A_417 = arith.maximumf %select_n3A_414, %max3A_416 : vector<16xf32>
        %add3A_418 = arith.addf %scan3A_286, %max3A_417 : vector<16xf32>
        scf.yield %add3A_308, %add3A_318, %add3A_328, %add3A_338, %add3A_348, %add3A_358, %add3A_368, %add3A_378, %add3A_388, %add3A_398, %add3A_408, %add3A_418 : vector<16xf32>, vector<16xf32>, vector<16xf32>, vector<16xf32>, vector<16xf32>, vector<16xf32>, vector<16xf32>, vector<16xf32>, vector<16xf32>, vector<16xf32>, vector<16xf32>, vector<16xf32>
      }
      %scan3A_207 = arith.constant 16 : i32
      %scan3A_208 = arith.constant 0 : i32
      %scan3A_209 = arith.constant 16 : i32
      %scan3A_210 = arith.addi %scan3A_208, %scan3A_209 : i32
      %scan3A_211 = arith.constant 1 : i32
      %scan3A_212:11 = scf.for %scan3A_274 = %scan3A_208 to %scan3A_210 step %scan3A_211 iter_args(%scan3A_275 = %scan3A_206#1, %scan3A_276 = %scan3A_206#2, %scan3A_277 = %scan3A_206#3, %scan3A_278 = %scan3A_206#4, %scan3A_279 = %scan3A_206#5, %scan3A_280 = %scan3A_206#6, %scan3A_281 = %scan3A_206#7, %scan3A_282 = %scan3A_206#8, %scan3A_283 = %scan3A_206#9, %scan3A_284 = %scan3A_206#10, %scan3A_285 = %scan3A_206#11) -> (vector<16xf32>, vector<16xf32>, vector<16xf32>, vector<16xf32>, vector<16xf32>, vector<16xf32>, vector<16xf32>, vector<16xf32>, vector<16xf32>, vector<16xf32>, vector<16xf32>)  : i32 {
        %add3A_286 = arith.constant 32 : i32
        %add3A_287 = arith.addi %mul3A_66, %add3A_286 : i32
        %add3A_288 = arith.addi %add3A_287, %scan3A_274 : i32
        %get3A_289 = arith.index_cast %add3A_288 : i32 to index
        %get3A_290 = tpu.vector_load %arg7[%get3A_289] {strides = array<i32>} : memref<3968xf32, #tpu.memory_space<vmem>>, vector<16xf32>,
        %get3A_291 = vector.shape_cast %get3A_290 : vector<16xf32> to vector<16xf32>
        %slice3A = vector.extract_strided_slice %get3A_291 {offsets = [0], sizes = [1], strides = [1]} : vector<16xf32> to vector<1xf32>
        %squeeze3A = vector.extract %slice3A[0] : f32 from vector<1xf32>
        %broadcast_in_dim3A_292 = vector.broadcast %squeeze3A : f32 to vector<16xf32>
        %get3A_293 = arith.index_cast %add3A_288 : i32 to index
        %get3A_294 = tpu.vector_load %arg8[%get3A_293] {strides = array<i32>} : memref<3968xf32, #tpu.memory_space<vmem>>, vector<16xf32>,
        %get3A_295 = vector.shape_cast %get3A_294 : vector<16xf32> to vector<16xf32>
        %slice3A_296 = vector.extract_strided_slice %get3A_295 {offsets = [0], sizes = [1], strides = [1]} : vector<16xf32> to vector<1xf32>
        %squeeze3A_297 = vector.extract %slice3A_296[0] : f32 from vector<1xf32>
        %broadcast_in_dim3A_298 = vector.broadcast %squeeze3A_297 : f32 to vector<16xf32>
        %broadcast_in_dim3A_299 = vector.broadcast %scan3A_274 : i32 to vector<16xi32>
        %gt3A = arith.cmpi sgt, %iota3A, %broadcast_in_dim3A_299 : vector<16xi32>
        %sub3A_300 = arith.subf %broadcast_in_dim3A_292, %get3A_80 : vector<16xf32>
        %le3A = arith.cmpf ole, %broadcast_in_dim3A_298, %get3A_145 : vector<16xf32>
        %neg3A = arith.constant 0.000000e+00 : f32
        %neg3A_301 = vector.broadcast %neg3A : f32 to vector<16xf32>
        %neg3A_302 = arith.subf %neg3A_301, %sub3A_300 : vector<16xf32>
        %select_n3A_303 = arith.select %le3A, %sub3A_300, %neg3A_302 : vector<16xi1>, vector<16xf32>
        %max3A = arith.constant 0.000000e+00 : f32
        %max3A_304 = vector.broadcast %max3A : f32 to vector<16xf32>
        %max3A_305 = arith.maximumf %select_n3A_303, %max3A_304 : vector<16xf32>
        %select_n3A_306 = arith.select %gt3A, %max3A_305, %broadcast_in_dim3A_29 : vector<16xi1>, vector<16xf32>
        %add3A_307 = arith.addf %scan3A_275, %select_n3A_306 : vector<16xf32>
        %sub3A_308 = arith.subf %broadcast_in_dim3A_292, %get3A_85 : vector<16xf32>
        %le3A_309 = arith.cmpf ole, %broadcast_in_dim3A_298, %get3A_150 : vector<16xf32>
        %neg3A_310 = arith.constant 0.000000e+00 : f32
        %neg3A_311 = vector.broadcast %neg3A_310 : f32 to vector<16xf32>
        %neg3A_312 = arith.subf %neg3A_311, %sub3A_308 : vector<16xf32>
        %select_n3A_313 = arith.select %le3A_309, %sub3A_308, %neg3A_312 : vector<16xi1>, vector<16xf32>
        %max3A_314 = arith.constant 0.000000e+00 : f32
        %max3A_315 = vector.broadcast %max3A_314 : f32 to vector<16xf32>
        %max3A_316 = arith.maximumf %select_n3A_313, %max3A_315 : vector<16xf32>
        %add3A_317 = arith.addf %scan3A_276, %max3A_316 : vector<16xf32>
        %sub3A_318 = arith.subf %broadcast_in_dim3A_292, %get3A_90 : vector<16xf32>
        %le3A_319 = arith.cmpf ole, %broadcast_in_dim3A_298, %get3A_155 : vector<16xf32>
        %neg3A_320 = arith.constant 0.000000e+00 : f32
        %neg3A_321 = vector.broadcast %neg3A_320 : f32 to vector<16xf32>
        %neg3A_322 = arith.subf %neg3A_321, %sub3A_318 : vector<16xf32>
        %select_n3A_323 = arith.select %le3A_319, %sub3A_318, %neg3A_322 : vector<16xi1>, vector<16xf32>
        %max3A_324 = arith.constant 0.000000e+00 : f32
        %max3A_325 = vector.broadcast %max3A_324 : f32 to vector<16xf32>
        %max3A_326 = arith.maximumf %select_n3A_323, %max3A_325 : vector<16xf32>
        %add3A_327 = arith.addf %scan3A_277, %max3A_326 : vector<16xf32>
        %sub3A_328 = arith.subf %broadcast_in_dim3A_292, %get3A_95 : vector<16xf32>
        %le3A_329 = arith.cmpf ole, %broadcast_in_dim3A_298, %get3A_160 : vector<16xf32>
        %neg3A_330 = arith.constant 0.000000e+00 : f32
        %neg3A_331 = vector.broadcast %neg3A_330 : f32 to vector<16xf32>
        %neg3A_332 = arith.subf %neg3A_331, %sub3A_328 : vector<16xf32>
        %select_n3A_333 = arith.select %le3A_329, %sub3A_328, %neg3A_332 : vector<16xi1>, vector<16xf32>
        %max3A_334 = arith.constant 0.000000e+00 : f32
        %max3A_335 = vector.broadcast %max3A_334 : f32 to vector<16xf32>
        %max3A_336 = arith.maximumf %select_n3A_333, %max3A_335 : vector<16xf32>
        %add3A_337 = arith.addf %scan3A_278, %max3A_336 : vector<16xf32>
        %sub3A_338 = arith.subf %broadcast_in_dim3A_292, %get3A_100 : vector<16xf32>
        %le3A_339 = arith.cmpf ole, %broadcast_in_dim3A_298, %get3A_165 : vector<16xf32>
        %neg3A_340 = arith.constant 0.000000e+00 : f32
        %neg3A_341 = vector.broadcast %neg3A_340 : f32 to vector<16xf32>
        %neg3A_342 = arith.subf %neg3A_341, %sub3A_338 : vector<16xf32>
        %select_n3A_343 = arith.select %le3A_339, %sub3A_338, %neg3A_342 : vector<16xi1>, vector<16xf32>
        %max3A_344 = arith.constant 0.000000e+00 : f32
        %max3A_345 = vector.broadcast %max3A_344 : f32 to vector<16xf32>
        %max3A_346 = arith.maximumf %select_n3A_343, %max3A_345 : vector<16xf32>
        %add3A_347 = arith.addf %scan3A_279, %max3A_346 : vector<16xf32>
        %sub3A_348 = arith.subf %broadcast_in_dim3A_292, %get3A_105 : vector<16xf32>
        %le3A_349 = arith.cmpf ole, %broadcast_in_dim3A_298, %get3A_170 : vector<16xf32>
        %neg3A_350 = arith.constant 0.000000e+00 : f32
        %neg3A_351 = vector.broadcast %neg3A_350 : f32 to vector<16xf32>
        %neg3A_352 = arith.subf %neg3A_351, %sub3A_348 : vector<16xf32>
        %select_n3A_353 = arith.select %le3A_349, %sub3A_348, %neg3A_352 : vector<16xi1>, vector<16xf32>
        %max3A_354 = arith.constant 0.000000e+00 : f32
        %max3A_355 = vector.broadcast %max3A_354 : f32 to vector<16xf32>
        %max3A_356 = arith.maximumf %select_n3A_353, %max3A_355 : vector<16xf32>
        %add3A_357 = arith.addf %scan3A_280, %max3A_356 : vector<16xf32>
        %sub3A_358 = arith.subf %broadcast_in_dim3A_292, %get3A_110 : vector<16xf32>
        %le3A_359 = arith.cmpf ole, %broadcast_in_dim3A_298, %get3A_175 : vector<16xf32>
        %neg3A_360 = arith.constant 0.000000e+00 : f32
        %neg3A_361 = vector.broadcast %neg3A_360 : f32 to vector<16xf32>
        %neg3A_362 = arith.subf %neg3A_361, %sub3A_358 : vector<16xf32>
        %select_n3A_363 = arith.select %le3A_359, %sub3A_358, %neg3A_362 : vector<16xi1>, vector<16xf32>
        %max3A_364 = arith.constant 0.000000e+00 : f32
        %max3A_365 = vector.broadcast %max3A_364 : f32 to vector<16xf32>
        %max3A_366 = arith.maximumf %select_n3A_363, %max3A_365 : vector<16xf32>
        %add3A_367 = arith.addf %scan3A_281, %max3A_366 : vector<16xf32>
        %sub3A_368 = arith.subf %broadcast_in_dim3A_292, %get3A_115 : vector<16xf32>
        %le3A_369 = arith.cmpf ole, %broadcast_in_dim3A_298, %get3A_180 : vector<16xf32>
        %neg3A_370 = arith.constant 0.000000e+00 : f32
        %neg3A_371 = vector.broadcast %neg3A_370 : f32 to vector<16xf32>
        %neg3A_372 = arith.subf %neg3A_371, %sub3A_368 : vector<16xf32>
        %select_n3A_373 = arith.select %le3A_369, %sub3A_368, %neg3A_372 : vector<16xi1>, vector<16xf32>
        %max3A_374 = arith.constant 0.000000e+00 : f32
        %max3A_375 = vector.broadcast %max3A_374 : f32 to vector<16xf32>
        %max3A_376 = arith.maximumf %select_n3A_373, %max3A_375 : vector<16xf32>
        %add3A_377 = arith.addf %scan3A_282, %max3A_376 : vector<16xf32>
        %sub3A_378 = arith.subf %broadcast_in_dim3A_292, %get3A_120 : vector<16xf32>
        %le3A_379 = arith.cmpf ole, %broadcast_in_dim3A_298, %get3A_185 : vector<16xf32>
        %neg3A_380 = arith.constant 0.000000e+00 : f32
        %neg3A_381 = vector.broadcast %neg3A_380 : f32 to vector<16xf32>
        %neg3A_382 = arith.subf %neg3A_381, %sub3A_378 : vector<16xf32>
        %select_n3A_383 = arith.select %le3A_379, %sub3A_378, %neg3A_382 : vector<16xi1>, vector<16xf32>
        %max3A_384 = arith.constant 0.000000e+00 : f32
        %max3A_385 = vector.broadcast %max3A_384 : f32 to vector<16xf32>
        %max3A_386 = arith.maximumf %select_n3A_383, %max3A_385 : vector<16xf32>
        %add3A_387 = arith.addf %scan3A_283, %max3A_386 : vector<16xf32>
        %sub3A_388 = arith.subf %broadcast_in_dim3A_292, %get3A_125 : vector<16xf32>
        %le3A_389 = arith.cmpf ole, %broadcast_in_dim3A_298, %get3A_190 : vector<16xf32>
        %neg3A_390 = arith.constant 0.000000e+00 : f32
        %neg3A_391 = vector.broadcast %neg3A_390 : f32 to vector<16xf32>
        %neg3A_392 = arith.subf %neg3A_391, %sub3A_388 : vector<16xf32>
        %select_n3A_393 = arith.select %le3A_389, %sub3A_388, %neg3A_392 : vector<16xi1>, vector<16xf32>
        %max3A_394 = arith.constant 0.000000e+00 : f32
        %max3A_395 = vector.broadcast %max3A_394 : f32 to vector<16xf32>
        %max3A_396 = arith.maximumf %select_n3A_393, %max3A_395 : vector<16xf32>
        %add3A_397 = arith.addf %scan3A_284, %max3A_396 : vector<16xf32>
        %sub3A_398 = arith.subf %broadcast_in_dim3A_292, %get3A_130 : vector<16xf32>
        %le3A_399 = arith.cmpf ole, %broadcast_in_dim3A_298, %get3A_195 : vector<16xf32>
        %neg3A_400 = arith.constant 0.000000e+00 : f32
        %neg3A_401 = vector.broadcast %neg3A_400 : f32 to vector<16xf32>
        %neg3A_402 = arith.subf %neg3A_401, %sub3A_398 : vector<16xf32>
        %select_n3A_403 = arith.select %le3A_399, %sub3A_398, %neg3A_402 : vector<16xi1>, vector<16xf32>
        %max3A_404 = arith.constant 0.000000e+00 : f32
        %max3A_405 = vector.broadcast %max3A_404 : f32 to vector<16xf32>
        %max3A_406 = arith.maximumf %select_n3A_403, %max3A_405 : vector<16xf32>
        %add3A_407 = arith.addf %scan3A_285, %max3A_406 : vector<16xf32>
        scf.yield %add3A_307, %add3A_317, %add3A_327, %add3A_337, %add3A_347, %add3A_357, %add3A_367, %add3A_377, %add3A_387, %add3A_397, %add3A_407 : vector<16xf32>, vector<16xf32>, vector<16xf32>, vector<16xf32>, vector<16xf32>, vector<16xf32>, vector<16xf32>, vector<16xf32>, vector<16xf32>, vector<16xf32>, vector<16xf32>
      }
      %scan3A_213 = arith.constant 16 : i32
      %scan3A_214 = arith.constant 0 : i32
      %scan3A_215 = arith.constant 16 : i32
      %scan3A_216 = arith.addi %scan3A_214, %scan3A_215 : i32
      %scan3A_217 = arith.constant 1 : i32
      %scan3A_218:10 = scf.for %scan3A_274 = %scan3A_214 to %scan3A_216 step %scan3A_217 iter_args(%scan3A_275 = %scan3A_212#1, %scan3A_276 = %scan3A_212#2, %scan3A_277 = %scan3A_212#3, %scan3A_278 = %scan3A_212#4, %scan3A_279 = %scan3A_212#5, %scan3A_280 = %scan3A_212#6, %scan3A_281 = %scan3A_212#7, %scan3A_282 = %scan3A_212#8, %scan3A_283 = %scan3A_212#9, %scan3A_284 = %scan3A_212#10) -> (vector<16xf32>, vector<16xf32>, vector<16xf32>, vector<16xf32>, vector<16xf32>, vector<16xf32>, vector<16xf32>, vector<16xf32>, vector<16xf32>, vector<16xf32>)  : i32 {
        %add3A_285 = arith.constant 48 : i32
        %add3A_286 = arith.addi %mul3A_66, %add3A_285 : i32
        %add3A_287 = arith.addi %add3A_286, %scan3A_274 : i32
        %get3A_288 = arith.index_cast %add3A_287 : i32 to index
        %get3A_289 = tpu.vector_load %arg7[%get3A_288] {strides = array<i32>} : memref<3968xf32, #tpu.memory_space<vmem>>, vector<16xf32>,
        %get3A_290 = vector.shape_cast %get3A_289 : vector<16xf32> to vector<16xf32>
        %slice3A = vector.extract_strided_slice %get3A_290 {offsets = [0], sizes = [1], strides = [1]} : vector<16xf32> to vector<1xf32>
        %squeeze3A = vector.extract %slice3A[0] : f32 from vector<1xf32>
        %broadcast_in_dim3A_291 = vector.broadcast %squeeze3A : f32 to vector<16xf32>
        %get3A_292 = arith.index_cast %add3A_287 : i32 to index
        %get3A_293 = tpu.vector_load %arg8[%get3A_292] {strides = array<i32>} : memref<3968xf32, #tpu.memory_space<vmem>>, vector<16xf32>,
        %get3A_294 = vector.shape_cast %get3A_293 : vector<16xf32> to vector<16xf32>
        %slice3A_295 = vector.extract_strided_slice %get3A_294 {offsets = [0], sizes = [1], strides = [1]} : vector<16xf32> to vector<1xf32>
        %squeeze3A_296 = vector.extract %slice3A_295[0] : f32 from vector<1xf32>
        %broadcast_in_dim3A_297 = vector.broadcast %squeeze3A_296 : f32 to vector<16xf32>
        %broadcast_in_dim3A_298 = vector.broadcast %scan3A_274 : i32 to vector<16xi32>
        %gt3A = arith.cmpi sgt, %iota3A, %broadcast_in_dim3A_298 : vector<16xi32>
        %sub3A_299 = arith.subf %broadcast_in_dim3A_291, %get3A_85 : vector<16xf32>
        %le3A = arith.cmpf ole, %broadcast_in_dim3A_297, %get3A_150 : vector<16xf32>
        %neg3A = arith.constant 0.000000e+00 : f32
        %neg3A_300 = vector.broadcast %neg3A : f32 to vector<16xf32>
        %neg3A_301 = arith.subf %neg3A_300, %sub3A_299 : vector<16xf32>
        %select_n3A_302 = arith.select %le3A, %sub3A_299, %neg3A_301 : vector<16xi1>, vector<16xf32>
        %max3A = arith.constant 0.000000e+00 : f32
        %max3A_303 = vector.broadcast %max3A : f32 to vector<16xf32>
        %max3A_304 = arith.maximumf %select_n3A_302, %max3A_303 : vector<16xf32>
        %select_n3A_305 = arith.select %gt3A, %max3A_304, %broadcast_in_dim3A_29 : vector<16xi1>, vector<16xf32>
        %add3A_306 = arith.addf %scan3A_275, %select_n3A_305 : vector<16xf32>
        %sub3A_307 = arith.subf %broadcast_in_dim3A_291, %get3A_90 : vector<16xf32>
        %le3A_308 = arith.cmpf ole, %broadcast_in_dim3A_297, %get3A_155 : vector<16xf32>
        %neg3A_309 = arith.constant 0.000000e+00 : f32
        %neg3A_310 = vector.broadcast %neg3A_309 : f32 to vector<16xf32>
        %neg3A_311 = arith.subf %neg3A_310, %sub3A_307 : vector<16xf32>
        %select_n3A_312 = arith.select %le3A_308, %sub3A_307, %neg3A_311 : vector<16xi1>, vector<16xf32>
        %max3A_313 = arith.constant 0.000000e+00 : f32
        %max3A_314 = vector.broadcast %max3A_313 : f32 to vector<16xf32>
        %max3A_315 = arith.maximumf %select_n3A_312, %max3A_314 : vector<16xf32>
        %add3A_316 = arith.addf %scan3A_276, %max3A_315 : vector<16xf32>
        %sub3A_317 = arith.subf %broadcast_in_dim3A_291, %get3A_95 : vector<16xf32>
        %le3A_318 = arith.cmpf ole, %broadcast_in_dim3A_297, %get3A_160 : vector<16xf32>
        %neg3A_319 = arith.constant 0.000000e+00 : f32
        %neg3A_320 = vector.broadcast %neg3A_319 : f32 to vector<16xf32>
        %neg3A_321 = arith.subf %neg3A_320, %sub3A_317 : vector<16xf32>
        %select_n3A_322 = arith.select %le3A_318, %sub3A_317, %neg3A_321 : vector<16xi1>, vector<16xf32>
        %max3A_323 = arith.constant 0.000000e+00 : f32
        %max3A_324 = vector.broadcast %max3A_323 : f32 to vector<16xf32>
        %max3A_325 = arith.maximumf %select_n3A_322, %max3A_324 : vector<16xf32>
        %add3A_326 = arith.addf %scan3A_277, %max3A_325 : vector<16xf32>
        %sub3A_327 = arith.subf %broadcast_in_dim3A_291, %get3A_100 : vector<16xf32>
        %le3A_328 = arith.cmpf ole, %broadcast_in_dim3A_297, %get3A_165 : vector<16xf32>
        %neg3A_329 = arith.constant 0.000000e+00 : f32
        %neg3A_330 = vector.broadcast %neg3A_329 : f32 to vector<16xf32>
        %neg3A_331 = arith.subf %neg3A_330, %sub3A_327 : vector<16xf32>
        %select_n3A_332 = arith.select %le3A_328, %sub3A_327, %neg3A_331 : vector<16xi1>, vector<16xf32>
        %max3A_333 = arith.constant 0.000000e+00 : f32
        %max3A_334 = vector.broadcast %max3A_333 : f32 to vector<16xf32>
        %max3A_335 = arith.maximumf %select_n3A_332, %max3A_334 : vector<16xf32>
        %add3A_336 = arith.addf %scan3A_278, %max3A_335 : vector<16xf32>
        %sub3A_337 = arith.subf %broadcast_in_dim3A_291, %get3A_105 : vector<16xf32>
        %le3A_338 = arith.cmpf ole, %broadcast_in_dim3A_297, %get3A_170 : vector<16xf32>
        %neg3A_339 = arith.constant 0.000000e+00 : f32
        %neg3A_340 = vector.broadcast %neg3A_339 : f32 to vector<16xf32>
        %neg3A_341 = arith.subf %neg3A_340, %sub3A_337 : vector<16xf32>
        %select_n3A_342 = arith.select %le3A_338, %sub3A_337, %neg3A_341 : vector<16xi1>, vector<16xf32>
        %max3A_343 = arith.constant 0.000000e+00 : f32
        %max3A_344 = vector.broadcast %max3A_343 : f32 to vector<16xf32>
        %max3A_345 = arith.maximumf %select_n3A_342, %max3A_344 : vector<16xf32>
        %add3A_346 = arith.addf %scan3A_279, %max3A_345 : vector<16xf32>
        %sub3A_347 = arith.subf %broadcast_in_dim3A_291, %get3A_110 : vector<16xf32>
        %le3A_348 = arith.cmpf ole, %broadcast_in_dim3A_297, %get3A_175 : vector<16xf32>
        %neg3A_349 = arith.constant 0.000000e+00 : f32
        %neg3A_350 = vector.broadcast %neg3A_349 : f32 to vector<16xf32>
        %neg3A_351 = arith.subf %neg3A_350, %sub3A_347 : vector<16xf32>
        %select_n3A_352 = arith.select %le3A_348, %sub3A_347, %neg3A_351 : vector<16xi1>, vector<16xf32>
        %max3A_353 = arith.constant 0.000000e+00 : f32
        %max3A_354 = vector.broadcast %max3A_353 : f32 to vector<16xf32>
        %max3A_355 = arith.maximumf %select_n3A_352, %max3A_354 : vector<16xf32>
        %add3A_356 = arith.addf %scan3A_280, %max3A_355 : vector<16xf32>
        %sub3A_357 = arith.subf %broadcast_in_dim3A_291, %get3A_115 : vector<16xf32>
        %le3A_358 = arith.cmpf ole, %broadcast_in_dim3A_297, %get3A_180 : vector<16xf32>
        %neg3A_359 = arith.constant 0.000000e+00 : f32
        %neg3A_360 = vector.broadcast %neg3A_359 : f32 to vector<16xf32>
        %neg3A_361 = arith.subf %neg3A_360, %sub3A_357 : vector<16xf32>
        %select_n3A_362 = arith.select %le3A_358, %sub3A_357, %neg3A_361 : vector<16xi1>, vector<16xf32>
        %max3A_363 = arith.constant 0.000000e+00 : f32
        %max3A_364 = vector.broadcast %max3A_363 : f32 to vector<16xf32>
        %max3A_365 = arith.maximumf %select_n3A_362, %max3A_364 : vector<16xf32>
        %add3A_366 = arith.addf %scan3A_281, %max3A_365 : vector<16xf32>
        %sub3A_367 = arith.subf %broadcast_in_dim3A_291, %get3A_120 : vector<16xf32>
        %le3A_368 = arith.cmpf ole, %broadcast_in_dim3A_297, %get3A_185 : vector<16xf32>
        %neg3A_369 = arith.constant 0.000000e+00 : f32
        %neg3A_370 = vector.broadcast %neg3A_369 : f32 to vector<16xf32>
        %neg3A_371 = arith.subf %neg3A_370, %sub3A_367 : vector<16xf32>
        %select_n3A_372 = arith.select %le3A_368, %sub3A_367, %neg3A_371 : vector<16xi1>, vector<16xf32>
        %max3A_373 = arith.constant 0.000000e+00 : f32
        %max3A_374 = vector.broadcast %max3A_373 : f32 to vector<16xf32>
        %max3A_375 = arith.maximumf %select_n3A_372, %max3A_374 : vector<16xf32>
        %add3A_376 = arith.addf %scan3A_282, %max3A_375 : vector<16xf32>
        %sub3A_377 = arith.subf %broadcast_in_dim3A_291, %get3A_125 : vector<16xf32>
        %le3A_378 = arith.cmpf ole, %broadcast_in_dim3A_297, %get3A_190 : vector<16xf32>
        %neg3A_379 = arith.constant 0.000000e+00 : f32
        %neg3A_380 = vector.broadcast %neg3A_379 : f32 to vector<16xf32>
        %neg3A_381 = arith.subf %neg3A_380, %sub3A_377 : vector<16xf32>
        %select_n3A_382 = arith.select %le3A_378, %sub3A_377, %neg3A_381 : vector<16xi1>, vector<16xf32>
        %max3A_383 = arith.constant 0.000000e+00 : f32
        %max3A_384 = vector.broadcast %max3A_383 : f32 to vector<16xf32>
        %max3A_385 = arith.maximumf %select_n3A_382, %max3A_384 : vector<16xf32>
        %add3A_386 = arith.addf %scan3A_283, %max3A_385 : vector<16xf32>
        %sub3A_387 = arith.subf %broadcast_in_dim3A_291, %get3A_130 : vector<16xf32>
        %le3A_388 = arith.cmpf ole, %broadcast_in_dim3A_297, %get3A_195 : vector<16xf32>
        %neg3A_389 = arith.constant 0.000000e+00 : f32
        %neg3A_390 = vector.broadcast %neg3A_389 : f32 to vector<16xf32>
        %neg3A_391 = arith.subf %neg3A_390, %sub3A_387 : vector<16xf32>
        %select_n3A_392 = arith.select %le3A_388, %sub3A_387, %neg3A_391 : vector<16xi1>, vector<16xf32>
        %max3A_393 = arith.constant 0.000000e+00 : f32
        %max3A_394 = vector.broadcast %max3A_393 : f32 to vector<16xf32>
        %max3A_395 = arith.maximumf %select_n3A_392, %max3A_394 : vector<16xf32>
        %add3A_396 = arith.addf %scan3A_284, %max3A_395 : vector<16xf32>
        scf.yield %add3A_306, %add3A_316, %add3A_326, %add3A_336, %add3A_346, %add3A_356, %add3A_366, %add3A_376, %add3A_386, %add3A_396 : vector<16xf32>, vector<16xf32>, vector<16xf32>, vector<16xf32>, vector<16xf32>, vector<16xf32>, vector<16xf32>, vector<16xf32>, vector<16xf32>, vector<16xf32>
      }
      %scan3A_219 = arith.constant 16 : i32
      %scan3A_220 = arith.constant 0 : i32
      %scan3A_221 = arith.constant 16 : i32
      %scan3A_222 = arith.addi %scan3A_220, %scan3A_221 : i32
      %scan3A_223 = arith.constant 1 : i32
      %scan3A_224:9 = scf.for %scan3A_274 = %scan3A_220 to %scan3A_222 step %scan3A_223 iter_args(%scan3A_275 = %scan3A_218#1, %scan3A_276 = %scan3A_218#2, %scan3A_277 = %scan3A_218#3, %scan3A_278 = %scan3A_218#4, %scan3A_279 = %scan3A_218#5, %scan3A_280 = %scan3A_218#6, %scan3A_281 = %scan3A_218#7, %scan3A_282 = %scan3A_218#8, %scan3A_283 = %scan3A_218#9) -> (vector<16xf32>, vector<16xf32>, vector<16xf32>, vector<16xf32>, vector<16xf32>, vector<16xf32>, vector<16xf32>, vector<16xf32>, vector<16xf32>)  : i32 {
        %add3A_284 = arith.constant 64 : i32
        %add3A_285 = arith.addi %mul3A_66, %add3A_284 : i32
        %add3A_286 = arith.addi %add3A_285, %scan3A_274 : i32
        %get3A_287 = arith.index_cast %add3A_286 : i32 to index
        %get3A_288 = tpu.vector_load %arg7[%get3A_287] {strides = array<i32>} : memref<3968xf32, #tpu.memory_space<vmem>>, vector<16xf32>,
        %get3A_289 = vector.shape_cast %get3A_288 : vector<16xf32> to vector<16xf32>
        %slice3A = vector.extract_strided_slice %get3A_289 {offsets = [0], sizes = [1], strides = [1]} : vector<16xf32> to vector<1xf32>
        %squeeze3A = vector.extract %slice3A[0] : f32 from vector<1xf32>
        %broadcast_in_dim3A_290 = vector.broadcast %squeeze3A : f32 to vector<16xf32>
        %get3A_291 = arith.index_cast %add3A_286 : i32 to index
        %get3A_292 = tpu.vector_load %arg8[%get3A_291] {strides = array<i32>} : memref<3968xf32, #tpu.memory_space<vmem>>, vector<16xf32>,
        %get3A_293 = vector.shape_cast %get3A_292 : vector<16xf32> to vector<16xf32>
        %slice3A_294 = vector.extract_strided_slice %get3A_293 {offsets = [0], sizes = [1], strides = [1]} : vector<16xf32> to vector<1xf32>
        %squeeze3A_295 = vector.extract %slice3A_294[0] : f32 from vector<1xf32>
        %broadcast_in_dim3A_296 = vector.broadcast %squeeze3A_295 : f32 to vector<16xf32>
        %broadcast_in_dim3A_297 = vector.broadcast %scan3A_274 : i32 to vector<16xi32>
        %gt3A = arith.cmpi sgt, %iota3A, %broadcast_in_dim3A_297 : vector<16xi32>
        %sub3A_298 = arith.subf %broadcast_in_dim3A_290, %get3A_90 : vector<16xf32>
        %le3A = arith.cmpf ole, %broadcast_in_dim3A_296, %get3A_155 : vector<16xf32>
        %neg3A = arith.constant 0.000000e+00 : f32
        %neg3A_299 = vector.broadcast %neg3A : f32 to vector<16xf32>
        %neg3A_300 = arith.subf %neg3A_299, %sub3A_298 : vector<16xf32>
        %select_n3A_301 = arith.select %le3A, %sub3A_298, %neg3A_300 : vector<16xi1>, vector<16xf32>
        %max3A = arith.constant 0.000000e+00 : f32
        %max3A_302 = vector.broadcast %max3A : f32 to vector<16xf32>
        %max3A_303 = arith.maximumf %select_n3A_301, %max3A_302 : vector<16xf32>
        %select_n3A_304 = arith.select %gt3A, %max3A_303, %broadcast_in_dim3A_29 : vector<16xi1>, vector<16xf32>
        %add3A_305 = arith.addf %scan3A_275, %select_n3A_304 : vector<16xf32>
        %sub3A_306 = arith.subf %broadcast_in_dim3A_290, %get3A_95 : vector<16xf32>
        %le3A_307 = arith.cmpf ole, %broadcast_in_dim3A_296, %get3A_160 : vector<16xf32>
        %neg3A_308 = arith.constant 0.000000e+00 : f32
        %neg3A_309 = vector.broadcast %neg3A_308 : f32 to vector<16xf32>
        %neg3A_310 = arith.subf %neg3A_309, %sub3A_306 : vector<16xf32>
        %select_n3A_311 = arith.select %le3A_307, %sub3A_306, %neg3A_310 : vector<16xi1>, vector<16xf32>
        %max3A_312 = arith.constant 0.000000e+00 : f32
        %max3A_313 = vector.broadcast %max3A_312 : f32 to vector<16xf32>
        %max3A_314 = arith.maximumf %select_n3A_311, %max3A_313 : vector<16xf32>
        %add3A_315 = arith.addf %scan3A_276, %max3A_314 : vector<16xf32>
        %sub3A_316 = arith.subf %broadcast_in_dim3A_290, %get3A_100 : vector<16xf32>
        %le3A_317 = arith.cmpf ole, %broadcast_in_dim3A_296, %get3A_165 : vector<16xf32>
        %neg3A_318 = arith.constant 0.000000e+00 : f32
        %neg3A_319 = vector.broadcast %neg3A_318 : f32 to vector<16xf32>
        %neg3A_320 = arith.subf %neg3A_319, %sub3A_316 : vector<16xf32>
        %select_n3A_321 = arith.select %le3A_317, %sub3A_316, %neg3A_320 : vector<16xi1>, vector<16xf32>
        %max3A_322 = arith.constant 0.000000e+00 : f32
        %max3A_323 = vector.broadcast %max3A_322 : f32 to vector<16xf32>
        %max3A_324 = arith.maximumf %select_n3A_321, %max3A_323 : vector<16xf32>
        %add3A_325 = arith.addf %scan3A_277, %max3A_324 : vector<16xf32>
        %sub3A_326 = arith.subf %broadcast_in_dim3A_290, %get3A_105 : vector<16xf32>
        %le3A_327 = arith.cmpf ole, %broadcast_in_dim3A_296, %get3A_170 : vector<16xf32>
        %neg3A_328 = arith.constant 0.000000e+00 : f32
        %neg3A_329 = vector.broadcast %neg3A_328 : f32 to vector<16xf32>
        %neg3A_330 = arith.subf %neg3A_329, %sub3A_326 : vector<16xf32>
        %select_n3A_331 = arith.select %le3A_327, %sub3A_326, %neg3A_330 : vector<16xi1>, vector<16xf32>
        %max3A_332 = arith.constant 0.000000e+00 : f32
        %max3A_333 = vector.broadcast %max3A_332 : f32 to vector<16xf32>
        %max3A_334 = arith.maximumf %select_n3A_331, %max3A_333 : vector<16xf32>
        %add3A_335 = arith.addf %scan3A_278, %max3A_334 : vector<16xf32>
        %sub3A_336 = arith.subf %broadcast_in_dim3A_290, %get3A_110 : vector<16xf32>
        %le3A_337 = arith.cmpf ole, %broadcast_in_dim3A_296, %get3A_175 : vector<16xf32>
        %neg3A_338 = arith.constant 0.000000e+00 : f32
        %neg3A_339 = vector.broadcast %neg3A_338 : f32 to vector<16xf32>
        %neg3A_340 = arith.subf %neg3A_339, %sub3A_336 : vector<16xf32>
        %select_n3A_341 = arith.select %le3A_337, %sub3A_336, %neg3A_340 : vector<16xi1>, vector<16xf32>
        %max3A_342 = arith.constant 0.000000e+00 : f32
        %max3A_343 = vector.broadcast %max3A_342 : f32 to vector<16xf32>
        %max3A_344 = arith.maximumf %select_n3A_341, %max3A_343 : vector<16xf32>
        %add3A_345 = arith.addf %scan3A_279, %max3A_344 : vector<16xf32>
        %sub3A_346 = arith.subf %broadcast_in_dim3A_290, %get3A_115 : vector<16xf32>
        %le3A_347 = arith.cmpf ole, %broadcast_in_dim3A_296, %get3A_180 : vector<16xf32>
        %neg3A_348 = arith.constant 0.000000e+00 : f32
        %neg3A_349 = vector.broadcast %neg3A_348 : f32 to vector<16xf32>
        %neg3A_350 = arith.subf %neg3A_349, %sub3A_346 : vector<16xf32>
        %select_n3A_351 = arith.select %le3A_347, %sub3A_346, %neg3A_350 : vector<16xi1>, vector<16xf32>
        %max3A_352 = arith.constant 0.000000e+00 : f32
        %max3A_353 = vector.broadcast %max3A_352 : f32 to vector<16xf32>
        %max3A_354 = arith.maximumf %select_n3A_351, %max3A_353 : vector<16xf32>
        %add3A_355 = arith.addf %scan3A_280, %max3A_354 : vector<16xf32>
        %sub3A_356 = arith.subf %broadcast_in_dim3A_290, %get3A_120 : vector<16xf32>
        %le3A_357 = arith.cmpf ole, %broadcast_in_dim3A_296, %get3A_185 : vector<16xf32>
        %neg3A_358 = arith.constant 0.000000e+00 : f32
        %neg3A_359 = vector.broadcast %neg3A_358 : f32 to vector<16xf32>
        %neg3A_360 = arith.subf %neg3A_359, %sub3A_356 : vector<16xf32>
        %select_n3A_361 = arith.select %le3A_357, %sub3A_356, %neg3A_360 : vector<16xi1>, vector<16xf32>
        %max3A_362 = arith.constant 0.000000e+00 : f32
        %max3A_363 = vector.broadcast %max3A_362 : f32 to vector<16xf32>
        %max3A_364 = arith.maximumf %select_n3A_361, %max3A_363 : vector<16xf32>
        %add3A_365 = arith.addf %scan3A_281, %max3A_364 : vector<16xf32>
        %sub3A_366 = arith.subf %broadcast_in_dim3A_290, %get3A_125 : vector<16xf32>
        %le3A_367 = arith.cmpf ole, %broadcast_in_dim3A_296, %get3A_190 : vector<16xf32>
        %neg3A_368 = arith.constant 0.000000e+00 : f32
        %neg3A_369 = vector.broadcast %neg3A_368 : f32 to vector<16xf32>
        %neg3A_370 = arith.subf %neg3A_369, %sub3A_366 : vector<16xf32>
        %select_n3A_371 = arith.select %le3A_367, %sub3A_366, %neg3A_370 : vector<16xi1>, vector<16xf32>
        %max3A_372 = arith.constant 0.000000e+00 : f32
        %max3A_373 = vector.broadcast %max3A_372 : f32 to vector<16xf32>
        %max3A_374 = arith.maximumf %select_n3A_371, %max3A_373 : vector<16xf32>
        %add3A_375 = arith.addf %scan3A_282, %max3A_374 : vector<16xf32>
        %sub3A_376 = arith.subf %broadcast_in_dim3A_290, %get3A_130 : vector<16xf32>
        %le3A_377 = arith.cmpf ole, %broadcast_in_dim3A_296, %get3A_195 : vector<16xf32>
        %neg3A_378 = arith.constant 0.000000e+00 : f32
        %neg3A_379 = vector.broadcast %neg3A_378 : f32 to vector<16xf32>
        %neg3A_380 = arith.subf %neg3A_379, %sub3A_376 : vector<16xf32>
        %select_n3A_381 = arith.select %le3A_377, %sub3A_376, %neg3A_380 : vector<16xi1>, vector<16xf32>
        %max3A_382 = arith.constant 0.000000e+00 : f32
        %max3A_383 = vector.broadcast %max3A_382 : f32 to vector<16xf32>
        %max3A_384 = arith.maximumf %select_n3A_381, %max3A_383 : vector<16xf32>
        %add3A_385 = arith.addf %scan3A_283, %max3A_384 : vector<16xf32>
        scf.yield %add3A_305, %add3A_315, %add3A_325, %add3A_335, %add3A_345, %add3A_355, %add3A_365, %add3A_375, %add3A_385 : vector<16xf32>, vector<16xf32>, vector<16xf32>, vector<16xf32>, vector<16xf32>, vector<16xf32>, vector<16xf32>, vector<16xf32>, vector<16xf32>
      }
      %scan3A_225 = arith.constant 16 : i32
      %scan3A_226 = arith.constant 0 : i32
      %scan3A_227 = arith.constant 16 : i32
      %scan3A_228 = arith.addi %scan3A_226, %scan3A_227 : i32
      %scan3A_229 = arith.constant 1 : i32
      %scan3A_230:8 = scf.for %scan3A_274 = %scan3A_226 to %scan3A_228 step %scan3A_229 iter_args(%scan3A_275 = %scan3A_224#1, %scan3A_276 = %scan3A_224#2, %scan3A_277 = %scan3A_224#3, %scan3A_278 = %scan3A_224#4, %scan3A_279 = %scan3A_224#5, %scan3A_280 = %scan3A_224#6, %scan3A_281 = %scan3A_224#7, %scan3A_282 = %scan3A_224#8) -> (vector<16xf32>, vector<16xf32>, vector<16xf32>, vector<16xf32>, vector<16xf32>, vector<16xf32>, vector<16xf32>, vector<16xf32>)  : i32 {
        %add3A_283 = arith.constant 80 : i32
        %add3A_284 = arith.addi %mul3A_66, %add3A_283 : i32
        %add3A_285 = arith.addi %add3A_284, %scan3A_274 : i32
        %get3A_286 = arith.index_cast %add3A_285 : i32 to index
        %get3A_287 = tpu.vector_load %arg7[%get3A_286] {strides = array<i32>} : memref<3968xf32, #tpu.memory_space<vmem>>, vector<16xf32>,
        %get3A_288 = vector.shape_cast %get3A_287 : vector<16xf32> to vector<16xf32>
        %slice3A = vector.extract_strided_slice %get3A_288 {offsets = [0], sizes = [1], strides = [1]} : vector<16xf32> to vector<1xf32>
        %squeeze3A = vector.extract %slice3A[0] : f32 from vector<1xf32>
        %broadcast_in_dim3A_289 = vector.broadcast %squeeze3A : f32 to vector<16xf32>
        %get3A_290 = arith.index_cast %add3A_285 : i32 to index
        %get3A_291 = tpu.vector_load %arg8[%get3A_290] {strides = array<i32>} : memref<3968xf32, #tpu.memory_space<vmem>>, vector<16xf32>,
        %get3A_292 = vector.shape_cast %get3A_291 : vector<16xf32> to vector<16xf32>
        %slice3A_293 = vector.extract_strided_slice %get3A_292 {offsets = [0], sizes = [1], strides = [1]} : vector<16xf32> to vector<1xf32>
        %squeeze3A_294 = vector.extract %slice3A_293[0] : f32 from vector<1xf32>
        %broadcast_in_dim3A_295 = vector.broadcast %squeeze3A_294 : f32 to vector<16xf32>
        %broadcast_in_dim3A_296 = vector.broadcast %scan3A_274 : i32 to vector<16xi32>
        %gt3A = arith.cmpi sgt, %iota3A, %broadcast_in_dim3A_296 : vector<16xi32>
        %sub3A_297 = arith.subf %broadcast_in_dim3A_289, %get3A_95 : vector<16xf32>
        %le3A = arith.cmpf ole, %broadcast_in_dim3A_295, %get3A_160 : vector<16xf32>
        %neg3A = arith.constant 0.000000e+00 : f32
        %neg3A_298 = vector.broadcast %neg3A : f32 to vector<16xf32>
        %neg3A_299 = arith.subf %neg3A_298, %sub3A_297 : vector<16xf32>
        %select_n3A_300 = arith.select %le3A, %sub3A_297, %neg3A_299 : vector<16xi1>, vector<16xf32>
        %max3A = arith.constant 0.000000e+00 : f32
        %max3A_301 = vector.broadcast %max3A : f32 to vector<16xf32>
        %max3A_302 = arith.maximumf %select_n3A_300, %max3A_301 : vector<16xf32>
        %select_n3A_303 = arith.select %gt3A, %max3A_302, %broadcast_in_dim3A_29 : vector<16xi1>, vector<16xf32>
        %add3A_304 = arith.addf %scan3A_275, %select_n3A_303 : vector<16xf32>
        %sub3A_305 = arith.subf %broadcast_in_dim3A_289, %get3A_100 : vector<16xf32>
        %le3A_306 = arith.cmpf ole, %broadcast_in_dim3A_295, %get3A_165 : vector<16xf32>
        %neg3A_307 = arith.constant 0.000000e+00 : f32
        %neg3A_308 = vector.broadcast %neg3A_307 : f32 to vector<16xf32>
        %neg3A_309 = arith.subf %neg3A_308, %sub3A_305 : vector<16xf32>
        %select_n3A_310 = arith.select %le3A_306, %sub3A_305, %neg3A_309 : vector<16xi1>, vector<16xf32>
        %max3A_311 = arith.constant 0.000000e+00 : f32
        %max3A_312 = vector.broadcast %max3A_311 : f32 to vector<16xf32>
        %max3A_313 = arith.maximumf %select_n3A_310, %max3A_312 : vector<16xf32>
        %add3A_314 = arith.addf %scan3A_276, %max3A_313 : vector<16xf32>
        %sub3A_315 = arith.subf %broadcast_in_dim3A_289, %get3A_105 : vector<16xf32>
        %le3A_316 = arith.cmpf ole, %broadcast_in_dim3A_295, %get3A_170 : vector<16xf32>
        %neg3A_317 = arith.constant 0.000000e+00 : f32
        %neg3A_318 = vector.broadcast %neg3A_317 : f32 to vector<16xf32>
        %neg3A_319 = arith.subf %neg3A_318, %sub3A_315 : vector<16xf32>
        %select_n3A_320 = arith.select %le3A_316, %sub3A_315, %neg3A_319 : vector<16xi1>, vector<16xf32>
        %max3A_321 = arith.constant 0.000000e+00 : f32
        %max3A_322 = vector.broadcast %max3A_321 : f32 to vector<16xf32>
        %max3A_323 = arith.maximumf %select_n3A_320, %max3A_322 : vector<16xf32>
        %add3A_324 = arith.addf %scan3A_277, %max3A_323 : vector<16xf32>
        %sub3A_325 = arith.subf %broadcast_in_dim3A_289, %get3A_110 : vector<16xf32>
        %le3A_326 = arith.cmpf ole, %broadcast_in_dim3A_295, %get3A_175 : vector<16xf32>
        %neg3A_327 = arith.constant 0.000000e+00 : f32
        %neg3A_328 = vector.broadcast %neg3A_327 : f32 to vector<16xf32>
        %neg3A_329 = arith.subf %neg3A_328, %sub3A_325 : vector<16xf32>
        %select_n3A_330 = arith.select %le3A_326, %sub3A_325, %neg3A_329 : vector<16xi1>, vector<16xf32>
        %max3A_331 = arith.constant 0.000000e+00 : f32
        %max3A_332 = vector.broadcast %max3A_331 : f32 to vector<16xf32>
        %max3A_333 = arith.maximumf %select_n3A_330, %max3A_332 : vector<16xf32>
        %add3A_334 = arith.addf %scan3A_278, %max3A_333 : vector<16xf32>
        %sub3A_335 = arith.subf %broadcast_in_dim3A_289, %get3A_115 : vector<16xf32>
        %le3A_336 = arith.cmpf ole, %broadcast_in_dim3A_295, %get3A_180 : vector<16xf32>
        %neg3A_337 = arith.constant 0.000000e+00 : f32
        %neg3A_338 = vector.broadcast %neg3A_337 : f32 to vector<16xf32>
        %neg3A_339 = arith.subf %neg3A_338, %sub3A_335 : vector<16xf32>
        %select_n3A_340 = arith.select %le3A_336, %sub3A_335, %neg3A_339 : vector<16xi1>, vector<16xf32>
        %max3A_341 = arith.constant 0.000000e+00 : f32
        %max3A_342 = vector.broadcast %max3A_341 : f32 to vector<16xf32>
        %max3A_343 = arith.maximumf %select_n3A_340, %max3A_342 : vector<16xf32>
        %add3A_344 = arith.addf %scan3A_279, %max3A_343 : vector<16xf32>
        %sub3A_345 = arith.subf %broadcast_in_dim3A_289, %get3A_120 : vector<16xf32>
        %le3A_346 = arith.cmpf ole, %broadcast_in_dim3A_295, %get3A_185 : vector<16xf32>
        %neg3A_347 = arith.constant 0.000000e+00 : f32
        %neg3A_348 = vector.broadcast %neg3A_347 : f32 to vector<16xf32>
        %neg3A_349 = arith.subf %neg3A_348, %sub3A_345 : vector<16xf32>
        %select_n3A_350 = arith.select %le3A_346, %sub3A_345, %neg3A_349 : vector<16xi1>, vector<16xf32>
        %max3A_351 = arith.constant 0.000000e+00 : f32
        %max3A_352 = vector.broadcast %max3A_351 : f32 to vector<16xf32>
        %max3A_353 = arith.maximumf %select_n3A_350, %max3A_352 : vector<16xf32>
        %add3A_354 = arith.addf %scan3A_280, %max3A_353 : vector<16xf32>
        %sub3A_355 = arith.subf %broadcast_in_dim3A_289, %get3A_125 : vector<16xf32>
        %le3A_356 = arith.cmpf ole, %broadcast_in_dim3A_295, %get3A_190 : vector<16xf32>
        %neg3A_357 = arith.constant 0.000000e+00 : f32
        %neg3A_358 = vector.broadcast %neg3A_357 : f32 to vector<16xf32>
        %neg3A_359 = arith.subf %neg3A_358, %sub3A_355 : vector<16xf32>
        %select_n3A_360 = arith.select %le3A_356, %sub3A_355, %neg3A_359 : vector<16xi1>, vector<16xf32>
        %max3A_361 = arith.constant 0.000000e+00 : f32
        %max3A_362 = vector.broadcast %max3A_361 : f32 to vector<16xf32>
        %max3A_363 = arith.maximumf %select_n3A_360, %max3A_362 : vector<16xf32>
        %add3A_364 = arith.addf %scan3A_281, %max3A_363 : vector<16xf32>
        %sub3A_365 = arith.subf %broadcast_in_dim3A_289, %get3A_130 : vector<16xf32>
        %le3A_366 = arith.cmpf ole, %broadcast_in_dim3A_295, %get3A_195 : vector<16xf32>
        %neg3A_367 = arith.constant 0.000000e+00 : f32
        %neg3A_368 = vector.broadcast %neg3A_367 : f32 to vector<16xf32>
        %neg3A_369 = arith.subf %neg3A_368, %sub3A_365 : vector<16xf32>
        %select_n3A_370 = arith.select %le3A_366, %sub3A_365, %neg3A_369 : vector<16xi1>, vector<16xf32>
        %max3A_371 = arith.constant 0.000000e+00 : f32
        %max3A_372 = vector.broadcast %max3A_371 : f32 to vector<16xf32>
        %max3A_373 = arith.maximumf %select_n3A_370, %max3A_372 : vector<16xf32>
        %add3A_374 = arith.addf %scan3A_282, %max3A_373 : vector<16xf32>
        scf.yield %add3A_304, %add3A_314, %add3A_324, %add3A_334, %add3A_344, %add3A_354, %add3A_364, %add3A_374 : vector<16xf32>, vector<16xf32>, vector<16xf32>, vector<16xf32>, vector<16xf32>, vector<16xf32>, vector<16xf32>, vector<16xf32>
      }
      %scan3A_231 = arith.constant 16 : i32
      %scan3A_232 = arith.constant 0 : i32
      %scan3A_233 = arith.constant 16 : i32
      %scan3A_234 = arith.addi %scan3A_232, %scan3A_233 : i32
      %scan3A_235 = arith.constant 1 : i32
      %scan3A_236:7 = scf.for %scan3A_274 = %scan3A_232 to %scan3A_234 step %scan3A_235 iter_args(%scan3A_275 = %scan3A_230#1, %scan3A_276 = %scan3A_230#2, %scan3A_277 = %scan3A_230#3, %scan3A_278 = %scan3A_230#4, %scan3A_279 = %scan3A_230#5, %scan3A_280 = %scan3A_230#6, %scan3A_281 = %scan3A_230#7) -> (vector<16xf32>, vector<16xf32>, vector<16xf32>, vector<16xf32>, vector<16xf32>, vector<16xf32>, vector<16xf32>)  : i32 {
        %add3A_282 = arith.constant 96 : i32
        %add3A_283 = arith.addi %mul3A_66, %add3A_282 : i32
        %add3A_284 = arith.addi %add3A_283, %scan3A_274 : i32
        %get3A_285 = arith.index_cast %add3A_284 : i32 to index
        %get3A_286 = tpu.vector_load %arg7[%get3A_285] {strides = array<i32>} : memref<3968xf32, #tpu.memory_space<vmem>>, vector<16xf32>,
        %get3A_287 = vector.shape_cast %get3A_286 : vector<16xf32> to vector<16xf32>
        %slice3A = vector.extract_strided_slice %get3A_287 {offsets = [0], sizes = [1], strides = [1]} : vector<16xf32> to vector<1xf32>
        %squeeze3A = vector.extract %slice3A[0] : f32 from vector<1xf32>
        %broadcast_in_dim3A_288 = vector.broadcast %squeeze3A : f32 to vector<16xf32>
        %get3A_289 = arith.index_cast %add3A_284 : i32 to index
        %get3A_290 = tpu.vector_load %arg8[%get3A_289] {strides = array<i32>} : memref<3968xf32, #tpu.memory_space<vmem>>, vector<16xf32>,
        %get3A_291 = vector.shape_cast %get3A_290 : vector<16xf32> to vector<16xf32>
        %slice3A_292 = vector.extract_strided_slice %get3A_291 {offsets = [0], sizes = [1], strides = [1]} : vector<16xf32> to vector<1xf32>
        %squeeze3A_293 = vector.extract %slice3A_292[0] : f32 from vector<1xf32>
        %broadcast_in_dim3A_294 = vector.broadcast %squeeze3A_293 : f32 to vector<16xf32>
        %broadcast_in_dim3A_295 = vector.broadcast %scan3A_274 : i32 to vector<16xi32>
        %gt3A = arith.cmpi sgt, %iota3A, %broadcast_in_dim3A_295 : vector<16xi32>
        %sub3A_296 = arith.subf %broadcast_in_dim3A_288, %get3A_100 : vector<16xf32>
        %le3A = arith.cmpf ole, %broadcast_in_dim3A_294, %get3A_165 : vector<16xf32>
        %neg3A = arith.constant 0.000000e+00 : f32
        %neg3A_297 = vector.broadcast %neg3A : f32 to vector<16xf32>
        %neg3A_298 = arith.subf %neg3A_297, %sub3A_296 : vector<16xf32>
        %select_n3A_299 = arith.select %le3A, %sub3A_296, %neg3A_298 : vector<16xi1>, vector<16xf32>
        %max3A = arith.constant 0.000000e+00 : f32
        %max3A_300 = vector.broadcast %max3A : f32 to vector<16xf32>
        %max3A_301 = arith.maximumf %select_n3A_299, %max3A_300 : vector<16xf32>
        %select_n3A_302 = arith.select %gt3A, %max3A_301, %broadcast_in_dim3A_29 : vector<16xi1>, vector<16xf32>
        %add3A_303 = arith.addf %scan3A_275, %select_n3A_302 : vector<16xf32>
        %sub3A_304 = arith.subf %broadcast_in_dim3A_288, %get3A_105 : vector<16xf32>
        %le3A_305 = arith.cmpf ole, %broadcast_in_dim3A_294, %get3A_170 : vector<16xf32>
        %neg3A_306 = arith.constant 0.000000e+00 : f32
        %neg3A_307 = vector.broadcast %neg3A_306 : f32 to vector<16xf32>
        %neg3A_308 = arith.subf %neg3A_307, %sub3A_304 : vector<16xf32>
        %select_n3A_309 = arith.select %le3A_305, %sub3A_304, %neg3A_308 : vector<16xi1>, vector<16xf32>
        %max3A_310 = arith.constant 0.000000e+00 : f32
        %max3A_311 = vector.broadcast %max3A_310 : f32 to vector<16xf32>
        %max3A_312 = arith.maximumf %select_n3A_309, %max3A_311 : vector<16xf32>
        %add3A_313 = arith.addf %scan3A_276, %max3A_312 : vector<16xf32>
        %sub3A_314 = arith.subf %broadcast_in_dim3A_288, %get3A_110 : vector<16xf32>
        %le3A_315 = arith.cmpf ole, %broadcast_in_dim3A_294, %get3A_175 : vector<16xf32>
        %neg3A_316 = arith.constant 0.000000e+00 : f32
        %neg3A_317 = vector.broadcast %neg3A_316 : f32 to vector<16xf32>
        %neg3A_318 = arith.subf %neg3A_317, %sub3A_314 : vector<16xf32>
        %select_n3A_319 = arith.select %le3A_315, %sub3A_314, %neg3A_318 : vector<16xi1>, vector<16xf32>
        %max3A_320 = arith.constant 0.000000e+00 : f32
        %max3A_321 = vector.broadcast %max3A_320 : f32 to vector<16xf32>
        %max3A_322 = arith.maximumf %select_n3A_319, %max3A_321 : vector<16xf32>
        %add3A_323 = arith.addf %scan3A_277, %max3A_322 : vector<16xf32>
        %sub3A_324 = arith.subf %broadcast_in_dim3A_288, %get3A_115 : vector<16xf32>
        %le3A_325 = arith.cmpf ole, %broadcast_in_dim3A_294, %get3A_180 : vector<16xf32>
        %neg3A_326 = arith.constant 0.000000e+00 : f32
        %neg3A_327 = vector.broadcast %neg3A_326 : f32 to vector<16xf32>
        %neg3A_328 = arith.subf %neg3A_327, %sub3A_324 : vector<16xf32>
        %select_n3A_329 = arith.select %le3A_325, %sub3A_324, %neg3A_328 : vector<16xi1>, vector<16xf32>
        %max3A_330 = arith.constant 0.000000e+00 : f32
        %max3A_331 = vector.broadcast %max3A_330 : f32 to vector<16xf32>
        %max3A_332 = arith.maximumf %select_n3A_329, %max3A_331 : vector<16xf32>
        %add3A_333 = arith.addf %scan3A_278, %max3A_332 : vector<16xf32>
        %sub3A_334 = arith.subf %broadcast_in_dim3A_288, %get3A_120 : vector<16xf32>
        %le3A_335 = arith.cmpf ole, %broadcast_in_dim3A_294, %get3A_185 : vector<16xf32>
        %neg3A_336 = arith.constant 0.000000e+00 : f32
        %neg3A_337 = vector.broadcast %neg3A_336 : f32 to vector<16xf32>
        %neg3A_338 = arith.subf %neg3A_337, %sub3A_334 : vector<16xf32>
        %select_n3A_339 = arith.select %le3A_335, %sub3A_334, %neg3A_338 : vector<16xi1>, vector<16xf32>
        %max3A_340 = arith.constant 0.000000e+00 : f32
        %max3A_341 = vector.broadcast %max3A_340 : f32 to vector<16xf32>
        %max3A_342 = arith.maximumf %select_n3A_339, %max3A_341 : vector<16xf32>
        %add3A_343 = arith.addf %scan3A_279, %max3A_342 : vector<16xf32>
        %sub3A_344 = arith.subf %broadcast_in_dim3A_288, %get3A_125 : vector<16xf32>
        %le3A_345 = arith.cmpf ole, %broadcast_in_dim3A_294, %get3A_190 : vector<16xf32>
        %neg3A_346 = arith.constant 0.000000e+00 : f32
        %neg3A_347 = vector.broadcast %neg3A_346 : f32 to vector<16xf32>
        %neg3A_348 = arith.subf %neg3A_347, %sub3A_344 : vector<16xf32>
        %select_n3A_349 = arith.select %le3A_345, %sub3A_344, %neg3A_348 : vector<16xi1>, vector<16xf32>
        %max3A_350 = arith.constant 0.000000e+00 : f32
        %max3A_351 = vector.broadcast %max3A_350 : f32 to vector<16xf32>
        %max3A_352 = arith.maximumf %select_n3A_349, %max3A_351 : vector<16xf32>
        %add3A_353 = arith.addf %scan3A_280, %max3A_352 : vector<16xf32>
        %sub3A_354 = arith.subf %broadcast_in_dim3A_288, %get3A_130 : vector<16xf32>
        %le3A_355 = arith.cmpf ole, %broadcast_in_dim3A_294, %get3A_195 : vector<16xf32>
        %neg3A_356 = arith.constant 0.000000e+00 : f32
        %neg3A_357 = vector.broadcast %neg3A_356 : f32 to vector<16xf32>
        %neg3A_358 = arith.subf %neg3A_357, %sub3A_354 : vector<16xf32>
        %select_n3A_359 = arith.select %le3A_355, %sub3A_354, %neg3A_358 : vector<16xi1>, vector<16xf32>
        %max3A_360 = arith.constant 0.000000e+00 : f32
        %max3A_361 = vector.broadcast %max3A_360 : f32 to vector<16xf32>
        %max3A_362 = arith.maximumf %select_n3A_359, %max3A_361 : vector<16xf32>
        %add3A_363 = arith.addf %scan3A_281, %max3A_362 : vector<16xf32>
        scf.yield %add3A_303, %add3A_313, %add3A_323, %add3A_333, %add3A_343, %add3A_353, %add3A_363 : vector<16xf32>, vector<16xf32>, vector<16xf32>, vector<16xf32>, vector<16xf32>, vector<16xf32>, vector<16xf32>
      }
      %scan3A_237 = arith.constant 16 : i32
      %scan3A_238 = arith.constant 0 : i32
      %scan3A_239 = arith.constant 16 : i32
      %scan3A_240 = arith.addi %scan3A_238, %scan3A_239 : i32
      %scan3A_241 = arith.constant 1 : i32
      %scan3A_242:6 = scf.for %scan3A_274 = %scan3A_238 to %scan3A_240 step %scan3A_241 iter_args(%scan3A_275 = %scan3A_236#1, %scan3A_276 = %scan3A_236#2, %scan3A_277 = %scan3A_236#3, %scan3A_278 = %scan3A_236#4, %scan3A_279 = %scan3A_236#5, %scan3A_280 = %scan3A_236#6) -> (vector<16xf32>, vector<16xf32>, vector<16xf32>, vector<16xf32>, vector<16xf32>, vector<16xf32>)  : i32 {
        %add3A_281 = arith.constant 112 : i32
        %add3A_282 = arith.addi %mul3A_66, %add3A_281 : i32
        %add3A_283 = arith.addi %add3A_282, %scan3A_274 : i32
        %get3A_284 = arith.index_cast %add3A_283 : i32 to index
        %get3A_285 = tpu.vector_load %arg7[%get3A_284] {strides = array<i32>} : memref<3968xf32, #tpu.memory_space<vmem>>, vector<16xf32>,
        %get3A_286 = vector.shape_cast %get3A_285 : vector<16xf32> to vector<16xf32>
        %slice3A = vector.extract_strided_slice %get3A_286 {offsets = [0], sizes = [1], strides = [1]} : vector<16xf32> to vector<1xf32>
        %squeeze3A = vector.extract %slice3A[0] : f32 from vector<1xf32>
        %broadcast_in_dim3A_287 = vector.broadcast %squeeze3A : f32 to vector<16xf32>
        %get3A_288 = arith.index_cast %add3A_283 : i32 to index
        %get3A_289 = tpu.vector_load %arg8[%get3A_288] {strides = array<i32>} : memref<3968xf32, #tpu.memory_space<vmem>>, vector<16xf32>,
        %get3A_290 = vector.shape_cast %get3A_289 : vector<16xf32> to vector<16xf32>
        %slice3A_291 = vector.extract_strided_slice %get3A_290 {offsets = [0], sizes = [1], strides = [1]} : vector<16xf32> to vector<1xf32>
        %squeeze3A_292 = vector.extract %slice3A_291[0] : f32 from vector<1xf32>
        %broadcast_in_dim3A_293 = vector.broadcast %squeeze3A_292 : f32 to vector<16xf32>
        %broadcast_in_dim3A_294 = vector.broadcast %scan3A_274 : i32 to vector<16xi32>
        %gt3A = arith.cmpi sgt, %iota3A, %broadcast_in_dim3A_294 : vector<16xi32>
        %sub3A_295 = arith.subf %broadcast_in_dim3A_287, %get3A_105 : vector<16xf32>
        %le3A = arith.cmpf ole, %broadcast_in_dim3A_293, %get3A_170 : vector<16xf32>
        %neg3A = arith.constant 0.000000e+00 : f32
        %neg3A_296 = vector.broadcast %neg3A : f32 to vector<16xf32>
        %neg3A_297 = arith.subf %neg3A_296, %sub3A_295 : vector<16xf32>
        %select_n3A_298 = arith.select %le3A, %sub3A_295, %neg3A_297 : vector<16xi1>, vector<16xf32>
        %max3A = arith.constant 0.000000e+00 : f32
        %max3A_299 = vector.broadcast %max3A : f32 to vector<16xf32>
        %max3A_300 = arith.maximumf %select_n3A_298, %max3A_299 : vector<16xf32>
        %select_n3A_301 = arith.select %gt3A, %max3A_300, %broadcast_in_dim3A_29 : vector<16xi1>, vector<16xf32>
        %add3A_302 = arith.addf %scan3A_275, %select_n3A_301 : vector<16xf32>
        %sub3A_303 = arith.subf %broadcast_in_dim3A_287, %get3A_110 : vector<16xf32>
        %le3A_304 = arith.cmpf ole, %broadcast_in_dim3A_293, %get3A_175 : vector<16xf32>
        %neg3A_305 = arith.constant 0.000000e+00 : f32
        %neg3A_306 = vector.broadcast %neg3A_305 : f32 to vector<16xf32>
        %neg3A_307 = arith.subf %neg3A_306, %sub3A_303 : vector<16xf32>
        %select_n3A_308 = arith.select %le3A_304, %sub3A_303, %neg3A_307 : vector<16xi1>, vector<16xf32>
        %max3A_309 = arith.constant 0.000000e+00 : f32
        %max3A_310 = vector.broadcast %max3A_309 : f32 to vector<16xf32>
        %max3A_311 = arith.maximumf %select_n3A_308, %max3A_310 : vector<16xf32>
        %add3A_312 = arith.addf %scan3A_276, %max3A_311 : vector<16xf32>
        %sub3A_313 = arith.subf %broadcast_in_dim3A_287, %get3A_115 : vector<16xf32>
        %le3A_314 = arith.cmpf ole, %broadcast_in_dim3A_293, %get3A_180 : vector<16xf32>
        %neg3A_315 = arith.constant 0.000000e+00 : f32
        %neg3A_316 = vector.broadcast %neg3A_315 : f32 to vector<16xf32>
        %neg3A_317 = arith.subf %neg3A_316, %sub3A_313 : vector<16xf32>
        %select_n3A_318 = arith.select %le3A_314, %sub3A_313, %neg3A_317 : vector<16xi1>, vector<16xf32>
        %max3A_319 = arith.constant 0.000000e+00 : f32
        %max3A_320 = vector.broadcast %max3A_319 : f32 to vector<16xf32>
        %max3A_321 = arith.maximumf %select_n3A_318, %max3A_320 : vector<16xf32>
        %add3A_322 = arith.addf %scan3A_277, %max3A_321 : vector<16xf32>
        %sub3A_323 = arith.subf %broadcast_in_dim3A_287, %get3A_120 : vector<16xf32>
        %le3A_324 = arith.cmpf ole, %broadcast_in_dim3A_293, %get3A_185 : vector<16xf32>
        %neg3A_325 = arith.constant 0.000000e+00 : f32
        %neg3A_326 = vector.broadcast %neg3A_325 : f32 to vector<16xf32>
        %neg3A_327 = arith.subf %neg3A_326, %sub3A_323 : vector<16xf32>
        %select_n3A_328 = arith.select %le3A_324, %sub3A_323, %neg3A_327 : vector<16xi1>, vector<16xf32>
        %max3A_329 = arith.constant 0.000000e+00 : f32
        %max3A_330 = vector.broadcast %max3A_329 : f32 to vector<16xf32>
        %max3A_331 = arith.maximumf %select_n3A_328, %max3A_330 : vector<16xf32>
        %add3A_332 = arith.addf %scan3A_278, %max3A_331 : vector<16xf32>
        %sub3A_333 = arith.subf %broadcast_in_dim3A_287, %get3A_125 : vector<16xf32>
        %le3A_334 = arith.cmpf ole, %broadcast_in_dim3A_293, %get3A_190 : vector<16xf32>
        %neg3A_335 = arith.constant 0.000000e+00 : f32
        %neg3A_336 = vector.broadcast %neg3A_335 : f32 to vector<16xf32>
        %neg3A_337 = arith.subf %neg3A_336, %sub3A_333 : vector<16xf32>
        %select_n3A_338 = arith.select %le3A_334, %sub3A_333, %neg3A_337 : vector<16xi1>, vector<16xf32>
        %max3A_339 = arith.constant 0.000000e+00 : f32
        %max3A_340 = vector.broadcast %max3A_339 : f32 to vector<16xf32>
        %max3A_341 = arith.maximumf %select_n3A_338, %max3A_340 : vector<16xf32>
        %add3A_342 = arith.addf %scan3A_279, %max3A_341 : vector<16xf32>
        %sub3A_343 = arith.subf %broadcast_in_dim3A_287, %get3A_130 : vector<16xf32>
        %le3A_344 = arith.cmpf ole, %broadcast_in_dim3A_293, %get3A_195 : vector<16xf32>
        %neg3A_345 = arith.constant 0.000000e+00 : f32
        %neg3A_346 = vector.broadcast %neg3A_345 : f32 to vector<16xf32>
        %neg3A_347 = arith.subf %neg3A_346, %sub3A_343 : vector<16xf32>
        %select_n3A_348 = arith.select %le3A_344, %sub3A_343, %neg3A_347 : vector<16xi1>, vector<16xf32>
        %max3A_349 = arith.constant 0.000000e+00 : f32
        %max3A_350 = vector.broadcast %max3A_349 : f32 to vector<16xf32>
        %max3A_351 = arith.maximumf %select_n3A_348, %max3A_350 : vector<16xf32>
        %add3A_352 = arith.addf %scan3A_280, %max3A_351 : vector<16xf32>
        scf.yield %add3A_302, %add3A_312, %add3A_322, %add3A_332, %add3A_342, %add3A_352 : vector<16xf32>, vector<16xf32>, vector<16xf32>, vector<16xf32>, vector<16xf32>, vector<16xf32>
      }
      %scan3A_243 = arith.constant 16 : i32
      %scan3A_244 = arith.constant 0 : i32
      %scan3A_245 = arith.constant 16 : i32
      %scan3A_246 = arith.addi %scan3A_244, %scan3A_245 : i32
      %scan3A_247 = arith.constant 1 : i32
      %scan3A_248:5 = scf.for %scan3A_274 = %scan3A_244 to %scan3A_246 step %scan3A_247 iter_args(%scan3A_275 = %scan3A_242#1, %scan3A_276 = %scan3A_242#2, %scan3A_277 = %scan3A_242#3, %scan3A_278 = %scan3A_242#4, %scan3A_279 = %scan3A_242#5) -> (vector<16xf32>, vector<16xf32>, vector<16xf32>, vector<16xf32>, vector<16xf32>)  : i32 {
        %add3A_280 = arith.constant 128 : i32
        %add3A_281 = arith.addi %mul3A_66, %add3A_280 : i32
        %add3A_282 = arith.addi %add3A_281, %scan3A_274 : i32
        %get3A_283 = arith.index_cast %add3A_282 : i32 to index
        %get3A_284 = tpu.vector_load %arg7[%get3A_283] {strides = array<i32>} : memref<3968xf32, #tpu.memory_space<vmem>>, vector<16xf32>,
        %get3A_285 = vector.shape_cast %get3A_284 : vector<16xf32> to vector<16xf32>
        %slice3A = vector.extract_strided_slice %get3A_285 {offsets = [0], sizes = [1], strides = [1]} : vector<16xf32> to vector<1xf32>
        %squeeze3A = vector.extract %slice3A[0] : f32 from vector<1xf32>
        %broadcast_in_dim3A_286 = vector.broadcast %squeeze3A : f32 to vector<16xf32>
        %get3A_287 = arith.index_cast %add3A_282 : i32 to index
        %get3A_288 = tpu.vector_load %arg8[%get3A_287] {strides = array<i32>} : memref<3968xf32, #tpu.memory_space<vmem>>, vector<16xf32>,
        %get3A_289 = vector.shape_cast %get3A_288 : vector<16xf32> to vector<16xf32>
        %slice3A_290 = vector.extract_strided_slice %get3A_289 {offsets = [0], sizes = [1], strides = [1]} : vector<16xf32> to vector<1xf32>
        %squeeze3A_291 = vector.extract %slice3A_290[0] : f32 from vector<1xf32>
        %broadcast_in_dim3A_292 = vector.broadcast %squeeze3A_291 : f32 to vector<16xf32>
        %broadcast_in_dim3A_293 = vector.broadcast %scan3A_274 : i32 to vector<16xi32>
        %gt3A = arith.cmpi sgt, %iota3A, %broadcast_in_dim3A_293 : vector<16xi32>
        %sub3A_294 = arith.subf %broadcast_in_dim3A_286, %get3A_110 : vector<16xf32>
        %le3A = arith.cmpf ole, %broadcast_in_dim3A_292, %get3A_175 : vector<16xf32>
        %neg3A = arith.constant 0.000000e+00 : f32
        %neg3A_295 = vector.broadcast %neg3A : f32 to vector<16xf32>
        %neg3A_296 = arith.subf %neg3A_295, %sub3A_294 : vector<16xf32>
        %select_n3A_297 = arith.select %le3A, %sub3A_294, %neg3A_296 : vector<16xi1>, vector<16xf32>
        %max3A = arith.constant 0.000000e+00 : f32
        %max3A_298 = vector.broadcast %max3A : f32 to vector<16xf32>
        %max3A_299 = arith.maximumf %select_n3A_297, %max3A_298 : vector<16xf32>
        %select_n3A_300 = arith.select %gt3A, %max3A_299, %broadcast_in_dim3A_29 : vector<16xi1>, vector<16xf32>
        %add3A_301 = arith.addf %scan3A_275, %select_n3A_300 : vector<16xf32>
        %sub3A_302 = arith.subf %broadcast_in_dim3A_286, %get3A_115 : vector<16xf32>
        %le3A_303 = arith.cmpf ole, %broadcast_in_dim3A_292, %get3A_180 : vector<16xf32>
        %neg3A_304 = arith.constant 0.000000e+00 : f32
        %neg3A_305 = vector.broadcast %neg3A_304 : f32 to vector<16xf32>
        %neg3A_306 = arith.subf %neg3A_305, %sub3A_302 : vector<16xf32>
        %select_n3A_307 = arith.select %le3A_303, %sub3A_302, %neg3A_306 : vector<16xi1>, vector<16xf32>
        %max3A_308 = arith.constant 0.000000e+00 : f32
        %max3A_309 = vector.broadcast %max3A_308 : f32 to vector<16xf32>
        %max3A_310 = arith.maximumf %select_n3A_307, %max3A_309 : vector<16xf32>
        %add3A_311 = arith.addf %scan3A_276, %max3A_310 : vector<16xf32>
        %sub3A_312 = arith.subf %broadcast_in_dim3A_286, %get3A_120 : vector<16xf32>
        %le3A_313 = arith.cmpf ole, %broadcast_in_dim3A_292, %get3A_185 : vector<16xf32>
        %neg3A_314 = arith.constant 0.000000e+00 : f32
        %neg3A_315 = vector.broadcast %neg3A_314 : f32 to vector<16xf32>
        %neg3A_316 = arith.subf %neg3A_315, %sub3A_312 : vector<16xf32>
        %select_n3A_317 = arith.select %le3A_313, %sub3A_312, %neg3A_316 : vector<16xi1>, vector<16xf32>
        %max3A_318 = arith.constant 0.000000e+00 : f32
        %max3A_319 = vector.broadcast %max3A_318 : f32 to vector<16xf32>
        %max3A_320 = arith.maximumf %select_n3A_317, %max3A_319 : vector<16xf32>
        %add3A_321 = arith.addf %scan3A_277, %max3A_320 : vector<16xf32>
        %sub3A_322 = arith.subf %broadcast_in_dim3A_286, %get3A_125 : vector<16xf32>
        %le3A_323 = arith.cmpf ole, %broadcast_in_dim3A_292, %get3A_190 : vector<16xf32>
        %neg3A_324 = arith.constant 0.000000e+00 : f32
        %neg3A_325 = vector.broadcast %neg3A_324 : f32 to vector<16xf32>
        %neg3A_326 = arith.subf %neg3A_325, %sub3A_322 : vector<16xf32>
        %select_n3A_327 = arith.select %le3A_323, %sub3A_322, %neg3A_326 : vector<16xi1>, vector<16xf32>
        %max3A_328 = arith.constant 0.000000e+00 : f32
        %max3A_329 = vector.broadcast %max3A_328 : f32 to vector<16xf32>
        %max3A_330 = arith.maximumf %select_n3A_327, %max3A_329 : vector<16xf32>
        %add3A_331 = arith.addf %scan3A_278, %max3A_330 : vector<16xf32>
        %sub3A_332 = arith.subf %broadcast_in_dim3A_286, %get3A_130 : vector<16xf32>
        %le3A_333 = arith.cmpf ole, %broadcast_in_dim3A_292, %get3A_195 : vector<16xf32>
        %neg3A_334 = arith.constant 0.000000e+00 : f32
        %neg3A_335 = vector.broadcast %neg3A_334 : f32 to vector<16xf32>
        %neg3A_336 = arith.subf %neg3A_335, %sub3A_332 : vector<16xf32>
        %select_n3A_337 = arith.select %le3A_333, %sub3A_332, %neg3A_336 : vector<16xi1>, vector<16xf32>
        %max3A_338 = arith.constant 0.000000e+00 : f32
        %max3A_339 = vector.broadcast %max3A_338 : f32 to vector<16xf32>
        %max3A_340 = arith.maximumf %select_n3A_337, %max3A_339 : vector<16xf32>
        %add3A_341 = arith.addf %scan3A_279, %max3A_340 : vector<16xf32>
        scf.yield %add3A_301, %add3A_311, %add3A_321, %add3A_331, %add3A_341 : vector<16xf32>, vector<16xf32>, vector<16xf32>, vector<16xf32>, vector<16xf32>
      }
      %scan3A_249 = arith.constant 16 : i32
      %scan3A_250 = arith.constant 0 : i32
      %scan3A_251 = arith.constant 16 : i32
      %scan3A_252 = arith.addi %scan3A_250, %scan3A_251 : i32
      %scan3A_253 = arith.constant 1 : i32
      %scan3A_254:4 = scf.for %scan3A_274 = %scan3A_250 to %scan3A_252 step %scan3A_253 iter_args(%scan3A_275 = %scan3A_248#1, %scan3A_276 = %scan3A_248#2, %scan3A_277 = %scan3A_248#3, %scan3A_278 = %scan3A_248#4) -> (vector<16xf32>, vector<16xf32>, vector<16xf32>, vector<16xf32>)  : i32 {
        %add3A_279 = arith.constant 144 : i32
        %add3A_280 = arith.addi %mul3A_66, %add3A_279 : i32
        %add3A_281 = arith.addi %add3A_280, %scan3A_274 : i32
        %get3A_282 = arith.index_cast %add3A_281 : i32 to index
        %get3A_283 = tpu.vector_load %arg7[%get3A_282] {strides = array<i32>} : memref<3968xf32, #tpu.memory_space<vmem>>, vector<16xf32>,
        %get3A_284 = vector.shape_cast %get3A_283 : vector<16xf32> to vector<16xf32>
        %slice3A = vector.extract_strided_slice %get3A_284 {offsets = [0], sizes = [1], strides = [1]} : vector<16xf32> to vector<1xf32>
        %squeeze3A = vector.extract %slice3A[0] : f32 from vector<1xf32>
        %broadcast_in_dim3A_285 = vector.broadcast %squeeze3A : f32 to vector<16xf32>
        %get3A_286 = arith.index_cast %add3A_281 : i32 to index
        %get3A_287 = tpu.vector_load %arg8[%get3A_286] {strides = array<i32>} : memref<3968xf32, #tpu.memory_space<vmem>>, vector<16xf32>,
        %get3A_288 = vector.shape_cast %get3A_287 : vector<16xf32> to vector<16xf32>
        %slice3A_289 = vector.extract_strided_slice %get3A_288 {offsets = [0], sizes = [1], strides = [1]} : vector<16xf32> to vector<1xf32>
        %squeeze3A_290 = vector.extract %slice3A_289[0] : f32 from vector<1xf32>
        %broadcast_in_dim3A_291 = vector.broadcast %squeeze3A_290 : f32 to vector<16xf32>
        %broadcast_in_dim3A_292 = vector.broadcast %scan3A_274 : i32 to vector<16xi32>
        %gt3A = arith.cmpi sgt, %iota3A, %broadcast_in_dim3A_292 : vector<16xi32>
        %sub3A_293 = arith.subf %broadcast_in_dim3A_285, %get3A_115 : vector<16xf32>
        %le3A = arith.cmpf ole, %broadcast_in_dim3A_291, %get3A_180 : vector<16xf32>
        %neg3A = arith.constant 0.000000e+00 : f32
        %neg3A_294 = vector.broadcast %neg3A : f32 to vector<16xf32>
        %neg3A_295 = arith.subf %neg3A_294, %sub3A_293 : vector<16xf32>
        %select_n3A_296 = arith.select %le3A, %sub3A_293, %neg3A_295 : vector<16xi1>, vector<16xf32>
        %max3A = arith.constant 0.000000e+00 : f32
        %max3A_297 = vector.broadcast %max3A : f32 to vector<16xf32>
        %max3A_298 = arith.maximumf %select_n3A_296, %max3A_297 : vector<16xf32>
        %select_n3A_299 = arith.select %gt3A, %max3A_298, %broadcast_in_dim3A_29 : vector<16xi1>, vector<16xf32>
        %add3A_300 = arith.addf %scan3A_275, %select_n3A_299 : vector<16xf32>
        %sub3A_301 = arith.subf %broadcast_in_dim3A_285, %get3A_120 : vector<16xf32>
        %le3A_302 = arith.cmpf ole, %broadcast_in_dim3A_291, %get3A_185 : vector<16xf32>
        %neg3A_303 = arith.constant 0.000000e+00 : f32
        %neg3A_304 = vector.broadcast %neg3A_303 : f32 to vector<16xf32>
        %neg3A_305 = arith.subf %neg3A_304, %sub3A_301 : vector<16xf32>
        %select_n3A_306 = arith.select %le3A_302, %sub3A_301, %neg3A_305 : vector<16xi1>, vector<16xf32>
        %max3A_307 = arith.constant 0.000000e+00 : f32
        %max3A_308 = vector.broadcast %max3A_307 : f32 to vector<16xf32>
        %max3A_309 = arith.maximumf %select_n3A_306, %max3A_308 : vector<16xf32>
        %add3A_310 = arith.addf %scan3A_276, %max3A_309 : vector<16xf32>
        %sub3A_311 = arith.subf %broadcast_in_dim3A_285, %get3A_125 : vector<16xf32>
        %le3A_312 = arith.cmpf ole, %broadcast_in_dim3A_291, %get3A_190 : vector<16xf32>
        %neg3A_313 = arith.constant 0.000000e+00 : f32
        %neg3A_314 = vector.broadcast %neg3A_313 : f32 to vector<16xf32>
        %neg3A_315 = arith.subf %neg3A_314, %sub3A_311 : vector<16xf32>
        %select_n3A_316 = arith.select %le3A_312, %sub3A_311, %neg3A_315 : vector<16xi1>, vector<16xf32>
        %max3A_317 = arith.constant 0.000000e+00 : f32
        %max3A_318 = vector.broadcast %max3A_317 : f32 to vector<16xf32>
        %max3A_319 = arith.maximumf %select_n3A_316, %max3A_318 : vector<16xf32>
        %add3A_320 = arith.addf %scan3A_277, %max3A_319 : vector<16xf32>
        %sub3A_321 = arith.subf %broadcast_in_dim3A_285, %get3A_130 : vector<16xf32>
        %le3A_322 = arith.cmpf ole, %broadcast_in_dim3A_291, %get3A_195 : vector<16xf32>
        %neg3A_323 = arith.constant 0.000000e+00 : f32
        %neg3A_324 = vector.broadcast %neg3A_323 : f32 to vector<16xf32>
        %neg3A_325 = arith.subf %neg3A_324, %sub3A_321 : vector<16xf32>
        %select_n3A_326 = arith.select %le3A_322, %sub3A_321, %neg3A_325 : vector<16xi1>, vector<16xf32>
        %max3A_327 = arith.constant 0.000000e+00 : f32
        %max3A_328 = vector.broadcast %max3A_327 : f32 to vector<16xf32>
        %max3A_329 = arith.maximumf %select_n3A_326, %max3A_328 : vector<16xf32>
        %add3A_330 = arith.addf %scan3A_278, %max3A_329 : vector<16xf32>
        scf.yield %add3A_300, %add3A_310, %add3A_320, %add3A_330 : vector<16xf32>, vector<16xf32>, vector<16xf32>, vector<16xf32>
      }
      %scan3A_255 = arith.constant 16 : i32
      %scan3A_256 = arith.constant 0 : i32
      %scan3A_257 = arith.constant 16 : i32
      %scan3A_258 = arith.addi %scan3A_256, %scan3A_257 : i32
      %scan3A_259 = arith.constant 1 : i32
      %scan3A_260:3 = scf.for %scan3A_274 = %scan3A_256 to %scan3A_258 step %scan3A_259 iter_args(%scan3A_275 = %scan3A_254#1, %scan3A_276 = %scan3A_254#2, %scan3A_277 = %scan3A_254#3) -> (vector<16xf32>, vector<16xf32>, vector<16xf32>)  : i32 {
        %add3A_278 = arith.constant 160 : i32
        %add3A_279 = arith.addi %mul3A_66, %add3A_278 : i32
        %add3A_280 = arith.addi %add3A_279, %scan3A_274 : i32
        %get3A_281 = arith.index_cast %add3A_280 : i32 to index
        %get3A_282 = tpu.vector_load %arg7[%get3A_281] {strides = array<i32>} : memref<3968xf32, #tpu.memory_space<vmem>>, vector<16xf32>,
        %get3A_283 = vector.shape_cast %get3A_282 : vector<16xf32> to vector<16xf32>
        %slice3A = vector.extract_strided_slice %get3A_283 {offsets = [0], sizes = [1], strides = [1]} : vector<16xf32> to vector<1xf32>
        %squeeze3A = vector.extract %slice3A[0] : f32 from vector<1xf32>
        %broadcast_in_dim3A_284 = vector.broadcast %squeeze3A : f32 to vector<16xf32>
        %get3A_285 = arith.index_cast %add3A_280 : i32 to index
        %get3A_286 = tpu.vector_load %arg8[%get3A_285] {strides = array<i32>} : memref<3968xf32, #tpu.memory_space<vmem>>, vector<16xf32>,
        %get3A_287 = vector.shape_cast %get3A_286 : vector<16xf32> to vector<16xf32>
        %slice3A_288 = vector.extract_strided_slice %get3A_287 {offsets = [0], sizes = [1], strides = [1]} : vector<16xf32> to vector<1xf32>
        %squeeze3A_289 = vector.extract %slice3A_288[0] : f32 from vector<1xf32>
        %broadcast_in_dim3A_290 = vector.broadcast %squeeze3A_289 : f32 to vector<16xf32>
        %broadcast_in_dim3A_291 = vector.broadcast %scan3A_274 : i32 to vector<16xi32>
        %gt3A = arith.cmpi sgt, %iota3A, %broadcast_in_dim3A_291 : vector<16xi32>
        %sub3A_292 = arith.subf %broadcast_in_dim3A_284, %get3A_120 : vector<16xf32>
        %le3A = arith.cmpf ole, %broadcast_in_dim3A_290, %get3A_185 : vector<16xf32>
        %neg3A = arith.constant 0.000000e+00 : f32
        %neg3A_293 = vector.broadcast %neg3A : f32 to vector<16xf32>
        %neg3A_294 = arith.subf %neg3A_293, %sub3A_292 : vector<16xf32>
        %select_n3A_295 = arith.select %le3A, %sub3A_292, %neg3A_294 : vector<16xi1>, vector<16xf32>
        %max3A = arith.constant 0.000000e+00 : f32
        %max3A_296 = vector.broadcast %max3A : f32 to vector<16xf32>
        %max3A_297 = arith.maximumf %select_n3A_295, %max3A_296 : vector<16xf32>
        %select_n3A_298 = arith.select %gt3A, %max3A_297, %broadcast_in_dim3A_29 : vector<16xi1>, vector<16xf32>
        %add3A_299 = arith.addf %scan3A_275, %select_n3A_298 : vector<16xf32>
        %sub3A_300 = arith.subf %broadcast_in_dim3A_284, %get3A_125 : vector<16xf32>
        %le3A_301 = arith.cmpf ole, %broadcast_in_dim3A_290, %get3A_190 : vector<16xf32>
        %neg3A_302 = arith.constant 0.000000e+00 : f32
        %neg3A_303 = vector.broadcast %neg3A_302 : f32 to vector<16xf32>
        %neg3A_304 = arith.subf %neg3A_303, %sub3A_300 : vector<16xf32>
        %select_n3A_305 = arith.select %le3A_301, %sub3A_300, %neg3A_304 : vector<16xi1>, vector<16xf32>
        %max3A_306 = arith.constant 0.000000e+00 : f32
        %max3A_307 = vector.broadcast %max3A_306 : f32 to vector<16xf32>
        %max3A_308 = arith.maximumf %select_n3A_305, %max3A_307 : vector<16xf32>
        %add3A_309 = arith.addf %scan3A_276, %max3A_308 : vector<16xf32>
        %sub3A_310 = arith.subf %broadcast_in_dim3A_284, %get3A_130 : vector<16xf32>
        %le3A_311 = arith.cmpf ole, %broadcast_in_dim3A_290, %get3A_195 : vector<16xf32>
        %neg3A_312 = arith.constant 0.000000e+00 : f32
        %neg3A_313 = vector.broadcast %neg3A_312 : f32 to vector<16xf32>
        %neg3A_314 = arith.subf %neg3A_313, %sub3A_310 : vector<16xf32>
        %select_n3A_315 = arith.select %le3A_311, %sub3A_310, %neg3A_314 : vector<16xi1>, vector<16xf32>
        %max3A_316 = arith.constant 0.000000e+00 : f32
        %max3A_317 = vector.broadcast %max3A_316 : f32 to vector<16xf32>
        %max3A_318 = arith.maximumf %select_n3A_315, %max3A_317 : vector<16xf32>
        %add3A_319 = arith.addf %scan3A_277, %max3A_318 : vector<16xf32>
        scf.yield %add3A_299, %add3A_309, %add3A_319 : vector<16xf32>, vector<16xf32>, vector<16xf32>
      }
      %scan3A_261 = arith.constant 16 : i32
      %scan3A_262 = arith.constant 0 : i32
      %scan3A_263 = arith.constant 16 : i32
      %scan3A_264 = arith.addi %scan3A_262, %scan3A_263 : i32
      %scan3A_265 = arith.constant 1 : i32
      %scan3A_266:2 = scf.for %scan3A_274 = %scan3A_262 to %scan3A_264 step %scan3A_265 iter_args(%scan3A_275 = %scan3A_260#1, %scan3A_276 = %scan3A_260#2) -> (vector<16xf32>, vector<16xf32>)  : i32 {
        %add3A_277 = arith.constant 176 : i32
        %add3A_278 = arith.addi %mul3A_66, %add3A_277 : i32
        %add3A_279 = arith.addi %add3A_278, %scan3A_274 : i32
        %get3A_280 = arith.index_cast %add3A_279 : i32 to index
        %get3A_281 = tpu.vector_load %arg7[%get3A_280] {strides = array<i32>} : memref<3968xf32, #tpu.memory_space<vmem>>, vector<16xf32>,
        %get3A_282 = vector.shape_cast %get3A_281 : vector<16xf32> to vector<16xf32>
        %slice3A = vector.extract_strided_slice %get3A_282 {offsets = [0], sizes = [1], strides = [1]} : vector<16xf32> to vector<1xf32>
        %squeeze3A = vector.extract %slice3A[0] : f32 from vector<1xf32>
        %broadcast_in_dim3A_283 = vector.broadcast %squeeze3A : f32 to vector<16xf32>
        %get3A_284 = arith.index_cast %add3A_279 : i32 to index
        %get3A_285 = tpu.vector_load %arg8[%get3A_284] {strides = array<i32>} : memref<3968xf32, #tpu.memory_space<vmem>>, vector<16xf32>,
        %get3A_286 = vector.shape_cast %get3A_285 : vector<16xf32> to vector<16xf32>
        %slice3A_287 = vector.extract_strided_slice %get3A_286 {offsets = [0], sizes = [1], strides = [1]} : vector<16xf32> to vector<1xf32>
        %squeeze3A_288 = vector.extract %slice3A_287[0] : f32 from vector<1xf32>
        %broadcast_in_dim3A_289 = vector.broadcast %squeeze3A_288 : f32 to vector<16xf32>
        %broadcast_in_dim3A_290 = vector.broadcast %scan3A_274 : i32 to vector<16xi32>
        %gt3A = arith.cmpi sgt, %iota3A, %broadcast_in_dim3A_290 : vector<16xi32>
        %sub3A_291 = arith.subf %broadcast_in_dim3A_283, %get3A_125 : vector<16xf32>
        %le3A = arith.cmpf ole, %broadcast_in_dim3A_289, %get3A_190 : vector<16xf32>
        %neg3A = arith.constant 0.000000e+00 : f32
        %neg3A_292 = vector.broadcast %neg3A : f32 to vector<16xf32>
        %neg3A_293 = arith.subf %neg3A_292, %sub3A_291 : vector<16xf32>
        %select_n3A_294 = arith.select %le3A, %sub3A_291, %neg3A_293 : vector<16xi1>, vector<16xf32>
        %max3A = arith.constant 0.000000e+00 : f32
        %max3A_295 = vector.broadcast %max3A : f32 to vector<16xf32>
        %max3A_296 = arith.maximumf %select_n3A_294, %max3A_295 : vector<16xf32>
        %select_n3A_297 = arith.select %gt3A, %max3A_296, %broadcast_in_dim3A_29 : vector<16xi1>, vector<16xf32>
        %add3A_298 = arith.addf %scan3A_275, %select_n3A_297 : vector<16xf32>
        %sub3A_299 = arith.subf %broadcast_in_dim3A_283, %get3A_130 : vector<16xf32>
        %le3A_300 = arith.cmpf ole, %broadcast_in_dim3A_289, %get3A_195 : vector<16xf32>
        %neg3A_301 = arith.constant 0.000000e+00 : f32
        %neg3A_302 = vector.broadcast %neg3A_301 : f32 to vector<16xf32>
        %neg3A_303 = arith.subf %neg3A_302, %sub3A_299 : vector<16xf32>
        %select_n3A_304 = arith.select %le3A_300, %sub3A_299, %neg3A_303 : vector<16xi1>, vector<16xf32>
        %max3A_305 = arith.constant 0.000000e+00 : f32
        %max3A_306 = vector.broadcast %max3A_305 : f32 to vector<16xf32>
        %max3A_307 = arith.maximumf %select_n3A_304, %max3A_306 : vector<16xf32>
        %add3A_308 = arith.addf %scan3A_276, %max3A_307 : vector<16xf32>
        scf.yield %add3A_298, %add3A_308 : vector<16xf32>, vector<16xf32>
      }
      %scan3A_267 = arith.constant 16 : i32
      %scan3A_268 = arith.constant 0 : i32
      %scan3A_269 = arith.constant 16 : i32
      %scan3A_270 = arith.addi %scan3A_268, %scan3A_269 : i32
      %scan3A_271 = arith.constant 1 : i32
      %scan3A_272 = scf.for %scan3A_274 = %scan3A_268 to %scan3A_270 step %scan3A_271 iter_args(%scan3A_275 = %scan3A_266#1) -> (vector<16xf32>)  : i32 {
        %add3A_276 = arith.constant 192 : i32
        %add3A_277 = arith.addi %mul3A_66, %add3A_276 : i32
        %add3A_278 = arith.addi %add3A_277, %scan3A_274 : i32
        %get3A_279 = arith.index_cast %add3A_278 : i32 to index
        %get3A_280 = tpu.vector_load %arg7[%get3A_279] {strides = array<i32>} : memref<3968xf32, #tpu.memory_space<vmem>>, vector<16xf32>,
        %get3A_281 = vector.shape_cast %get3A_280 : vector<16xf32> to vector<16xf32>
        %slice3A = vector.extract_strided_slice %get3A_281 {offsets = [0], sizes = [1], strides = [1]} : vector<16xf32> to vector<1xf32>
        %squeeze3A = vector.extract %slice3A[0] : f32 from vector<1xf32>
        %broadcast_in_dim3A_282 = vector.broadcast %squeeze3A : f32 to vector<16xf32>
        %get3A_283 = arith.index_cast %add3A_278 : i32 to index
        %get3A_284 = tpu.vector_load %arg8[%get3A_283] {strides = array<i32>} : memref<3968xf32, #tpu.memory_space<vmem>>, vector<16xf32>,
        %get3A_285 = vector.shape_cast %get3A_284 : vector<16xf32> to vector<16xf32>
        %slice3A_286 = vector.extract_strided_slice %get3A_285 {offsets = [0], sizes = [1], strides = [1]} : vector<16xf32> to vector<1xf32>
        %squeeze3A_287 = vector.extract %slice3A_286[0] : f32 from vector<1xf32>
        %broadcast_in_dim3A_288 = vector.broadcast %squeeze3A_287 : f32 to vector<16xf32>
        %broadcast_in_dim3A_289 = vector.broadcast %scan3A_274 : i32 to vector<16xi32>
        %gt3A = arith.cmpi sgt, %iota3A, %broadcast_in_dim3A_289 : vector<16xi32>
        %sub3A_290 = arith.subf %broadcast_in_dim3A_282, %get3A_130 : vector<16xf32>
        %le3A = arith.cmpf ole, %broadcast_in_dim3A_288, %get3A_195 : vector<16xf32>
        %neg3A = arith.constant 0.000000e+00 : f32
        %neg3A_291 = vector.broadcast %neg3A : f32 to vector<16xf32>
        %neg3A_292 = arith.subf %neg3A_291, %sub3A_290 : vector<16xf32>
        %select_n3A_293 = arith.select %le3A, %sub3A_290, %neg3A_292 : vector<16xi1>, vector<16xf32>
        %max3A = arith.constant 0.000000e+00 : f32
        %max3A_294 = vector.broadcast %max3A : f32 to vector<16xf32>
        %max3A_295 = arith.maximumf %select_n3A_293, %max3A_294 : vector<16xf32>
        %select_n3A_296 = arith.select %gt3A, %max3A_295, %broadcast_in_dim3A_29 : vector<16xi1>, vector<16xf32>
        %add3A_297 = arith.addf %scan3A_275, %select_n3A_296 : vector<16xf32>
        scf.yield %add3A_297 : vector<16xf32>
      }
      %scan3A_273 = arith.constant 16 : i32
      scf.yield %scan3A_200#0, %scan3A_206#0, %scan3A_212#0, %scan3A_218#0, %scan3A_224#0, %scan3A_230#0, %scan3A_236#0, %scan3A_242#0, %scan3A_248#0, %scan3A_254#0, %scan3A_260#0, %scan3A_266#0, %scan3A_272 : vector<16xf32>, vector<16xf32>, vector<16xf32>, vector<16xf32>, vector<16xf32>, vector<16xf32>, vector<16xf32>, vector<16xf32>, vector<16xf32>, vector<16xf32>, vector<16xf32>, vector<16xf32>, vector<16xf32>
    }
    %scan3A_35 = arith.constant 19 : i32
    %add3A_36 = arith.addf %scan3A_34#0, %scan3A_34#1 : vector<16xf32>
    %add3A_37 = arith.addf %add3A_36, %scan3A_34#2 : vector<16xf32>
    %add3A_38 = arith.addf %add3A_37, %scan3A_34#3 : vector<16xf32>
    %add3A_39 = arith.addf %add3A_38, %scan3A_34#4 : vector<16xf32>
    %add3A_40 = arith.addf %add3A_39, %scan3A_34#5 : vector<16xf32>
    %add3A_41 = arith.addf %add3A_40, %scan3A_34#6 : vector<16xf32>
    %add3A_42 = arith.addf %add3A_41, %scan3A_34#7 : vector<16xf32>
    %add3A_43 = arith.addf %add3A_42, %scan3A_34#8 : vector<16xf32>
    %add3A_44 = arith.addf %add3A_43, %scan3A_34#9 : vector<16xf32>
    %add3A_45 = arith.addf %add3A_44, %scan3A_34#10 : vector<16xf32>
    %add3A_46 = arith.addf %add3A_45, %scan3A_34#11 : vector<16xf32>
    %add3A_47 = arith.addf %add3A_46, %scan3A_34#12 : vector<16xf32>
    %swap3A = arith.constant 0 : index
    %swap3A_48 = tpu.vector_load %arg9[%swap3A] {strides = array<i32>} : memref<16xf32, #tpu.memory_space<vmem>>, vector<16xf32>,
    %swap3A_49 = vector.shape_cast %swap3A_48 : vector<16xf32> to vector<16xf32>
    %swap3A_50 = vector.shape_cast %add3A_47 : vector<16xf32> to vector<16xf32>
    tpu.vector_store %arg9[%swap3A], %swap3A_50 {strides = array<i32>} : memref<16xf32, #tpu.memory_space<vmem>>, vector<16xf32>,
    "tpu.region"() ({
      %run_scoped3A = tpu.sem_alloc : memref<!tpu.dma_semaphore, #tpu.memory_space<semaphore_mem>>
      %dma_start3A = arith.constant 0 : i32
      %dma_start3A_51 = tpu.memref_slice %arg4[%add3A, %dma_start3A] : memref<32x16xf32, #tpu.memory_space<hbm>> -> memref<1x16xf32, #tpu.memory_space<hbm>>
      %dma_start3A_52 = tpu.memref_squeeze %dma_start3A_51 : memref<1x16xf32, #tpu.memory_space<hbm>> -> memref<16xf32, #tpu.memory_space<hbm>>
      %dma_start3A_53 = arith.constant 0 : i32
      %dma_start3A_54 = tpu.memref_slice %arg4[%add3A, %dma_start3A_53] : memref<32x16xf32, #tpu.memory_space<hbm>> -> memref<1x16xf32, #tpu.memory_space<hbm>>
      %dma_start3A_55 = tpu.memref_squeeze %dma_start3A_54 : memref<1x16xf32, #tpu.memory_space<hbm>> -> memref<16xf32, #tpu.memory_space<hbm>>
      tpu.enqueue_dma source(%arg9 : memref<16xf32, #tpu.memory_space<vmem>>) target(%dma_start3A_55 : memref<16xf32, #tpu.memory_space<hbm>>) target_semaphore(%run_scoped3A : memref<!tpu.dma_semaphore, #tpu.memory_space<semaphore_mem>>)
      %dma_wait3A = arith.constant 0 : i32
      %dma_wait3A_56 = tpu.memref_slice %arg4[%add3A, %dma_wait3A] : memref<32x16xf32, #tpu.memory_space<hbm>> -> memref<1x16xf32, #tpu.memory_space<hbm>>
      %dma_wait3A_57 = tpu.memref_squeeze %dma_wait3A_56 : memref<1x16xf32, #tpu.memory_space<hbm>> -> memref<16xf32, #tpu.memory_space<hbm>>
      %dma_wait3A_58 = arith.constant 0 : i32
      %dma_wait3A_59 = tpu.memref_slice %arg4[%add3A, %dma_wait3A_58] : memref<32x16xf32, #tpu.memory_space<hbm>> -> memref<1x16xf32, #tpu.memory_space<hbm>>
      %dma_wait3A_60 = tpu.memref_squeeze %dma_wait3A_59 : memref<1x16xf32, #tpu.memory_space<hbm>> -> memref<16xf32, #tpu.memory_space<hbm>>
      tpu.wait_dma2 semaphore(%run_scoped3A : memref<!tpu.dma_semaphore, #tpu.memory_space<semaphore_mem>>) src(%arg9 : memref<16xf32, #tpu.memory_space<vmem>>) dst(%dma_wait3A_60 : memref<16xf32, #tpu.memory_space<hbm>>)
      tpu.yield
    }) : () -> ()
    return
  }
}

</mosaic_0001>

<sc_bundles>
// kernel: _sc_pairwise.3.cloned.1.call-start
scs
__scs_entry_jumppad:
0x0: {  	(pc) =	sbr.rel $0x88, $3  }
0x1: {  	(tag) =	ssettag $0x0;
	lr =	simm.s32 $0x1  }
0x2: {  	[smem:$0x3F9F] =	sst lr;
	_ =	strace $0xD0000000  }
0x3: {  	_ = 	snop  }
0x4: {  	_ = 	snop  }
0x5: {  	_ = 	snop  }
0x6: {  	_ = 	snop  }
0x7: {  	_ = 	snop  }
__scs_overlays_trampoline_lowered:
0x8: {  	[smem:$0x3FAE] =	sst s0  }
0x9: {  	[smem:$0x3FAF] =	sst s1  }
0xa: {  	[smem:$0x3FB0] =	sst s2  }
0xb: {  	[smem:$0x3FB1] =	sst s3  }
0xc: {  	[smem:$0x3FB2] =	sst s4  }
0xd: {  	[smem:$0x3FB3] =	sst s5  }
0xe: {  	[smem:$0x3FB4] =	sst s6  }
0xf: {  	[smem:$0x3FB5] =	sst s7  }
0x10: {  	[smem:$0x3FB6] =	sst s8  }
0x11: {  	[smem:$0x3FB7] =	sst s9;
	s0 =	simm.s32 @!p0 $0x0  }
0x12: {  	s1 =	sld [smem:$0x3F9D];
	s0 =	simm.s32 @p0 $0x1  }
0x13: {  	[smem:$0x3FB8] =	sst s0;
	s0 =	simm.s32 @!p1 $0x0  }
0x14: {  	s2 =	sld [smem:$0x3F9C];
	s0 =	simm.s32 @p1 $0x1  }
0x15: {  	[smem:$0x3FB9] =	sst s0;
	s0 =	simm.s32 @!p2 $0x0  }
0x16: {  	s3 =	sld [smem:$0x3FDB];
	s0 =	simm.s32 @p2 $0x1  }
0x17: {  	s4 =	simm.s32 $0x1BF5;
	[smem:$0x3FBB] =	sst s0  }
0x18: {  	s0 =	sld [smem:$0x3F9E];
	_ =	swait.ge [sflag:s4], $0x0  }
0x19: {  	s7 =	sld [smem:$0x3F9F]  }
0x1a: {  	s8 =	sadd.s32 $0xFFFFE003, lr  }
0x1b: {  	s9 =	sadd.s32 $0xFFFFFEF7, lr;
	s5 =	simm.s32 $0xFFFFFFFF;
	p2 =	slt.u32 s8, $0xFFFFF086  }
0x1c: {  	p1 =	slt.u32 s9, $0xF7A;
	s5 =	simm.s32 @!p2 $0x0  }
0x1d: {  	s5 =	simm.s32 @p1 $0x1;
	p0 =	seq.s32 s7, s2  }
0x1e: {  	s7 =	smul.u32 @!p0 $0xF7A, s2;
	p2 =	seq.s32 @!p0 s5, $0x0  }
0x1f: {  	s9 =	smul.u32 $0xF7A, s1;
	s8 =	simm.s32 @!p0 $0x1BF5;
	p2 =	por !p2, p0  }
0x20: {  	[sflag:s8] =	ssyncset.s32 @!p0 $0xFFFFF086;
	s6 =	sadd.s32 @!p0 s3, s7;
	s7 =	simm.s32 @!p0 $0x108  }
0x21: {  	s3 =	sadd.s32 s3, s9;
	s6 =	sadd.s32 @!p0 $0x88, s6;
	s7 =	simm.s32 @p2 $0x1082  }
0x22: {  	[simem:s7], [sflag:s8] =	dma.local @!p0 [hbm:s6], $0xF7A  }
0x23: {  	s9 =	sor.u32 $0xD0000000, s2;
	s6 =	simm.s32 $0x108;
	_ =	swait.ge @!p0 [sflag:s8], $0x0  }
0x24: {  	s3 =	sadd.s32 $0x88, s3;
	s6 =	simm.s32 @!p1 $0x1082;
	[sflag:s4] =	ssyncset.s32 $0xFFFFF086  }
0x25: {  	[simem:s6], [sflag:s4] =	dma.local [hbm:s3], $0xF7A  }
0x26: {  	[smem:$0x3F9F] =	sst s1;
	(tag) =	ssettag s2;
	_ =	strace s9  }
0x27: {  	s1 =	sld [smem:$0x3FAF]  }
0x28: {  	s2 =	sld [smem:$0x3FB0]  }
0x29: {  	s4 =	sld [smem:$0x3FB2]  }
0x2a: {  	p0 =	seq.s32 s5, $0x0;
	s5 =	sld [smem:$0x3FB3]  }
0x2b: {  	s6 =	sld [smem:$0x3FB4]  }
0x2c: {  	s7 =	sld [smem:$0x3FB5]  }
0x2d: {  	s3 =	simm.s32 $0x108;
	s8 =	sld [smem:$0x3FB6]  }
0x2e: {  	s3 =	simm.s32 @!p0 $0x1082;
	s9 =	sld [smem:$0x3FB7]  }
0x2f: {  	lr =	sadd.s32 s0, s3;
	s0 =	sld [smem:$0x3FAE]  }
0x30: {  	s3 =	sld [smem:$0x3FB1]  }
0x31: {  	[smem:$0x3FBA] =	sst s10  }
0x32: {  	s10 =	sld [smem:$0x3FB8];
	_ =	sdelay $0x3  }
0x33: {  	p0 =	seq.s32 s10, $0x1;
	s10 =	sld [smem:$0x3FBA];
	_ =	sdelay $0x3  }
0x34: {  	[smem:$0x3FBA] =	sst s10  }
0x35: {  	s10 =	sld [smem:$0x3FB9];
	_ =	sdelay $0x3  }
0x36: {  	p1 =	seq.s32 s10, $0x1;
	s10 =	sld [smem:$0x3FBA];
	_ =	sdelay $0x3  }
0x37: {  	[smem:$0x3FBA] =	sst s10  }
0x38: {  	s10 =	sld [smem:$0x3FBB]  }
0x39: {  	_ = 	snop;
	(pc) =	sbr.ind lr, $3  }
0x3a: {  	_ = 	snop  }
0x3b: {  	_ = 	snop  }
0x3c: {  	p2 =	seq.s32 s10, $0x1;
	s10 =	sld [smem:$0x3FBA]  }
0x3d: {  	_ =	shalt  }
0x3e: {  	_ =	shalt  }
0x3f: {  	_ =	shalt  }
0x40: {  	_ =	shalt  }
0x41: {  	_ =	shalt  }
0x42: {  	_ =	shalt  }
0x43: {  	_ =	shalt  }
0x44: {  	_ =	shalt  }
0x45: {  	_ =	shalt  }
0x46: {  	_ =	shalt  }
0x47: {  	_ =	shalt  }
0x48: {  	_ =	shalt  }
0x49: {  	_ =	shalt  }
0x4a: {  	_ =	shalt  }
0x4b: {  	_ =	shalt  }
0x4c: {  	_ =	shalt  }
0x4d: {  	_ =	shalt  }
0x4e: {  	_ =	shalt  }
0x4f: {  	_ =	shalt  }
0x50: {  	_ =	shalt  }
0x51: {  	_ =	shalt  }
0x52: {  	_ =	shalt  }
0x53: {  	_ =	shalt  }
0x54: {  	_ =	shalt  }
0x55: {  	_ =	shalt  }
0x56: {  	_ =	shalt  }
0x57: {  	_ =	shalt  }
0x58: {  	_ =	shalt  }
0x59: {  	_ =	shalt  }
0x5a: {  	_ =	shalt  }
0x5b: {  	_ =	shalt  }
0x5c: {  	_ =	shalt  }
0x5d: {  	_ =	shalt  }
0x5e: {  	_ =	shalt  }
0x5f: {  	_ =	shalt  }
0x60: {  	_ =	shalt  }
0x61: {  	_ =	shalt  }
0x62: {  	_ =	shalt  }
0x63: {  	_ =	shalt  }
0x64: {  	_ =	shalt  }
0x65: {  	_ =	shalt  }
0x66: {  	_ =	shalt  }
0x67: {  	_ =	shalt  }
0x68: {  	_ =	shalt  }
0x69: {  	_ =	shalt  }
0x6a: {  	_ =	shalt  }
0x6b: {  	_ =	shalt  }
0x6c: {  	_ =	shalt  }
0x6d: {  	_ =	shalt  }
0x6e: {  	_ =	shalt  }
0x6f: {  	_ =	shalt  }
0x70: {  	_ =	shalt  }
0x71: {  	_ =	shalt  }
0x72: {  	_ =	shalt  }
0x73: {  	_ =	shalt  }
0x74: {  	_ =	shalt  }
0x75: {  	_ =	shalt  }
0x76: {  	_ =	shalt  }
0x77: {  	_ =	shalt  }
0x78: {  	_ =	shalt  }
0x79: {  	_ =	shalt  }
0x7a: {  	_ =	shalt  }
0x7b: {  	_ =	shalt  }
0x7c: {  	_ =	shalt  }
0x7d: {  	_ =	shalt  }
0x7e: {  	_ =	shalt  }
0x7f: {  	_ =	shalt  }
0x80: {  	_ =	shalt  }
0x81: {  	_ =	shalt  }
0x82: {  	_ =	shalt  }
0x83: {  	_ =	shalt  }
0x84: {  	_ =	shalt  }
0x85: {  	_ =	shalt  }
0x86: {  	_ =	shalt  }
0x87: {  	_ =	shalt  }
.Lfunc_end0:
.L_simem_size_0:
called_computation_lowered:
.L_overlay_start_0:
0x88: {  	s2 =	sld [smem:$0x3FD9]  }
0x89: {  	s3 =	sld [smem:$0x3FFE];
	_ =	sdelay $0x1  }
0x8a: {  	s1 =	srdreg.scid  }
0x8b: {  	s0 =	sand.u32 $0x1, s1  }
0x8c: {  	s16 =	sshll.u32 s0, $0xA;
	s2 =	sadd.s32 s3, s2  }
0x8d: {  	s2 =	sadd.s32 s2, s16  }
0x8e: {  	[smem:$0x3FC6] =	sst s2  }
0x8f: {  	_ = 	snop  }
0x90: {  	(tm) =	ssettm $0x1  }
0x91: {  	s17 =	sld [smem:$0x3FFB];
	_ =	sdelay $0x3  }
0x92: {  	_ =	strace s17  }
0x93: {  	s2 =	sld [smem:$0x3FFC];
	_ =	sdelay $0x3  }
0x94: {  	_ =	strace s2  }
0x95: {  	s2 =	sld [smem:$0x3FFD];
	_ =	sdelay $0x3  }
0x96: {  	_ =	strace s2  }
0x97: {  	_ =	strace $0x8FFFFFFF  }
0x98: {  	s18 =	sld [smem:$0x3FDB];
	_ =	sdelay $0x1  }
0x99: {  	s19 =	simm.s32 $_scs_section_size  }
0x9a: {  	s4 =	simm.s32 $_size__tile_overlayer_lowered;
	s5 =	simm.s32 $_tile_overlayer_lowered  }
0x9b: {  	s22 =	simm.s32 $0x1BFF;
	s21 =	sshll.u32 s5, $0x1;
	s2 =	sadd.s32 s19, s18  }
0x9c: {  	s6 =	simm.s32 $0x0;
	s20 =	sshll.u32 s4, $0x1;
	s4 =	sadd.s32 s21, s2  }
0x9d: {  	[timem:s6], [sflag:s22] =	dma.local [hbm:s4], s20  }
0x9e: {  	_ =	swait.ge [sflag:s22], s20  }
0x9f: {  	s3 =	ssub.s32 $0x0, s20;
	[sflag:s22] =	ssyncset.done $0x0  }
0xa0: {  	[sflag:s22] =	ssyncadd.s32 s3;
	_ =	sdelay $0x1  }
0xa1: {  	s23 =	simm.s32 $0x1B8B  }
0xa2: {  	_ =	swait.ge [sflag:s23], $0x1  }
0xa3: {  	[sflag:s23] =	ssyncset.done $0x0  }
0xa4: {  	s25 =	simm.s32 $0x1B8E;
	s24 =	sld [smem:$0x3FFE];
	[sflag:s23] =	ssyncadd.s32 $0xFFFFFFFF  }
0xa5: {  	s26 =	simm.s32 $execute0_lowered;
	[smem:$0x3FD2] =	sst s25  }
0xa6: {  	s4 =	sshll.u32 s26, $0x1;
	_ =	strace $0x80000046;
	[dreg:$0x1] =	wrdreg $0xFFFFFFFF  }
0xa7: {  	s28 =	simm.s32 $_size_execute0_lowered;
	s2 =	sadd.s32 s2, s4;
	[dreg:$0x0] =	wrdreg $0x0  }
0xa8: {  	s4 =	sshll.u32 s28, $0x1;
	[dreg:$0x2] =	wrdreg s2  }
0xa9: {  	[dreg:$0x3] =	wrdreg s4  }
0xaa: {  	[dreg:$0x4] =	wrdreg $0xC0  }
0xab: {  	_ =	task [dreg:s6], $0x5FFFF  }
0xac: {  	[dreg:$0x1] =	wrdreg $0xFFFFFFFF  }
0xad: {  	[dreg:$0x0] =	wrdreg $0x60  }
0xae: {  	[dreg:$0x2] =	wrdreg s24  }
0xaf: {  	[dreg:$0x3] =	wrdreg $0x9  }
0xb0: {  	_ =	task.clear_ibuf [dreg:s6], $0x4FFFF;
	_ =	strace $0x90000046  }
0xb1: {  	s29 =	simm.s32 $0x9;
	_ =	strace $0x80000048  }
0xb2: {  	_ =	swait.ge [sflag:s29], $0x1  }
0xb3: {  	[sflag:s29] =	ssyncadd.s32 $0xFFFFFFFF  }
0xb4: {  	_ =	strace $0x90000048  }
0xb5: {  	_ =	sfence  }
0xb6: {  	s30 =	sld [smem:$0x0];
	_ =	sdelay $0x2  }
0xb7: {  	s31 =	sshll.u32 s1, $0xD;
	s1 =	sshrl.u32 s1, $0x2  }
0xb8: {  	s3 =	sand.u32 $0x4000, s31;
	s1 =	sadd.s32 s1, s30  }
0xb9: {  	s0 =	sor.u32 s3, s0;
	s1 =	sshll.u32 s1, $0x11  }
0xba: {  	s0 =	sor.u32 s1, s0  }
0xbb: {  	s0 =	sadd.s32 $0x8F2B, s0  }
0xbc: {  	[sflag:s0] =	ssyncadd.remote.s32 $0x1  }
0xbd: {  	_ =	sfence.sel $0xFFFF  }
0xbe: {  	[dreg:$0x0] =	wrdreg $0xFFFFFFFF;
	(pc) =	sbr.abs _section_cstart, $3  }
0xbf: {  	[dreg:$0x1] =	wrdreg $0xFFFFFFFF  }
0xc0: {  	_ =	task.clear_ibuf [dreg:s6], $0x2FFFF;
	_ =	strace $0x9FFFFFFF  }
0xc1: {  	(tm) =	ssettm $0x7FFFFFFF  }
tec
execute0_lowered:
.L_overlay_start_1:
0x0: {  	(tag) =	ssettag $0x1  }
0x1: {  	s0 =	srdreg.scid  }
0x2: {  	s1 =	stileid.u32;
	s2 =	rddreg [dreg:$0x0]  }
0x3: {  	s7 =	simm.s32 $0x0;
	s0 =	sand.u32 $0x1, s0;
	s1 =	sshll.u32 s1, $0x1  }
0x4: {  	s3 =	sor.u32 s0, s1;
	s5 =	ssub.s32 $0x2, s0;
	s0 =	smul.u32 $0x3, s0  }
0x5: {  	[smem:$0x7FF] =	sst s7;
	s6 =	sshrl.u32 s5, $0x1  }
0x6: {  	s4 =	smul.u32 $0x260, s3;
	s26 =	ssub.s32 s5, s6;
	s0 =	ssub.s32 s0, s1  }
0x7: {  	v0 =	vimm.s32 $0xFEDCBA98;
	_ =	strace $0x80000047;
	s30 =	smax.u32 s26, $0x1;
	s0 =	sand.u32 $0x7, s0  }
0x8: {  	v1 =	vimm.s32 $0x76543210;
	v0 =	vunpack.c.l.s4.s8 v0;
	s4 =	sand.u32 $0x7F00, s4;
	[dreg:$0x5] =	wrdreg s30;
	s31 =	sshll.u32 s0, $0x8  }
0x9: {  	v1 =	vunpack.c.l.s4.s8 v1;
	s4 =	sadd.s32 s4, s2;
	s0 =	sshll.u32 s0, $0x7;
	[dreg:$0x6] =	wrdreg s31  }
0xa: {  	s3 =	sshll.u32 s3, $0x4;
	v2 =	vunpack.c.0.s8.s32 v0;
	s28 =	sadd.s32 $0x600, s4;
	[dreg:$0x7] =	wrdreg s0  }
0xb: {  	v1 =	vunpack.c.0.s8.s32 v1;
	s2 =	sadd.s32 s3, s2;
	s4 =	sadd.s32 $0x8600, s4;
	[dreg:$0x2] =	wrdreg s28  }
0xc: {  	vm0 =	vmmov $0xff;
	v2 =	vand.u32 $0xF, v2;
	s29 =	sadd.s32 $0x10600, s2;
	[dreg:$0x3] =	wrdreg s4  }
0xd: {  	v0 =	vimm.f32 $+Inf;
	s1 =	simm.s32 $0x0;
	v1 =	vcombine.low v2, v1;
	v2 =	vlaneseq.u32;
	s2 =	simm.s32 $0x1;
	[dreg:$0x4] =	wrdreg s29  }
.LBB2_1:
0xe: {  	[dreg:$0x8] =	wrdreg s1  }
0xf: {  	s0 =	rddreg [dreg:$0x2]  }
0x10: {  	[tilespmem:s7], [sflag:$0x1] =	stream.linear.gather [hbm4b:s0+s7], $0x2000, $0x38;
	[tilespmem:$0x5F80] =	vst v63  }
0x11: {  	_ =	swait.ge [sflag:s2], $0x2000  }
0x12: {  	[sflag:s2] =	ssyncset.done $0x0  }
0x13: {  	s28 =	simm.s32 $0x2000;
	s26 =	rddreg [dreg:$0x3];
	[sflag:s2] =	ssyncadd.s32 $0xFFFFE000  }
0x14: {  	[tilespmem:s28], [sflag:$0x1] =	stream.linear.gather [hbm4b:s26+s7], $0x2000, $0x38;
	[tilespmem:$0x5F80] =	vst v63  }
0x15: {  	_ =	swait.ge [sflag:s2], $0x2000  }
0x16: {  	s4 =	rddreg [dreg:$0x6]  }
0x17: {  	s5 =	rddreg [dreg:$0x7]  }
0x18: {  	[sflag:s2] =	ssyncset.done $0x0;
	s29 =	sand.u32 $0x3800, s4;
	s30 =	sand.u32 $0x380, s5  }
0x19: {  	[sflag:s2] =	ssyncadd.s32 $0xFFFFE000;
	s0 =	sor.u32 s30, s29  }
0x1a: {  	v3 =	vld [tilespmem:s0+$0x0]  }
0x1b: {  	v4 =	vld [tilespmem:s0+$0x2000];
	_ =	sdelay $0x4  }
0x1c: {  	s2 =	simm.s32 $0x0;
	v3 =	vsub.f32 v3, v4  }
0x1d: {  	[tilespmem:s2+$0x4F80] =	vst v4  }
0x1e: {  	[tilespmem:s2+$0x4000] =	vst v3  }
0x1f: {  	v3 =	vld [tilespmem:s0+$0x10]  }
0x20: {  	v4 =	vld [tilespmem:s0+$0x2010];
	_ =	sdelay $0x4  }
0x21: {  	v3 =	vsub.f32 v3, v4  }
0x22: {  	[tilespmem:s2+$0x4F90] =	vst v4  }
0x23: {  	[tilespmem:s2+$0x4010] =	vst v3  }
0x24: {  	v3 =	vld [tilespmem:s0+$0x20]  }
0x25: {  	v4 =	vld [tilespmem:s0+$0x2020];
	_ =	sdelay $0x4  }
0x26: {  	v3 =	vsub.f32 v3, v4  }
0x27: {  	[tilespmem:s2+$0x4FA0] =	vst v4  }
0x28: {  	[tilespmem:s2+$0x4020] =	vst v3  }
0x29: {  	v3 =	vld [tilespmem:s0+$0x30]  }
0x2a: {  	v4 =	vld [tilespmem:s0+$0x2030];
	_ =	sdelay $0x4  }
0x2b: {  	v3 =	vsub.f32 v3, v4  }
0x2c: {  	[tilespmem:s2+$0x4FB0] =	vst v4  }
0x2d: {  	[tilespmem:s2+$0x4030] =	vst v3  }
0x2e: {  	v3 =	vld [tilespmem:s0+$0x40]  }
0x2f: {  	v4 =	vld [tilespmem:s0+$0x2040];
	_ =	sdelay $0x4  }
0x30: {  	v3 =	vsub.f32 v3, v4  }
0x31: {  	[tilespmem:s2+$0x4FC0] =	vst v4  }
0x32: {  	[tilespmem:s2+$0x4040] =	vst v3  }
0x33: {  	v3 =	vld [tilespmem:s0+$0x50]  }
0x34: {  	v4 =	vld [tilespmem:s0+$0x2050];
	_ =	sdelay $0x4  }
0x35: {  	v3 =	vsub.f32 v3, v4  }
0x36: {  	[tilespmem:s2+$0x4FD0] =	vst v4  }
0x37: {  	[tilespmem:s2+$0x4050] =	vst v3  }
0x38: {  	v3 =	vld [tilespmem:s0+$0x60]  }
0x39: {  	v4 =	vld [tilespmem:s0+$0x2060];
	_ =	sdelay $0x4  }
0x3a: {  	v3 =	vsub.f32 v3, v4  }
0x3b: {  	[tilespmem:s2+$0x4FE0] =	vst v4  }
0x3c: {  	[tilespmem:s2+$0x4060] =	vst v3  }
0x3d: {  	v3 =	vld [tilespmem:s0+$0x70]  }
0x3e: {  	v4 =	vld [tilespmem:s0+$0x2070];
	_ =	sdelay $0x4  }
0x3f: {  	v3 =	vsub.f32 v3, v4  }
0x40: {  	[tilespmem:s2+$0x4FF0] =	vst v4  }
0x41: {  	[tilespmem:s2+$0x4070] =	vst v3  }
0x42: {  	v3 =	vld [tilespmem:s0+$0x400]  }
0x43: {  	v4 =	vld [tilespmem:s0+$0x2400];
	_ =	sdelay $0x4  }
0x44: {  	s31 =	sand.u32 $0x1FF0, s7;
	v3 =	vsub.f32 v3, v4  }
0x45: {  	[tilespmem:s31+$0x5000] =	vst v4  }
0x46: {  	[tilespmem:s31+$0x4080] =	vst v3  }
0x47: {  	v3 =	vld [tilespmem:s0+$0x410]  }
0x48: {  	v4 =	vld [tilespmem:s0+$0x2410];
	_ =	sdelay $0x4  }
0x49: {  	v3 =	vsub.f32 v3, v4  }
0x4a: {  	[tilespmem:s2+$0x5010] =	vst v4  }
0x4b: {  	[tilespmem:s2+$0x4090] =	vst v3  }
0x4c: {  	v3 =	vld [tilespmem:s0+$0x420]  }
0x4d: {  	v4 =	vld [tilespmem:s0+$0x2420];
	_ =	sdelay $0x4  }
0x4e: {  	v3 =	vsub.f32 v3, v4  }
0x4f: {  	[tilespmem:s2+$0x5020] =	vst v4  }
0x50: {  	[tilespmem:s2+$0x40A0] =	vst v3  }
0x51: {  	v3 =	vld [tilespmem:s0+$0x430]  }
0x52: {  	v4 =	vld [tilespmem:s0+$0x2430];
	_ =	sdelay $0x2  }
0x53: {  	[tilespmem:s2+$0x5040] =	vst v0  }
0x54: {  	[tilespmem:s2+$0x40C0] =	vst v0  }
0x55: {  	s1 =	simm.s32 $0x340;
	s3 =	simm.s32 $0x0;
	v3 =	vsub.f32 v3, v4;
	[tilespmem:s2+$0x5030] =	vst v4  }
.LBB2_2:
0x56: {  	s3 =	sadd.s32 $0xD0, s3;
	s4 =	sadd.s32 $0x100, s4;
	s5 =	sadd.s32 $0x80, s5  }
0x57: {  	p0 =	sne.s32 s1, $0x3A80;
	s6 =	smov.u32 s1;
	s1 =	sadd.s32 $0x340, s1;
	[tilespmem:s2+$0x40B0] =	vst v3  }
0x58: {  	v3 =	vld.msk [tilespmem:s0+$0x2440], $0xff  }
0x59: {  	s7 =	sor.u32 $0x440, s0;
	v4 =	vld [tilespmem:s0+$0x2430]  }
0x5a: {  	v5 =	vld.msk [tilespmem:s7+$0x0], $0xff  }
0x5b: {  	v6 =	vld [tilespmem:s0+$0x430];
	_ =	sdelay $0x1  }
0x5c: {  	v7 =	vperm.xlane v3, v1  }
0x5d: {  	v8 =	vperm.xlane v4, v1  }
0x5e: {  	v3 =	vsub.f32 v5, v3  }
0x5f: {  	v5 =	vsel vm0, v8, v7;
	v4 =	vsub.f32 v6, v4  }
0x60: {  	v3 =	vperm.xlane v3, v1;
	[tilespmem:s2+$0x5038] =	vst v5  }
0x61: {  	v4 =	vperm.xlane v4, v1;
	_ =	sdelay $0x1  }
0x62: {  	s7 =	sand.u32 $0x380, s5;
	s0 =	sand.u32 $0x3800, s4;
	v3 =	vsel vm0, v4, v3  }
0x63: {  	s0 =	sor.u32 s7, s0;
	[tilespmem:s2+$0x40B8] =	vst v3  }
0x64: {  	v3 =	vld [tilespmem:s0+$0x0]  }
0x65: {  	v4 =	vld [tilespmem:s0+$0x2000];
	_ =	sdelay $0x4  }
0x66: {  	s2 =	sshra.s32 s6, $0x2;
	v3 =	vsub.f32 v3, v4  }
0x67: {  	[tilespmem:s2+$0x4F80] =	vst v4  }
0x68: {  	[tilespmem:s2+$0x4000] =	vst v3  }
0x69: {  	v3 =	vld [tilespmem:s0+$0x10]  }
0x6a: {  	v4 =	vld [tilespmem:s0+$0x2010];
	_ =	sdelay $0x4  }
0x6b: {  	v3 =	vsub.f32 v3, v4;
	[tilespmem:s2+$0x4F90] =	vst v4;
	_ =	sdelay $0x1  }
0x6c: {  	[tilespmem:s2+$0x4010] =	vst v3  }
0x6d: {  	v3 =	vld [tilespmem:s0+$0x20]  }
0x6e: {  	v4 =	vld [tilespmem:s0+$0x2020];
	_ =	sdelay $0x4  }
0x6f: {  	v3 =	vsub.f32 v3, v4;
	[tilespmem:s2+$0x4FA0] =	vst v4;
	_ =	sdelay $0x1  }
0x70: {  	[tilespmem:s2+$0x4020] =	vst v3  }
0x71: {  	v3 =	vld [tilespmem:s0+$0x30]  }
0x72: {  	v4 =	vld [tilespmem:s0+$0x2030];
	_ =	sdelay $0x4  }
0x73: {  	v3 =	vsub.f32 v3, v4;
	[tilespmem:s2+$0x4FB0] =	vst v4;
	_ =	sdelay $0x1  }
0x74: {  	[tilespmem:s2+$0x4030] =	vst v3  }
0x75: {  	v3 =	vld [tilespmem:s0+$0x40]  }
0x76: {  	v4 =	vld [tilespmem:s0+$0x2040];
	_ =	sdelay $0x4  }
0x77: {  	v3 =	vsub.f32 v3, v4;
	[tilespmem:s2+$0x4FC0] =	vst v4;
	_ =	sdelay $0x1  }
0x78: {  	[tilespmem:s2+$0x4040] =	vst v3  }
0x79: {  	v3 =	vld [tilespmem:s0+$0x50]  }
0x7a: {  	v4 =	vld [tilespmem:s0+$0x2050];
	_ =	sdelay $0x4  }
0x7b: {  	v3 =	vsub.f32 v3, v4;
	[tilespmem:s2+$0x4FD0] =	vst v4;
	_ =	sdelay $0x1  }
0x7c: {  	[tilespmem:s2+$0x4050] =	vst v3  }
0x7d: {  	v3 =	vld [tilespmem:s0+$0x60]  }
0x7e: {  	v4 =	vld [tilespmem:s0+$0x2060];
	_ =	sdelay $0x4  }
0x7f: {  	v3 =	vsub.f32 v3, v4;
	[tilespmem:s2+$0x4FE0] =	vst v4;
	_ =	sdelay $0x1  }
0x80: {  	[tilespmem:s2+$0x4060] =	vst v3  }
0x81: {  	v3 =	vld [tilespmem:s0+$0x70]  }
0x82: {  	v4 =	vld [tilespmem:s0+$0x2070];
	_ =	sdelay $0x4  }
0x83: {  	v3 =	vsub.f32 v3, v4;
	[tilespmem:s2+$0x4FF0] =	vst v4  }
0x84: {  	s6 =	sand.u32 $0x1FF0, s3  }
0x85: {  	[tilespmem:s2+$0x4070] =	vst v3  }
0x86: {  	v3 =	vld [tilespmem:s0+$0x400]  }
0x87: {  	v4 =	vld [tilespmem:s0+$0x2400];
	_ =	sdelay $0x4  }
0x88: {  	v3 =	vsub.f32 v3, v4;
	[tilespmem:s6+$0x5000] =	vst v4;
	_ =	sdelay $0x1  }
0x89: {  	[tilespmem:s6+$0x4080] =	vst v3  }
0x8a: {  	v3 =	vld [tilespmem:s0+$0x410]  }
0x8b: {  	v4 =	vld [tilespmem:s0+$0x2410];
	_ =	sdelay $0x4  }
0x8c: {  	v3 =	vsub.f32 v3, v4;
	[tilespmem:s2+$0x5010] =	vst v4;
	_ =	sdelay $0x1  }
0x8d: {  	[tilespmem:s2+$0x4090] =	vst v3  }
0x8e: {  	v3 =	vld [tilespmem:s0+$0x420]  }
0x8f: {  	v4 =	vld [tilespmem:s0+$0x2420];
	_ =	sdelay $0x4  }
0x90: {  	v3 =	vsub.f32 v3, v4;
	[tilespmem:s2+$0x5020] =	vst v4;
	_ =	sdelay $0x1  }
0x91: {  	[tilespmem:s2+$0x40A0] =	vst v3  }
0x92: {  	v3 =	vld [tilespmem:s0+$0x430]  }
0x93: {  	v4 =	vld [tilespmem:s0+$0x2430]  }
.Ltmp0:
0x94: {  	[tilespmem:s2+$0x5040] =	vst v0;
	(pc) =	sbr.rel @p0 .LBB2_2-.Ltmp0, $2  }
0x95: {  	[tilespmem:s2+$0x40C0] =	vst v0;
	_ =	sdelay $0x2  }
0x96: {  	v3 =	vsub.f32 v3, v4;
	[tilespmem:s2+$0x5030] =	vst v4  }
0x97: {  	_ = 	snop  }
0x98: {  	[tilespmem:s2+$0x40B0] =	vst v3  }
0x99: {  	v3 =	vld.msk [tilespmem:s0+$0x2440], $0xff  }
0x9a: {  	s1 =	sor.u32 $0x440, s0;
	v4 =	vld [tilespmem:s0+$0x2430]  }
0x9b: {  	v5 =	vld.msk [tilespmem:s1+$0x0], $0xff  }
0x9c: {  	v6 =	vld [tilespmem:s0+$0x430];
	_ =	sdelay $0x1  }
0x9d: {  	s15 =	simm.s32 $0x4F80;
	s22 =	simm.s32 $0x4000;
	s16 =	simm.s32 $0x4F90  }
0x9e: {  	s17 =	simm.s32 $0x4010;
	s18 =	simm.s32 $0x4FA0;
	s19 =	simm.s32 $0x4020  }
0x9f: {  	s20 =	simm.s32 $0x4FB0;
	s21 =	simm.s32 $0x4030;
	s13 =	simm.s32 $0x4FC0;
	v38 =	vimm.f32 $0.0e+00;
	v37 =	vimm.f32 $0.0e+00;
	v39 =	vimm.f32 $0.0e+00  }
0xa0: {  	s23 =	simm.s32 $0x4040;
	s24 =	simm.s32 $0x4FD0;
	s25 =	simm.s32 $0x4050;
	v34 =	vimm.f32 $0.0e+00;
	v5 =	vsub.f32 v5, v3;
	v6 =	vsub.f32 v6, v4  }
0xa1: {  	s26 =	simm.s32 $0x4FE0;
	s28 =	simm.s32 $0x4060;
	s29 =	simm.s32 $0x4FF0;
	v31 =	vimm.f32 $0.0e+00;
	v3 =	vperm.xlane v3, v1;
	v4 =	vperm.xlane v4, v1  }
0xa2: {  	s30 =	simm.s32 $0x4070;
	s31 =	simm.s32 $0x5000;
	s10 =	simm.s32 $0x4090;
	v28 =	vimm.f32 $0.0e+00;
	v5 =	vperm.xlane v5, v1;
	v6 =	vperm.xlane v6, v1  }
0xa3: {  	s11 =	simm.s32 $0x5020;
	v25 =	vimm.f32 $0.0e+00;
	s3 =	simm.s32 $0x40A0;
	s4 =	simm.s32 $0x5030;
	v24 =	vimm.f32 $0.0e+00;
	v3 =	vsel vm0, v4, v3  }
0xa4: {  	s5 =	simm.s32 $0x40B0;
	v20 =	vimm.f32 $0.0e+00;
	v17 =	vimm.f32 $0.0e+00;
	s6 =	simm.s32 $0x5040;
	s7 =	simm.s32 $0x0;
	[tilespmem:s2+$0x5038] =	vst v3;
	v4 =	vsel vm0, v6, v5  }
0xa5: {  	v13 =	vimm.f32 $0.0e+00;
	v8 =	vimm.f32 $0.0e+00;
	s1 =	simm.s32 $0x4080;
	s0 =	simm.s32 $0x5010;
	v3 =	vimm.f32 $0.0e+00;
	[tilespmem:s2+$0x40B8] =	vst v4;
	s2 =	simm.s32 $0x40C0  }
.LBB2_4:
0xa6: {  	s8 =	smul.u32 $0xD0, s7;
	v46 =	vld.msk [tilespmem:s15+$0x0 ss:$0x0], $0xffff  }
0xa7: {  	v47 =	vld.msk [tilespmem:s22+$0x0 ss:$0x0], $0xffff  }
0xa8: {  	v40 =	vld [tilespmem:s8+$0x4000]  }
0xa9: {  	v32 =	vld [tilespmem:s8+$0x4020]  }
0xaa: {  	v29 =	vld [tilespmem:s8+$0x4030]  }
0xab: {  	v26 =	vld [tilespmem:s8+$0x4040]  }
0xac: {  	v22 =	vld [tilespmem:s8+$0x4050]  }
0xad: {  	v6 =	vld [tilespmem:s8+$0x40B0]  }
0xae: {  	v36 =	vld [tilespmem:s8+$0x4F90]  }
0xaf: {  	v33 =	vld [tilespmem:s8+$0x4FA0]  }
0xb0: {  	v27 =	vld [tilespmem:s8+$0x4FC0]  }
0xb1: {  	v19 =	vld [tilespmem:s8+$0x4FE0]  }
0xb2: {  	v11 =	vld [tilespmem:s8+$0x5010]  }
0xb3: {  	v16 =	vld [tilespmem:s8+$0x4FF0]  }
0xb4: {  	v23 =	vld [tilespmem:s8+$0x4FD0]  }
0xb5: {  	v41 =	vld [tilespmem:s8+$0x4F80]  }
0xb6: {  	v9 =	vld [tilespmem:s8+$0x5020]  }
0xb7: {  	s14 =	simm.s32 $0x0;
	v10 =	vld [tilespmem:s8+$0x40A0]  }
0xb8: {  	v5 =	vmov s14;
	v12 =	vld [tilespmem:s8+$0x4090]  }
0xb9: {  	v7 =	vld [tilespmem:s8+$0x5030];
	vm9 =	vlt.u32 v5, v2  }
0xba: {  	v18 =	vld [tilespmem:s8+$0x4070];
	vm1 =	vle.f32 v46, v33;
	vm5 =	vle.f32 v46, v11;
	v4 =	vsub.f32 v47, v40  }
0xbb: {  	v30 =	vld [tilespmem:s8+$0x4FB0];
	vm2 =	vle.f32 v46, v36;
	vm6 =	vle.f32 v46, v27;
	v42 =	vsub.f32 v47, v32  }
0xbc: {  	s9 =	sadd.s32 $0x80, s8;
	vm4 =	vle.f32 v46, v19;
	vm3 =	vle.f32 v46, v16;
	v48 =	vsub.f32 v47, v26  }
0xbd: {  	s12 =	sand.u32 $0x70, s8;
	s9 =	sand.u32 $0x3F80, s9;
	vm7 =	vle.f32 v46, v23;
	v51 =	vsub.f32 v47, v22;
	v44 =	vsub.f32 v47, v6  }
0xbe: {  	s9 =	sor.u32 s12, s9;
	vm8 =	vle.f32 v46, v41;
	v45 =	vsub.f32 v47, v10;
	v49 =	vsub.f32 v47, v12  }
0xbf: {  	v14 =	vld [tilespmem:s9+$0x4000];
	vm12 =	vle.f32 v46, v9;
	v52 =	vsub.f32 v47, v29;
	v15 =	vsub.f32 $0.0e+00, v4  }
0xc0: {  	vm13 =	vle.f32 v46, v7;
	v43 =	vsub.f32 v47, v18;
	vm15 =	vle.f32 v46, v30  }
0xc1: {  	v35 =	vld [tilespmem:s8+$0x4010];
	v50 =	vsub.f32 $0.0e+00, v44;
	v53 =	vsub.f32 $0.0e+00, v45;
	v4 =	vsel vm8, v4, v15  }
0xc2: {  	v21 =	vld [tilespmem:s8+$0x4060];
	v62 =	vsub.f32 $0.0e+00, v49;
	v63 =	vsub.f32 $0.0e+00, v52;
	v5 =	vmax.f32 v4, $0.0e+00  }
0xc3: {  	v56 =	vsub.f32 $0.0e+00, v51;
	v57 =	vsub.f32 $0.0e+00, v48;
	v15 =	vld [tilespmem:s9+$0x4F80];
	v5 =	vnsel vm9, $0x0, v5  }
0xc4: {  	v54 =	vsub.f32 v47, v14;
	v44 =	vsel vm13, v44, v50;
	v3 =	vadd.f32 v5, v3;
	v5 =	vld [tilespmem:s8+$0x40C0]  }
0xc5: {  	v53 =	vsel vm12, v45, v53;
	v52 =	vsel vm15, v52, v63;
	v61 =	vsel vm5, v49, v62;
	v4 =	vld [tilespmem:s8+$0x5040]  }
0xc6: {  	v48 =	vsel vm6, v48, v57;
	v49 =	vsub.f32 $0.0e+00, v43;
	v51 =	vsel vm7, v51, v56  }
0xc7: {  	v55 =	vmax.f32 v44, $0.0e+00;
	v44 =	vsub.f32 v47, v35;
	v60 =	vsub.f32 $0.0e+00, v54  }
0xc8: {  	v52 =	vmax.f32 v52, $0.0e+00;
	v62 =	vmax.f32 v53, $0.0e+00;
	v37 =	vadd.f32 v55, v37  }
0xc9: {  	v50 =	vmax.f32 v48, $0.0e+00;
	v17 =	vadd.f32 v52, v17;
	v58 =	vsub.f32 v47, v5  }
0xca: {  	vm10 =	vle.f32 v46, v15;
	vm14 =	vle.f32 v46, v4;
	v46 =	vsub.f32 v47, v21  }
0xcb: {  	v48 =	vmax.f32 v61, $0.0e+00;
	v39 =	vadd.f32 v62, v39;
	v63 =	vsub.f32 $0.0e+00, v58  }
0xcc: {  	v53 =	vmax.f32 v51, $0.0e+00;
	v45 =	vsub.f32 $0.0e+00, v44;
	v52 =	vsub.f32 $0.0e+00, v46  }
0xcd: {  	s12 =	sadd.s32 $0x1, s22;
	s9 =	sadd.s32 $0x1, s15;
	s8 =	simm.s32 $0x1;
	v51 =	vsel vm10, v54, v60;
	v47 =	vsub.f32 $0.0e+00, v42;
	v54 =	vsel vm14, v58, v63  }
.LBB2_5:
0xce: {  	v55 =	vld.msk [tilespmem:s9+$0x0 ss:$0x0], $0xffff;
	p0 =	sne.s32 s8, $0xF;
	v24 =	vadd.f32 v53, v24;
	v46 =	vsel vm4, v46, v52;
	v52 =	vmax.f32 v54, $0.0e+00;
	s14 =	smov.u32 s8;
	s8 =	sadd.s32 $0x1, s8  }
0xcf: {  	v44 =	vsel vm2, v44, v45;
	v20 =	vadd.f32 v50, v20;
	v45 =	vmax.f32 v51, $0.0e+00;
	v53 =	vld.msk [tilespmem:s12+$0x0 ss:$0x0], $0xffff  }
0xd0: {  	v43 =	vsel vm3, v43, v49;
	v34 =	vadd.f32 v48, v34;
	v44 =	vmax.f32 v44, $0.0e+00  }
0xd1: {  	v43 =	vmax.f32 v43, $0.0e+00;
	v38 =	vadd.f32 v52, v38;
	v8 =	vadd.f32 v44, v8  }
0xd2: {  	v42 =	vsel vm1, v42, v47;
	v44 =	vmax.f32 v46, $0.0e+00;
	v28 =	vadd.f32 v43, v28  }
0xd3: {  	v42 =	vmax.f32 v42, $0.0e+00;
	v31 =	vadd.f32 v45, v31;
	v25 =	vadd.f32 v44, v25  }
0xd4: {  	v13 =	vadd.f32 v42, v13;
	vm1 =	vle.f32 v55, v33;
	vm5 =	vle.f32 v55, v11  }
0xd5: {  	vm2 =	vle.f32 v55, v36;
	vm7 =	vle.f32 v55, v27;
	v43 =	vsub.f32 v53, v40  }
0xd6: {  	vm4 =	vle.f32 v55, v19;
	vm3 =	vle.f32 v55, v16;
	v42 =	vsub.f32 v53, v32  }
0xd7: {  	v44 =	vmov s14;
	vm6 =	vle.f32 v55, v23;
	v45 =	vsub.f32 $0.0e+00, v43  }
0xd8: {  	vm8 =	vle.f32 v55, v41;
	v47 =	vsub.f32 v53, v26;
	v51 =	vsub.f32 v53, v22  }
0xd9: {  	v43 =	vsel vm8, v43, v45;
	vm8 =	vle.f32 v55, v9;
	v45 =	vsub.f32 v53, v6  }
0xda: {  	vm9 =	vlt.u32 v44, v2;
	v46 =	vsub.f32 v53, v10;
	v43 =	vmax.f32 v43, $0.0e+00  }
0xdb: {  	v48 =	vsub.f32 v53, v12;
	v43 =	vnsel vm9, $0x0, v43;
	v44 =	vsub.f32 $0.0e+00, v45  }
0xdc: {  	v49 =	vsub.f32 v53, v29;
	vm9 =	vle.f32 v55, v7;
	v3 =	vadd.f32 v43, v3  }
0xdd: {  	v50 =	vsub.f32 $0.0e+00, v46;
	v43 =	vsub.f32 v53, v18;
	v44 =	vsel vm9, v45, v44  }
0xde: {  	v54 =	vsub.f32 v53, v14;
	v52 =	vsub.f32 $0.0e+00, v48;
	v45 =	vmax.f32 v44, $0.0e+00  }
0xdf: {  	v50 =	vsel vm8, v46, v50;
	v44 =	vsub.f32 v53, v35;
	v37 =	vadd.f32 v45, v37  }
0xe0: {  	v56 =	vsub.f32 $0.0e+00, v51;
	v46 =	vsub.f32 $0.0e+00, v49;
	vm8 =	vle.f32 v55, v4  }
0xe1: {  	vm10 =	vle.f32 v55, v15;
	vm9 =	vle.f32 v55, v30;
	v45 =	vsub.f32 $0.0e+00, v44  }
0xe2: {  	v55 =	vsub.f32 $0.0e+00, v54;
	v49 =	vsel vm9, v49, v46;
	v46 =	vsub.f32 v53, v21  }
0xe3: {  	v58 =	vsub.f32 v53, v5;
	v57 =	vsub.f32 $0.0e+00, v47;
	v49 =	vmax.f32 v49, $0.0e+00  }
.Ltmp1:
0xe4: {  	v48 =	vsel vm5, v48, v52;
	v17 =	vadd.f32 v49, v17;
	v49 =	vmax.f32 v50, $0.0e+00;
	(pc) =	sbr.rel @p0 .LBB2_5-.Ltmp1, $4  }
0xe5: {  	v47 =	vsel vm7, v47, v57;
	v57 =	vsub.f32 $0.0e+00, v58;
	v39 =	vadd.f32 v49, v39  }
0xe6: {  	v48 =	vmax.f32 v48, $0.0e+00;
	v50 =	vmax.f32 v47, $0.0e+00;
	v49 =	vsub.f32 $0.0e+00, v43  }
0xe7: {  	v51 =	vsel vm6, v51, v56;
	v47 =	vsub.f32 $0.0e+00, v42;
	v52 =	vsub.f32 $0.0e+00, v46  }
0xe8: {  	s9 =	sadd.s32 $0x1, s9;
	s12 =	sadd.s32 $0x1, s12;
	v53 =	vmax.f32 v51, $0.0e+00;
	v51 =	vsel vm10, v54, v55;
	v54 =	vsel vm8, v58, v57  }
0xe9: {  	v40 =	vadd.f32 v53, v24  }
0xea: {  	v24 =	vsel vm4, v46, v52;
	v41 =	vmax.f32 v54, $0.0e+00;
	v44 =	vsel vm2, v44, v45  }
0xeb: {  	v20 =	vadd.f32 v50, v20;
	v55 =	vmax.f32 v51, $0.0e+00;
	v43 =	vsel vm3, v43, v49;
	v49 =	vld.msk [tilespmem:s17+$0x0 ss:$0x0], $0xffff  }
0xec: {  	v34 =	vadd.f32 v48, v34;
	v56 =	vld.msk [tilespmem:s16+$0x0 ss:$0x0], $0xffff;
	v57 =	vsel vm1, v42, v47;
	v44 =	vmax.f32 v44, $0.0e+00  }
0xed: {  	v43 =	vmax.f32 v43, $0.0e+00;
	v38 =	vadd.f32 v41, v38;
	v24 =	vmax.f32 v24, $0.0e+00  }
0xee: {  	s8 =	simm.s32 $0x0;
	v42 =	vmax.f32 v57, $0.0e+00;
	v41 =	vadd.f32 v55, v31;
	v8 =	vadd.f32 v44, v8  }
0xef: {  	v24 =	vadd.f32 v24, v25;
	v25 =	vadd.f32 v42, v13;
	v13 =	vmov s8  }
0xf0: {  	v28 =	vadd.f32 v43, v28;
	vm3 =	vlt.u32 v13, v2;
	v31 =	vsub.f32 v49, v35  }
0xf1: {  	v47 =	vsub.f32 v49, v29;
	vm1 =	vle.f32 v56, v4;
	v58 =	vsub.f32 v49, v22  }
0xf2: {  	vm7 =	vle.f32 v56, v15;
	v45 =	vsub.f32 v49, v26;
	v48 =	vsub.f32 v49, v18  }
0xf3: {  	vm4 =	vle.f32 v56, v16;
	vm8 =	vle.f32 v56, v23;
	v50 =	vsub.f32 v49, v12  }
0xf4: {  	vm9 =	vle.f32 v56, v30;
	v52 =	vsub.f32 v49, v6;
	vm5 =	vle.f32 v56, v7  }
0xf5: {  	vm6 =	vle.f32 v56, v19;
	vm10 =	vle.f32 v56, v9;
	v61 =	vsub.f32 v49, v14  }
0xf6: {  	vm2 =	vle.f32 v56, v33;
	v63 =	vsub.f32 v49, v10;
	v57 =	vsub.f32 v49, v21  }
0xf7: {  	vm11 =	vle.f32 v56, v36;
	v44 =	vsub.f32 v49, v32;
	v59 =	vsub.f32 $0.0e+00, v58  }
0xf8: {  	vm12 =	vle.f32 v56, v27;
	v46 =	vsub.f32 $0.0e+00, v45;
	v60 =	vsub.f32 $0.0e+00, v31  }
0xf9: {  	v53 =	vsub.f32 $0.0e+00, v52;
	v55 =	vsub.f32 $0.0e+00, v50;
	v42 =	vsel vm8, v58, v59  }
0xfa: {  	vm8 =	vle.f32 v56, v11;
	v62 =	vsel vm11, v31, v60;
	v60 =	vsub.f32 $0.0e+00, v61  }
0xfb: {  	v56 =	vsub.f32 $0.0e+00, v47;
	v31 =	vmax.f32 v42, $0.0e+00;
	v43 =	vmax.f32 v62, $0.0e+00  }
0xfc: {  	v42 =	vsel vm12, v45, v46;
	v46 =	vsub.f32 v49, v5;
	v62 =	vsub.f32 $0.0e+00, v48  }
0xfd: {  	v45 =	vsel vm7, v61, v60;
	v61 =	vsub.f32 $0.0e+00, v63;
	v47 =	vsel vm9, v47, v56  }
0xfe: {  	v55 =	vsel vm8, v50, v55;
	v50 =	vsub.f32 $0.0e+00, v46;
	v47 =	vmax.f32 v47, $0.0e+00  }
0xff: {  	v49 =	vsel vm4, v48, v62;
	v51 =	vsel vm10, v63, v61;
	v63 =	vsub.f32 $0.0e+00, v57  }
0x100: {  	v48 =	vsel vm5, v52, v53;
	v17 =	vadd.f32 v47, v17;
	v51 =	vmax.f32 v51, $0.0e+00  }
0x101: {  	s9 =	sadd.s32 $0x1, s16;
	s12 =	sadd.s32 $0x1, s17;
	s8 =	simm.s32 $0x1;
	v47 =	vmax.f32 v55, $0.0e+00;
	v39 =	vadd.f32 v51, v39;
	v51 =	vsel vm6, v57, v63  }
.LBB2_7:
0x102: {  	v52 =	vld.msk [tilespmem:s12+$0x0 ss:$0x0], $0xffff;
	p0 =	sne.s32 s8, $0xF;
	v43 =	vnsel vm3, $0x0, v43;
	v40 =	vadd.f32 v31, v40;
	v31 =	vsel vm1, v46, v50;
	s14 =	smov.u32 s8;
	s8 =	sadd.s32 $0x1, s8  }
0x103: {  	v45 =	vmax.f32 v45, $0.0e+00;
	v46 =	vld.msk [tilespmem:s9+$0x0 ss:$0x0], $0xffff;
	v8 =	vadd.f32 v43, v8;
	v43 =	vsub.f32 $0.0e+00, v44  }
0x104: {  	v50 =	vmax.f32 v51, $0.0e+00;
	v41 =	vadd.f32 v45, v41;
	v31 =	vmax.f32 v31, $0.0e+00  }
0x105: {  	v34 =	vadd.f32 v47, v34;
	v43 =	vsel vm2, v44, v43;
	v44 =	vmax.f32 v48, $0.0e+00  }
0x106: {  	v42 =	vmax.f32 v42, $0.0e+00;
	v45 =	vmax.f32 v49, $0.0e+00;
	v38 =	vadd.f32 v31, v38  }
0x107: {  	v20 =	vadd.f32 v42, v20;
	v28 =	vadd.f32 v45, v28;
	v31 =	vmax.f32 v43, $0.0e+00  }
0x108: {  	v42 =	vmov s14;
	v43 =	vsub.f32 v52, v35;
	v25 =	vadd.f32 v31, v25  }
0x109: {  	v24 =	vadd.f32 v50, v24;
	v47 =	vsub.f32 v52, v29;
	vm1 =	vle.f32 v46, v4  }
0x10a: {  	v37 =	vadd.f32 v44, v37;
	v31 =	vsub.f32 v52, v22;
	vm7 =	vle.f32 v46, v15  }
0x10b: {  	v44 =	vsub.f32 v52, v26;
	v48 =	vsub.f32 v52, v18;
	vm4 =	vle.f32 v46, v16  }
0x10c: {  	vm3 =	vlt.u32 v42, v2;
	v49 =	vsub.f32 v52, v12;
	vm10 =	vle.f32 v46, v23  }
0x10d: {  	v53 =	vsub.f32 v52, v6;
	vm8 =	vle.f32 v46, v30;
	vm5 =	vle.f32 v46, v7  }
0x10e: {  	vm6 =	vle.f32 v46, v19;
	vm9 =	vle.f32 v46, v9;
	v42 =	vsub.f32 $0.0e+00, v31  }
0x10f: {  	vm2 =	vle.f32 v46, v33;
	v45 =	vsub.f32 $0.0e+00, v44;
	v54 =	vsub.f32 $0.0e+00, v53  }
0x110: {  	v50 =	vsub.f32 $0.0e+00, v43;
	v31 =	vsel vm10, v31, v42;
	vm10 =	vle.f32 v46, v11  }
0x111: {  	v51 =	vsub.f32 v52, v14;
	vm11 =	vle.f32 v46, v36;
	vm12 =	vle.f32 v46, v27  }
0x112: {  	v55 =	vsub.f32 v52, v10;
	v42 =	vsel vm11, v43, v50;
	v31 =	vmax.f32 v31, $0.0e+00  }
0x113: {  	v56 =	vsub.f32 $0.0e+00, v49;
	v50 =	vsub.f32 $0.0e+00, v51;
	v43 =	vmax.f32 v42, $0.0e+00  }
0x114: {  	v57 =	vsub.f32 $0.0e+00, v47;
	v46 =	vsub.f32 v52, v5;
	v42 =	vsel vm12, v44, v45  }
0x115: {  	v58 =	vsub.f32 v52, v21;
	v45 =	vsel vm7, v51, v50;
	v51 =	vsub.f32 $0.0e+00, v55  }
.Ltmp2:
0x116: {  	v47 =	vsel vm8, v47, v57;
	v49 =	vsel vm10, v49, v56;
	v50 =	vsub.f32 $0.0e+00, v46;
	(pc) =	sbr.rel @p0 .LBB2_7-.Ltmp2, $4  }
0x117: {  	v44 =	vsub.f32 v52, v32;
	v52 =	vsub.f32 $0.0e+00, v48;
	v51 =	vsel vm9, v55, v51  }
0x118: {  	v47 =	vmax.f32 v47, $0.0e+00;
	v55 =	vsub.f32 $0.0e+00, v58;
	v51 =	vmax.f32 v51, $0.0e+00  }
0x119: {  	v17 =	vadd.f32 v47, v17;
	v47 =	vmax.f32 v49, $0.0e+00;
	v39 =	vadd.f32 v51, v39  }
0x11a: {  	s12 =	sadd.s32 $0x1, s12;
	s9 =	sadd.s32 $0x1, s9;
	v49 =	vsel vm4, v48, v52;
	v48 =	vsel vm5, v53, v54;
	v51 =	vsel vm6, v58, v55  }
0x11b: {  	v35 =	vnsel vm3, $0x0, v43;
	v31 =	vadd.f32 v31, v40  }
0x11c: {  	v36 =	vsel vm1, v46, v50;
	v50 =	vsub.f32 $0.0e+00, v44;
	v52 =	vmax.f32 v45, $0.0e+00  }
0x11d: {  	v46 =	vld.msk [tilespmem:s19+$0x0 ss:$0x0], $0xffff;
	v34 =	vadd.f32 v47, v34;
	v54 =	vmax.f32 v42, $0.0e+00;
	v55 =	vmax.f32 v49, $0.0e+00  }
0x11e: {  	v8 =	vadd.f32 v35, v8;
	v35 =	vadd.f32 v52, v41;
	v36 =	vmax.f32 v36, $0.0e+00  }
0x11f: {  	v40 =	vsel vm2, v44, v50;
	v56 =	vadd.f32 v36, v38;
	v36 =	vadd.f32 v54, v20  }
0x120: {  	v57 =	vld.msk [tilespmem:s18+$0x0 ss:$0x0], $0xffff;
	v38 =	vadd.f32 v55, v28;
	v20 =	vmax.f32 v48, $0.0e+00;
	v40 =	vmax.f32 v40, $0.0e+00  }
0x121: {  	v53 =	vmax.f32 v51, $0.0e+00;
	v28 =	vadd.f32 v20, v37;
	v40 =	vadd.f32 v40, v25  }
0x122: {  	v25 =	vadd.f32 v53, v24;
	v58 =	vsub.f32 v46, v32  }
0x123: {  	v59 =	vsub.f32 v46, v26;
	v60 =	vsub.f32 v46, v21  }
0x124: {  	vm6 =	vlt.u32 v13, v2;
	v41 =	vsub.f32 v46, v14;
	v20 =	vsub.f32 v46, v10  }
0x125: {  	vm2 =	vle.f32 v57, v9;
	v37 =	vsub.f32 v46, v12;
	v24 =	vsub.f32 v46, v5  }
0x126: {  	vm5 =	vle.f32 v57, v19;
	v42 =	vsub.f32 v46, v18;
	v44 =	vsub.f32 v46, v22  }
0x127: {  	vm3 =	vle.f32 v57, v16;
	v43 =	vsub.f32 v46, v6;
	v45 =	vsub.f32 v46, v29  }
0x128: {  	vm1 =	vle.f32 v57, v11;
	v61 =	vsub.f32 $0.0e+00, v20;
	v62 =	vsub.f32 $0.0e+00, v58  }
0x129: {  	vm4 =	vle.f32 v57, v27;
	v63 =	vsub.f32 $0.0e+00, v24;
	v13 =	vsub.f32 $0.0e+00, v60  }
0x12a: {  	v52 =	vsub.f32 $0.0e+00, v59;
	v46 =	vsub.f32 $0.0e+00, v42;
	v20 =	vsel vm2, v20, v61  }
0x12b: {  	vm2 =	vle.f32 v57, v4;
	v13 =	vsel vm5, v60, v13;
	vm5 =	vle.f32 v57, v30  }
0x12c: {  	v20 =	vmax.f32 v20, $0.0e+00;
	v24 =	vsel vm2, v24, v63;
	vm2 =	vle.f32 v57, v7  }
0x12d: {  	v20 =	vadd.f32 v20, v39;
	v39 =	vsel vm4, v59, v52;
	vm4 =	vle.f32 v57, v33  }
0x12e: {  	v49 =	vmax.f32 v13, $0.0e+00;
	v24 =	vmax.f32 v24, $0.0e+00;
	v48 =	vsel vm4, v58, v62  }
0x12f: {  	v25 =	vadd.f32 v49, v25;
	v24 =	vadd.f32 v24, v56;
	v48 =	vmax.f32 v48, $0.0e+00  }
0x130: {  	s8 =	simm.s32 $0x1;
	s9 =	sadd.s32 $0x1, s19;
	s12 =	smov.u32 s18;
	vm4 =	vle.f32 v57, v23;
	v13 =	vnsel vm6, $0x0, v48;
	vm6 =	vle.f32 v57, v15  }
.LBB2_9:
0x131: {  	p0 =	sne.s32 s8, $0xF  }
0x132: {  	v47 =	vld.msk [tilespmem:s9+$0x0 ss:$0x0], $0xffff;
	v40 =	vadd.f32 v13, v40;
	v13 =	vsub.f32 $0.0e+00, v44;
	v42 =	vsel vm3, v42, v46;
	s12 =	sadd.s32 $0x1, s12;
	s14 =	smov.u32 s8;
	s8 =	sadd.s32 $0x1, s8  }
0x133: {  	v46 =	vsub.f32 $0.0e+00, v45;
	v48 =	vsub.f32 $0.0e+00, v41;
	v42 =	vmax.f32 v42, $0.0e+00  }
0x134: {  	v13 =	vsel vm4, v44, v13;
	v38 =	vadd.f32 v42, v38;
	v42 =	vsub.f32 $0.0e+00, v37  }
0x135: {  	v44 =	vsel vm5, v45, v46;
	v41 =	vsel vm6, v41, v48;
	v45 =	vsub.f32 $0.0e+00, v43  }
0x136: {  	v44 =	vmax.f32 v44, $0.0e+00;
	v13 =	vmax.f32 v13, $0.0e+00;
	v41 =	vmax.f32 v41, $0.0e+00;
	v48 =	vld.msk [tilespmem:s12+$0x0 ss:$0x0], $0xffff  }
0x137: {  	v17 =	vadd.f32 v44, v17;
	v35 =	vadd.f32 v41, v35;
	v41 =	vsel vm2, v43, v45  }
0x138: {  	v31 =	vadd.f32 v13, v31;
	v13 =	vsel vm1, v37, v42;
	v49 =	vsub.f32 v47, v32  }
0x139: {  	v37 =	vmax.f32 v39, $0.0e+00;
	v43 =	vsub.f32 v47, v26;
	v39 =	vmax.f32 v41, $0.0e+00  }
0x13a: {  	v50 =	vsub.f32 v47, v21;
	v36 =	vadd.f32 v37, v36;
	v13 =	vmax.f32 v13, $0.0e+00  }
0x13b: {  	v45 =	vmov s14;
	v41 =	vsub.f32 v47, v14;
	v34 =	vadd.f32 v13, v34  }
0x13c: {  	v13 =	vsub.f32 v47, v10;
	v28 =	vadd.f32 v39, v28;
	vm2 =	vle.f32 v48, v9  }
0x13d: {  	v37 =	vsub.f32 v47, v12;
	v39 =	vsub.f32 v47, v5;
	vm5 =	vle.f32 v48, v19  }
0x13e: {  	v42 =	vsub.f32 v47, v18;
	v44 =	vsub.f32 $0.0e+00, v13;
	vm3 =	vle.f32 v48, v16  }
0x13f: {  	v51 =	vsub.f32 $0.0e+00, v49;
	v46 =	vsub.f32 $0.0e+00, v39;
	vm1 =	vle.f32 v48, v11  }
0x140: {  	v52 =	vsub.f32 $0.0e+00, v43;
	v13 =	vsel vm2, v13, v44;
	vm2 =	vle.f32 v48, v4  }
0x141: {  	v44 =	vsub.f32 v47, v22;
	v13 =	vmax.f32 v13, $0.0e+00;
	v39 =	vsel vm2, v39, v46  }
0x142: {  	vm2 =	vle.f32 v48, v7;
	v20 =	vadd.f32 v13, v20;
	v13 =	vmax.f32 v39, $0.0e+00  }
0x143: {  	vm6 =	vlt.u32 v45, v2;
	vm4 =	vle.f32 v48, v27;
	v24 =	vadd.f32 v13, v24  }
.Ltmp3:
0x144: {  	v39 =	vsel vm4, v43, v52;
	v43 =	vsub.f32 v47, v6;
	v13 =	vsub.f32 $0.0e+00, v50;
	(pc) =	sbr.rel @p0 .LBB2_9-.Ltmp3, $4  }
0x145: {  	v45 =	vsub.f32 v47, v29;
	v46 =	vsub.f32 $0.0e+00, v42;
	vm4 =	vle.f32 v48, v33  }
0x146: {  	v47 =	vsel vm4, v49, v51;
	vm4 =	vle.f32 v48, v23;
	v13 =	vsel vm5, v50, v13  }
0x147: {  	v47 =	vmax.f32 v47, $0.0e+00;
	vm5 =	vle.f32 v48, v30;
	v49 =	vmax.f32 v13, $0.0e+00  }
0x148: {  	s9 =	sadd.s32 $0x1, s9;
	s14 =	simm.s32 $0x0;
	v13 =	vnsel vm6, $0x0, v47;
	vm6 =	vle.f32 v48, v15;
	v25 =	vadd.f32 v49, v25  }
0x149: {  	v13 =	vadd.f32 v13, v40;
	v32 =	vsub.f32 $0.0e+00, v44  }
0x14a: {  	v33 =	vsel vm3, v42, v46;
	v46 =	vsub.f32 $0.0e+00, v45;
	v47 =	vsub.f32 $0.0e+00, v41  }
0x14b: {  	v48 =	vsub.f32 $0.0e+00, v37;
	v49 =	vsub.f32 $0.0e+00, v43;
	v39 =	vmax.f32 v39, $0.0e+00  }
0x14c: {  	v55 =	vmov s14;
	v33 =	vmax.f32 v33, $0.0e+00;
	v41 =	vsel vm6, v41, v47  }
0x14d: {  	v32 =	vsel vm4, v44, v32;
	v40 =	vsel vm5, v45, v46;
	v50 =	vmax.f32 v41, $0.0e+00;
	v41 =	vld.msk [tilespmem:s21+$0x0 ss:$0x0], $0xffff  }
0x14e: {  	v33 =	vadd.f32 v33, v38;
	v38 =	vsel vm1, v37, v48;
	v37 =	vld.msk [tilespmem:s20+$0x0 ss:$0x0], $0xffff;
	v40 =	vmax.f32 v40, $0.0e+00  }
0x14f: {  	v51 =	vsel vm2, v43, v49;
	v44 =	vmax.f32 v32, $0.0e+00;
	v17 =	vadd.f32 v40, v17  }
0x150: {  	v53 =	vmax.f32 v38, $0.0e+00;
	v32 =	vadd.f32 v50, v35;
	v31 =	vadd.f32 v44, v31  }
0x151: {  	v52 =	vmax.f32 v51, $0.0e+00;
	v35 =	vadd.f32 v39, v36;
	v36 =	vadd.f32 v53, v34  }
0x152: {  	vm1 =	vlt.u32 v55, v2;
	v28 =	vadd.f32 v52, v28;
	v54 =	vsub.f32 v41, v29  }
0x153: {  	vm2 =	vle.f32 v37, v9;
	v56 =	vsub.f32 v41, v18;
	v34 =	vsub.f32 v41, v22  }
0x154: {  	vm3 =	vle.f32 v37, v27;
	v57 =	vsub.f32 v41, v12;
	v40 =	vsub.f32 v41, v21  }
0x155: {  	vm4 =	vle.f32 v37, v16;
	v59 =	vsub.f32 v41, v6;
	v38 =	vsub.f32 v41, v14  }
0x156: {  	vm6 =	vle.f32 v37, v4;
	v39 =	vsub.f32 v41, v10;
	v48 =	vsub.f32 v41, v5  }
0x157: {  	vm5 =	vle.f32 v37, v7;
	v58 =	vsub.f32 $0.0e+00, v56;
	v60 =	vsub.f32 $0.0e+00, v54  }
0x158: {  	vm7 =	vle.f32 v37, v30;
	v47 =	vsub.f32 $0.0e+00, v59;
	v62 =	vsub.f32 $0.0e+00, v57  }
0x159: {  	vm8 =	vle.f32 v37, v11;
	v49 =	vsub.f32 $0.0e+00, v48;
	v45 =	vsub.f32 $0.0e+00, v40  }
0x15a: {  	v61 =	vsel vm4, v56, v58;
	vm4 =	vle.f32 v37, v15;
	v44 =	vsel vm5, v59, v47  }
0x15b: {  	v42 =	vsel vm7, v54, v60;
	vm5 =	vle.f32 v37, v19;
	v46 =	vsel vm8, v57, v62  }
0x15c: {  	v43 =	vsel vm6, v48, v49;
	v44 =	vmax.f32 v44, $0.0e+00;
	v42 =	vmax.f32 v42, $0.0e+00  }
0x15d: {  	[dreg:$0xa] =	wrdreg s22;
	v28 =	vadd.f32 v44, v28;
	v63 =	vnsel vm1, $0x0, v42;
	v42 =	vsub.f32 v41, v26  }
0x15e: {  	s8 =	simm.s32 $0x1;
	s9 =	sadd.s32 $0x1, s21;
	s12 =	smov.u32 s20;
	v41 =	vsub.f32 $0.0e+00, v34;
	v44 =	vmax.f32 v61, $0.0e+00;
	v17 =	vadd.f32 v63, v17  }
.LBB2_11:
0x15f: {  	p0 =	sne.s32 s8, $0xF  }
0x160: {  	v47 =	vld.msk [tilespmem:s9+$0x0 ss:$0x0], $0xffff;
	v48 =	vsub.f32 $0.0e+00, v42;
	v49 =	vsub.f32 $0.0e+00, v38;
	v46 =	vmax.f32 v46, $0.0e+00;
	s12 =	sadd.s32 $0x1, s12;
	s14 =	smov.u32 s8;
	s8 =	sadd.s32 $0x1, s8  }
0x161: {  	v40 =	vsel vm5, v40, v45;
	v36 =	vadd.f32 v46, v36;
	v45 =	vsub.f32 $0.0e+00, v39  }
0x162: {  	v33 =	vadd.f32 v44, v33;
	vm5 =	vle.f32 v37, v23;
	v40 =	vmax.f32 v40, $0.0e+00  }
0x163: {  	v43 =	vmax.f32 v43, $0.0e+00;
	v42 =	vsel vm3, v42, v48;
	v38 =	vsel vm4, v38, v49;
	v37 =	vld.msk [tilespmem:s12+$0x0 ss:$0x0], $0xffff  }
0x164: {  	v24 =	vadd.f32 v43, v24;
	v38 =	vmax.f32 v38, $0.0e+00;
	v39 =	vsel vm2, v39, v45  }
0x165: {  	v42 =	vmax.f32 v42, $0.0e+00;
	v25 =	vadd.f32 v40, v25;
	v39 =	vmax.f32 v39, $0.0e+00  }
0x166: {  	v40 =	vsel vm5, v34, v41;
	v32 =	vadd.f32 v38, v32;
	v43 =	vsub.f32 v47, v29  }
0x167: {  	v38 =	vmax.f32 v40, $0.0e+00;
	v34 =	vsub.f32 v47, v22;
	v20 =	vadd.f32 v39, v20  }
0x168: {  	v39 =	vmov s14;
	v41 =	vsub.f32 v47, v18;
	v31 =	vadd.f32 v38, v31  }
0x169: {  	v46 =	vsub.f32 v47, v12;
	vm6 =	vlt.u32 v39, v2;
	vm2 =	vle.f32 v37, v9  }
0x16a: {  	v35 =	vadd.f32 v42, v35;
	v38 =	vsub.f32 $0.0e+00, v41;
	vm3 =	vle.f32 v37, v27  }
0x16b: {  	v40 =	vsub.f32 v47, v21;
	v42 =	vsub.f32 v47, v6;
	vm4 =	vle.f32 v37, v16  }
0x16c: {  	v44 =	vsub.f32 $0.0e+00, v43;
	v45 =	vsel vm4, v41, v38;
	v38 =	vsub.f32 v47, v14  }
0x16d: {  	vm7 =	vle.f32 v37, v4;
	vm4 =	vle.f32 v37, v15;
	v41 =	vsub.f32 $0.0e+00, v42  }
0x16e: {  	v48 =	vsub.f32 v47, v5;
	v39 =	vsub.f32 v47, v10;
	vm5 =	vle.f32 v37, v7  }
0x16f: {  	vm8 =	vle.f32 v37, v30;
	vm9 =	vle.f32 v37, v11;
	v41 =	vsel vm5, v42, v41  }
.Ltmp4:
0x170: {  	v42 =	vsel vm8, v43, v44;
	v43 =	vsub.f32 $0.0e+00, v46;
	v41 =	vmax.f32 v41, $0.0e+00;
	(pc) =	sbr.rel @p0 .LBB2_11-.Ltmp4, $4  }
0x171: {  	vm5 =	vle.f32 v37, v19;
	v42 =	vmax.f32 v42, $0.0e+00;
	v28 =	vadd.f32 v41, v28  }
0x172: {  	v41 =	vnsel vm6, $0x0, v42;
	v42 =	vsub.f32 v47, v26;
	v47 =	vsub.f32 $0.0e+00, v48  }
0x173: {  	v44 =	vmax.f32 v45, $0.0e+00;
	v17 =	vadd.f32 v41, v17;
	v41 =	vsub.f32 $0.0e+00, v34  }
0x174: {  	s9 =	sadd.s32 $0x1, s9;
	v45 =	vsub.f32 $0.0e+00, v40;
	v46 =	vsel vm9, v46, v43;
	v43 =	vsel vm7, v48, v47  }
0x175: {  	v47 =	vsub.f32 $0.0e+00, v42;
	v29 =	vmax.f32 v46, $0.0e+00  }
0x176: {  	v58 =	vsub.f32 $0.0e+00, v38;
	v59 =	vsub.f32 $0.0e+00, v39;
	v48 =	vmax.f32 v43, $0.0e+00  }
0x177: {  	v30 =	vsel vm5, v40, v45;
	v29 =	vadd.f32 v29, v36;
	vm5 =	vle.f32 v37, v23  }
0x178: {  	v63 =	vld.msk [tilespmem:s23+$0x0 ss:$0x0], $0xffff;
	v36 =	vadd.f32 v48, v24;
	v60 =	vmax.f32 v30, $0.0e+00;
	v30 =	vadd.f32 v44, v33  }
0x179: {  	v61 =	vsel vm3, v42, v47;
	v62 =	vsel vm4, v38, v58;
	v39 =	vsel vm2, v39, v59  }
0x17a: {  	v50 =	vld.msk [tilespmem:s13+$0x0 ss:$0x0], $0xffff;
	v49 =	vmax.f32 v62, $0.0e+00;
	v33 =	vadd.f32 v60, v25;
	v25 =	vsel vm5, v34, v41  }
0x17b: {  	v51 =	vmax.f32 v39, $0.0e+00;
	v52 =	vmax.f32 v61, $0.0e+00;
	v24 =	vadd.f32 v49, v32  }
0x17c: {  	v25 =	vmax.f32 v25, $0.0e+00;
	v32 =	vadd.f32 v51, v20;
	v20 =	vadd.f32 v52, v35  }
0x17d: {  	v25 =	vadd.f32 v25, v31;
	v53 =	vsub.f32 v63, v26  }
0x17e: {  	v31 =	vsub.f32 v63, v21;
	v54 =	vsub.f32 v63, v18  }
0x17f: {  	vm3 =	vle.f32 v50, v7;
	vm6 =	vle.f32 v50, v27;
	v55 =	vsub.f32 v63, v14  }
0x180: {  	vm4 =	vle.f32 v50, v19;
	v34 =	vsub.f32 v63, v10;
	v35 =	vsub.f32 v63, v6  }
0x181: {  	vm7 =	vle.f32 v50, v16;
	v57 =	vsub.f32 v63, v5;
	v58 =	vsub.f32 v63, v12  }
0x182: {  	vm2 =	vle.f32 v50, v9;
	v37 =	vsub.f32 v63, v22;
	v56 =	vsub.f32 $0.0e+00, v55  }
0x183: {  	vm8 =	vle.f32 v50, v11;
	v38 =	vsub.f32 $0.0e+00, v31;
	v60 =	vsub.f32 $0.0e+00, v57  }
0x184: {  	vm9 =	vle.f32 v50, v4;
	v61 =	vsub.f32 $0.0e+00, v53;
	v62 =	vsub.f32 $0.0e+00, v58  }
0x185: {  	vm5 =	vle.f32 v50, v15;
	v42 =	vsub.f32 $0.0e+00, v37;
	v48 =	vsub.f32 $0.0e+00, v54  }
0x186: {  	v41 =	vsub.f32 $0.0e+00, v34;
	v45 =	vsub.f32 $0.0e+00, v35;
	v59 =	vsel vm5, v55, v56  }
0x187: {  	vm5 =	vle.f32 v50, v23;
	v43 =	vsel vm9, v57, v60;
	v63 =	vsel vm6, v53, v61  }
0x188: {  	v48 =	vsel vm7, v54, v48;
	v39 =	vsel vm8, v58, v62;
	v43 =	vmax.f32 v43, $0.0e+00  }
0x189: {  	s9 =	simm.s32 $0x1;
	s12 =	sadd.s32 $0x1, s23;
	s22 =	smov.u32 s13;
	v40 =	vmax.f32 v63, $0.0e+00;
	v44 =	vmax.f32 v48, $0.0e+00;
	v46 =	vmax.f32 v59, $0.0e+00  }
.LBB2_13:
0x18a: {  	p0 =	sne.s32 s9, $0xF  }
0x18b: {  	v47 =	vld.msk [tilespmem:s12+$0x0 ss:$0x0], $0xffff;
	v31 =	vsel vm4, v31, v38;
	v24 =	vadd.f32 v46, v24;
	v35 =	vsel vm3, v35, v45;
	s22 =	sadd.s32 $0x1, s22;
	s8 =	smov.u32 s9;
	s9 =	sadd.s32 $0x1, s9  }
0x18c: {  	v37 =	vsel vm5, v37, v42;
	v36 =	vadd.f32 v43, v36;
	v45 =	vld.msk [tilespmem:s22+$0x0 ss:$0x0], $0xffff;
	v31 =	vmax.f32 v31, $0.0e+00  }
0x18d: {  	v33 =	vadd.f32 v31, v33;
	v31 =	vsel vm2, v34, v41;
	v34 =	vmax.f32 v35, $0.0e+00  }
0x18e: {  	v30 =	vadd.f32 v44, v30;
	v31 =	vmax.f32 v31, $0.0e+00;
	v28 =	vadd.f32 v34, v28  }
0x18f: {  	v35 =	vmax.f32 v39, $0.0e+00;
	v34 =	vmax.f32 v37, $0.0e+00;
	v32 =	vadd.f32 v31, v32  }
0x190: {  	v29 =	vadd.f32 v35, v29;
	v31 =	vnsel vm1, $0x0, v40;
	v25 =	vadd.f32 v34, v25  }
0x191: {  	v39 =	vmov s8;
	v40 =	vsub.f32 v47, v26;
	v20 =	vadd.f32 v31, v20  }
0x192: {  	v31 =	vsub.f32 v47, v21;
	v44 =	vsub.f32 v47, v18;
	vm3 =	vle.f32 v45, v7  }
0x193: {  	v37 =	vsub.f32 v47, v14;
	vm6 =	vle.f32 v45, v27;
	vm4 =	vle.f32 v45, v19  }
0x194: {  	v34 =	vsub.f32 v47, v10;
	vm7 =	vle.f32 v45, v16;
	vm2 =	vle.f32 v45, v9  }
0x195: {  	vm8 =	vle.f32 v45, v11;
	vm9 =	vle.f32 v45, v4;
	v41 =	vsub.f32 $0.0e+00, v37  }
0x196: {  	v35 =	vsub.f32 v47, v6;
	v43 =	vsub.f32 v47, v5;
	vm1 =	vle.f32 v45, v15  }
0x197: {  	v48 =	vsub.f32 v47, v12;
	v38 =	vsub.f32 $0.0e+00, v31;
	v46 =	vsel vm1, v37, v41  }
0x198: {  	vm5 =	vle.f32 v45, v23;
	v37 =	vsub.f32 v47, v22;
	v41 =	vsub.f32 $0.0e+00, v43  }
.Ltmp5:
0x199: {  	v45 =	vsub.f32 $0.0e+00, v48;
	vm1 =	vlt.u32 v39, v2;
	v39 =	vsub.f32 $0.0e+00, v40;
	(pc) =	sbr.rel @p0 .LBB2_13-.Ltmp5, $4  }
0x19a: {  	v47 =	vsub.f32 $0.0e+00, v44;
	v42 =	vsub.f32 $0.0e+00, v37;
	v43 =	vsel vm9, v43, v41  }
0x19b: {  	v40 =	vsel vm6, v40, v39;
	v41 =	vsub.f32 $0.0e+00, v34;
	v43 =	vmax.f32 v43, $0.0e+00  }
0x19c: {  	v44 =	vsel vm7, v44, v47;
	v39 =	vsel vm8, v48, v45;
	v45 =	vsub.f32 $0.0e+00, v35  }
0x19d: {  	s12 =	sadd.s32 $0x1, s12;
	s8 =	simm.s32 $0x0;
	v46 =	vmax.f32 v46, $0.0e+00;
	v40 =	vmax.f32 v40, $0.0e+00;
	v44 =	vmax.f32 v44, $0.0e+00  }
0x19e: {  	v26 =	vsel vm4, v31, v38;
	v24 =	vadd.f32 v46, v24;
	v27 =	vsel vm3, v35, v45  }
0x19f: {  	v53 =	vsel vm5, v37, v42;
	v54 =	vld.msk [tilespmem:s25+$0x0 ss:$0x0], $0xffff;
	v34 =	vsel vm2, v34, v41;
	v56 =	vnsel vm1, $0x0, v40  }
0x1a0: {  	v31 =	vmax.f32 v26, $0.0e+00;
	v26 =	vadd.f32 v43, v36;
	v20 =	vadd.f32 v56, v20  }
0x1a1: {  	v27 =	vmax.f32 v27, $0.0e+00;
	v31 =	vadd.f32 v31, v33;
	v33 =	vadd.f32 v44, v30  }
0x1a2: {  	v30 =	vmax.f32 v34, $0.0e+00;
	v27 =	vadd.f32 v27, v28;
	v34 =	vld.msk [tilespmem:s24+$0x0 ss:$0x0], $0xffff;
	v28 =	vmax.f32 v53, $0.0e+00  }
0x1a3: {  	v55 =	vmax.f32 v39, $0.0e+00;
	v30 =	vadd.f32 v30, v32;
	v28 =	vadd.f32 v28, v25  }
0x1a4: {  	v25 =	vadd.f32 v55, v29;
	v57 =	vsub.f32 v54, v22  }
0x1a5: {  	v58 =	vsub.f32 v54, v18;
	v59 =	vsub.f32 v54, v12  }
0x1a6: {  	v29 =	vmov s8;
	v32 =	vsub.f32 v54, v6;
	v35 =	vsub.f32 v54, v5  }
0x1a7: {  	v39 =	vsub.f32 v54, v14;
	v36 =	vsub.f32 v54, v21;
	vm1 =	vle.f32 v34, v19  }
0x1a8: {  	v60 =	vsub.f32 $0.0e+00, v59;
	vm2 =	vle.f32 v34, v9;
	v61 =	vsub.f32 $0.0e+00, v57  }
0x1a9: {  	vm3 =	vle.f32 v34, v11;
	v62 =	vsub.f32 $0.0e+00, v58;
	vm4 =	vle.f32 v34, v23  }
0x1aa: {  	vm5 =	vle.f32 v34, v16;
	v43 =	vsub.f32 $0.0e+00, v39;
	v38 =	vsel vm3, v59, v60  }
0x1ab: {  	v63 =	vsel vm4, v57, v61;
	v42 =	vmax.f32 v38, $0.0e+00;
	v38 =	vsub.f32 v54, v10  }
0x1ac: {  	v40 =	vsub.f32 $0.0e+00, v35;
	vm3 =	vle.f32 v34, v15;
	v37 =	vmax.f32 v63, $0.0e+00  }
0x1ad: {  	s9 =	simm.s32 $0x1;
	s12 =	sadd.s32 $0x1, s25;
	s22 =	smov.u32 s24;
	v25 =	vadd.f32 v42, v25;
	v42 =	vsel vm5, v58, v62;
	v41 =	vsub.f32 $0.0e+00, v38  }
.LBB2_15:
0x1ae: {  	p0 =	sne.s32 s9, $0xF  }
0x1af: {  	v44 =	vld.msk [tilespmem:s12+$0x0 ss:$0x0], $0xffff;
	v45 =	vsub.f32 $0.0e+00, v36;
	v39 =	vsel vm3, v39, v43;
	vm3 =	vle.f32 v34, v7;
	s22 =	sadd.s32 $0x1, s22;
	s14 =	smov.u32 s9;
	s9 =	sadd.s32 $0x1, s9  }
0x1b0: {  	v42 =	vmax.f32 v42, $0.0e+00;
	v43 =	vsub.f32 $0.0e+00, v32;
	v39 =	vmax.f32 v39, $0.0e+00  }
0x1b1: {  	v33 =	vadd.f32 v42, v33;
	v38 =	vsel vm2, v38, v41;
	vm2 =	vle.f32 v34, v4  }
0x1b2: {  	v36 =	vsel vm1, v36, v45;
	v38 =	vmax.f32 v38, $0.0e+00;
	v32 =	vsel vm3, v32, v43;
	v34 =	vld.msk [tilespmem:s22+$0x0 ss:$0x0], $0xffff  }
0x1b3: {  	v36 =	vmax.f32 v36, $0.0e+00;
	v41 =	vmax.f32 v32, $0.0e+00;
	v32 =	vsel vm2, v35, v40  }
0x1b4: {  	v30 =	vadd.f32 v38, v30;
	v31 =	vadd.f32 v36, v31;
	v32 =	vmax.f32 v32, $0.0e+00  }
0x1b5: {  	vm1 =	vlt.u32 v29, v2;
	v40 =	vsub.f32 v44, v22;
	v26 =	vadd.f32 v32, v26  }
0x1b6: {  	v24 =	vadd.f32 v39, v24;
	v42 =	vsub.f32 v44, v18;
	v32 =	vnsel vm1, $0x0, v37  }
0x1b7: {  	v29 =	vmov s14;
	v37 =	vsub.f32 v44, v12;
	v28 =	vadd.f32 v32, v28  }
0x1b8: {  	v27 =	vadd.f32 v41, v27;
	v32 =	vsub.f32 v44, v6;
	vm1 =	vle.f32 v34, v19  }
0x1b9: {  	v35 =	vsub.f32 v44, v5;
	v38 =	vsub.f32 $0.0e+00, v37;
	vm2 =	vle.f32 v34, v9  }
0x1ba: {  	v39 =	vsub.f32 v44, v14;
	v41 =	vsub.f32 $0.0e+00, v40;
	vm3 =	vle.f32 v34, v11  }
.Ltmp6:
0x1bb: {  	v36 =	vsub.f32 v44, v21;
	v43 =	vsub.f32 $0.0e+00, v42;
	v37 =	vsel vm3, v37, v38;
	(pc) =	sbr.rel @p0 .LBB2_15-.Ltmp6, $4  }
0x1bc: {  	vm4 =	vle.f32 v34, v23;
	v38 =	vsub.f32 v44, v10;
	v37 =	vmax.f32 v37, $0.0e+00  }
0x1bd: {  	vm5 =	vle.f32 v34, v16;
	vm3 =	vle.f32 v34, v15;
	v25 =	vadd.f32 v37, v25  }
0x1be: {  	v42 =	vsel vm5, v42, v43;
	v43 =	vsub.f32 $0.0e+00, v39;
	v37 =	vsel vm4, v40, v41  }
0x1bf: {  	s12 =	sadd.s32 $0x1, s12;
	v41 =	vsub.f32 $0.0e+00, v38;
	v40 =	vsub.f32 $0.0e+00, v35;
	v37 =	vmax.f32 v37, $0.0e+00  }
0x1c0: {  	v23 =	vsub.f32 $0.0e+00, v36;
	v22 =	vsel vm3, v39, v43  }
0x1c1: {  	vm3 =	vle.f32 v34, v7;
	v58 =	vmax.f32 v42, $0.0e+00;
	v60 =	vsub.f32 $0.0e+00, v32  }
0x1c2: {  	v59 =	vmax.f32 v22, $0.0e+00;
	v22 =	vadd.f32 v58, v33;
	v61 =	vsel vm2, v38, v41  }
0x1c3: {  	v62 =	vld.msk [tilespmem:s28+$0x0 ss:$0x0], $0xffff;
	vm2 =	vle.f32 v34, v4;
	v23 =	vsel vm1, v36, v23;
	v33 =	vmax.f32 v61, $0.0e+00  }
0x1c4: {  	v63 =	vld.msk [tilespmem:s26+$0x0 ss:$0x0], $0xffff;
	v32 =	vsel vm3, v32, v60;
	v34 =	vsel vm2, v35, v40;
	vm1 =	vlt.u32 v29, v2  }
0x1c5: {  	v23 =	vmax.f32 v23, $0.0e+00;
	v29 =	vadd.f32 v33, v30;
	v32 =	vmax.f32 v32, $0.0e+00  }
0x1c6: {  	v30 =	vadd.f32 v59, v24;
	v23 =	vadd.f32 v23, v31;
	v31 =	vmax.f32 v34, $0.0e+00  }
0x1c7: {  	v27 =	vadd.f32 v32, v27;
	v32 =	vmov s8;
	v26 =	vadd.f32 v31, v26  }
0x1c8: {  	v31 =	vnsel vm1, $0x0, v37;
	v44 =	vsub.f32 v62, v14;
	v34 =	vsub.f32 v62, v10  }
0x1c9: {  	vm1 =	vle.f32 v63, v4;
	vm7 =	vle.f32 v63, v15;
	v33 =	vsub.f32 v62, v12  }
0x1ca: {  	v35 =	vsub.f32 v62, v18;
	vm2 =	vle.f32 v63, v11;
	v36 =	vsub.f32 v62, v6  }
0x1cb: {  	vm3 =	vle.f32 v63, v16;
	v24 =	vadd.f32 v31, v28;
	v28 =	vsub.f32 v62, v21  }
0x1cc: {  	vm5 =	vle.f32 v63, v9;
	v31 =	vsub.f32 v62, v5;
	v38 =	vsub.f32 $0.0e+00, v34  }
0x1cd: {  	vm4 =	vle.f32 v63, v7;
	v37 =	vsub.f32 $0.0e+00, v33;
	v45 =	vsub.f32 $0.0e+00, v44  }
0x1ce: {  	[dreg:$0x9] =	wrdreg s15;
	vm6 =	vle.f32 v63, v19;
	v39 =	vsub.f32 $0.0e+00, v36;
	v42 =	vsub.f32 $0.0e+00, v35  }
0x1cf: {  	s12 =	sadd.s32 $0x1, s28;
	s22 =	smov.u32 s26;
	s8 =	simm.s32 $0x1;
	v41 =	vsub.f32 $0.0e+00, v28;
	v40 =	vsub.f32 $0.0e+00, v31;
	v43 =	vsel vm7, v44, v45  }
.LBB2_17:
0x1d0: {  	p0 =	sne.s32 s8, $0xF  }
0x1d1: {  	v44 =	vld.msk [tilespmem:s12+$0x0 ss:$0x0], $0xffff;
	vm7 =	vlt.u32 v32, v2;
	v32 =	vmax.f32 v43, $0.0e+00;
	v34 =	vsel vm5, v34, v38;
	s22 =	sadd.s32 $0x1, s22;
	s9 =	smov.u32 s8;
	s8 =	sadd.s32 $0x1, s8  }
0x1d2: {  	v28 =	vsel vm6, v28, v41;
	v33 =	vsel vm2, v33, v37;
	v35 =	vsel vm3, v35, v42  }
0x1d3: {  	v36 =	vsel vm4, v36, v39;
	v31 =	vsel vm1, v31, v40;
	v33 =	vmax.f32 v33, $0.0e+00;
	v42 =	vld.msk [tilespmem:s22+$0x0 ss:$0x0], $0xffff  }
0x1d4: {  	v25 =	vadd.f32 v33, v25;
	v33 =	vmax.f32 v34, $0.0e+00;
	v34 =	vmax.f32 v36, $0.0e+00  }
0x1d5: {  	v28 =	vmax.f32 v28, $0.0e+00;
	v30 =	vadd.f32 v32, v30;
	v29 =	vadd.f32 v33, v29  }
0x1d6: {  	v31 =	vmax.f32 v31, $0.0e+00;
	v32 =	vnsel vm7, $0x0, v28;
	v27 =	vadd.f32 v34, v27  }
0x1d7: {  	v23 =	vadd.f32 v32, v23;
	v33 =	vmax.f32 v35, $0.0e+00;
	v28 =	vsub.f32 v44, v21  }
0x1d8: {  	v32 =	vmov s9;
	v22 =	vadd.f32 v33, v22;
	v43 =	vsub.f32 v44, v14  }
0x1d9: {  	v26 =	vadd.f32 v31, v26;
	v34 =	vsub.f32 v44, v10;
	vm1 =	vle.f32 v42, v4  }
0x1da: {  	v33 =	vsub.f32 v44, v12;
	v31 =	vsub.f32 v44, v5;
	vm7 =	vle.f32 v42, v15  }
.Ltmp7:
0x1db: {  	v35 =	vsub.f32 v44, v18;
	vm2 =	vle.f32 v42, v11;
	v38 =	vsub.f32 $0.0e+00, v34;
	(pc) =	sbr.rel @p0 .LBB2_17-.Ltmp7, $4  }
0x1dc: {  	v36 =	vsub.f32 v44, v6;
	vm3 =	vle.f32 v42, v16;
	v37 =	vsub.f32 $0.0e+00, v33  }
0x1dd: {  	v41 =	vsub.f32 $0.0e+00, v28;
	v44 =	vsub.f32 $0.0e+00, v43;
	vm5 =	vle.f32 v42, v9  }
0x1de: {  	vm4 =	vle.f32 v42, v7;
	v39 =	vsub.f32 $0.0e+00, v36;
	v40 =	vsub.f32 $0.0e+00, v31  }
0x1df: {  	s12 =	sadd.s32 $0x1, s12;
	s9 =	simm.s32 $0x0;
	vm6 =	vle.f32 v42, v19;
	v42 =	vsub.f32 $0.0e+00, v35;
	v43 =	vsel vm7, v43, v44  }
0x1e0: {  	vm7 =	vlt.u32 v32, v2;
	v19 =	vmax.f32 v43, $0.0e+00;
	v21 =	vsel vm5, v34, v38  }
0x1e1: {  	v28 =	vsel vm6, v28, v41;
	v33 =	vsel vm2, v33, v37;
	v49 =	vsel vm4, v36, v39  }
0x1e2: {  	v31 =	vsel vm1, v31, v40;
	v50 =	vld.msk [tilespmem:s30+$0x0 ss:$0x0], $0xffff;
	v48 =	vsel vm3, v35, v42;
	v33 =	vmax.f32 v33, $0.0e+00  }
0x1e3: {  	v21 =	vmax.f32 v21, $0.0e+00;
	v28 =	vmax.f32 v28, $0.0e+00;
	v51 =	vadd.f32 v19, v30  }
0x1e4: {  	s14 =	sadd.s32 $0x1, s30;
	v33 =	vadd.f32 v33, v25;
	v25 =	vmax.f32 v49, $0.0e+00;
	v29 =	vadd.f32 v21, v29  }
0x1e5: {  	v57 =	vld.msk [tilespmem:s14+$0x0 ss:$0x0], $0xffff;
	v19 =	vnsel vm7, $0x0, v28;
	v21 =	vmax.f32 v48, $0.0e+00;
	v30 =	vadd.f32 v25, v27  }
0x1e6: {  	v52 =	vld.msk [tilespmem:s29+$0x0 ss:$0x0], $0xffff;
	v27 =	vmax.f32 v31, $0.0e+00;
	v25 =	vadd.f32 v19, v23;
	v19 =	vadd.f32 v21, v22  }
0x1e7: {  	v23 =	vadd.f32 v27, v26;
	v21 =	vsub.f32 v50, v18  }
0x1e8: {  	v22 =	vsub.f32 v50, v5;
	v26 =	vsub.f32 v50, v12  }
0x1e9: {  	v31 =	vsub.f32 v50, v10;
	v53 =	vsub.f32 v50, v14  }
0x1ea: {  	v54 =	vmov s9;
	v28 =	vsub.f32 v50, v6;
	v34 =	vsub.f32 v57, v12  }
0x1eb: {  	vm1 =	vle.f32 v52, v11;
	v32 =	vsub.f32 v57, v10;
	v27 =	vsub.f32 $0.0e+00, v21  }
0x1ec: {  	vm2 =	vle.f32 v52, v16;
	v35 =	vsub.f32 v57, v6;
	v55 =	vsub.f32 $0.0e+00, v31  }
0x1ed: {  	v56 =	vsub.f32 $0.0e+00, v28;
	v58 =	vsub.f32 $0.0e+00, v22;
	v21 =	vsel vm2, v21, v27  }
0x1ee: {  	vm2 =	vlt.u32 v54, v2;
	v27 =	vsub.f32 $0.0e+00, v26;
	v21 =	vmax.f32 v21, $0.0e+00  }
0x1ef: {  	v38 =	vsub.f32 $0.0e+00, v34;
	v37 =	vsub.f32 $0.0e+00, v35;
	v21 =	vnsel vm2, $0x0, v21  }
0x1f0: {  	vm2 =	vle.f32 v52, v7;
	v26 =	vsel vm1, v26, v27;
	vm1 =	vle.f32 v52, v9  }
0x1f1: {  	s12 =	sadd.s32 $0x1, s29;
	v26 =	vmax.f32 v26, $0.0e+00;
	v28 =	vsel vm2, v28, v56;
	vm2 =	vle.f32 v52, v4  }
0x1f2: {  	v31 =	vsel vm1, v31, v55;
	v27 =	vadd.f32 v26, v33;
	v26 =	vmax.f32 v28, $0.0e+00;
	v28 =	vld.msk [tilespmem:s12+$0x0 ss:$0x0], $0xffff  }
0x1f3: {  	v22 =	vsel vm2, v22, v58;
	v31 =	vmax.f32 v31, $0.0e+00;
	v33 =	vsub.f32 $0.0e+00, v32  }
0x1f4: {  	s8 =	simm.s32 $0x1;
	v59 =	vmax.f32 v22, $0.0e+00;
	v22 =	vadd.f32 v31, v29;
	v29 =	vsub.f32 v57, v18  }
0x1f5: {  	v62 =	vmov s8;
	v26 =	vadd.f32 v26, v30;
	v30 =	vsub.f32 $0.0e+00, v53  }
0x1f6: {  	vm1 =	vle.f32 v52, v15;
	v31 =	vsub.f32 v57, v5;
	v61 =	vsub.f32 $0.0e+00, v29  }
0x1f7: {  	v23 =	vadd.f32 v59, v23;
	v30 =	vsel vm1, v53, v30;
	vm2 =	vle.f32 v28, v16  }
0x1f8: {  	v60 =	vmax.f32 v30, $0.0e+00;
	v30 =	vsub.f32 v57, v14;
	v39 =	vsel vm2, v29, v61  }
0x1f9: {  	vm1 =	vle.f32 v28, v11;
	vm2 =	vlt.u32 v62, v2;
	v63 =	vmax.f32 v39, $0.0e+00  }
0x1fa: {  	s22 =	simm.s32 $0x2;
	s14 =	sadd.s32 $0x1, s14;
	v29 =	vadd.f32 v60, v51;
	v36 =	vnsel vm2, $0x0, v63;
	vm2 =	vle.f32 v28, v7  }
.LBB2_19:
0x1fb: {  	v39 =	vld.msk [tilespmem:s14+$0x0 ss:$0x0], $0xffff;
	p0 =	sne.s32 s22, $0xF;
	v34 =	vsel vm1, v34, v38;
	vm1 =	vle.f32 v28, v9;
	v19 =	vadd.f32 v21, v19;
	v21 =	vmovc v36;
	s15 =	smov.u32 s22;
	s22 =	sadd.s32 $0x1, s22  }
0x1fc: {  	v36 =	vsub.f32 $0.0e+00, v31;
	s12 =	sadd.s32 $0x1, s12;
	v34 =	vmax.f32 v34, $0.0e+00;
	v35 =	vsel vm2, v35, v37  }
0x1fd: {  	vm2 =	vle.f32 v28, v4;
	v37 =	vld.msk [tilespmem:s12+$0x0 ss:$0x0], $0xffff;
	v27 =	vadd.f32 v34, v27;
	v34 =	vmax.f32 v35, $0.0e+00  }
0x1fe: {  	v32 =	vsel vm1, v32, v33;
	v31 =	vsel vm2, v31, v36;
	v26 =	vadd.f32 v34, v26  }
0x1ff: {  	v33 =	vsub.f32 $0.0e+00, v30;
	v32 =	vmax.f32 v32, $0.0e+00;
	v31 =	vmax.f32 v31, $0.0e+00  }
0x200: {  	vm1 =	vle.f32 v28, v15;
	v22 =	vadd.f32 v32, v22;
	v23 =	vadd.f32 v31, v23  }
0x201: {  	v33 =	vsel vm1, v30, v33;
	v36 =	vsub.f32 v39, v18;
	v31 =	vsub.f32 v39, v5  }
0x202: {  	v38 =	vmax.f32 v33, $0.0e+00;
	v34 =	vsub.f32 v39, v12;
	v32 =	vsub.f32 v39, v10  }
.Ltmp8:
0x203: {  	v30 =	vsub.f32 v39, v14;
	v40 =	vsub.f32 $0.0e+00, v36;
	vm1 =	vle.f32 v37, v11;
	v28 =	vmovc v37;
	(pc) =	sbr.rel @p0 .LBB2_19-.Ltmp8, $4  }
0x204: {  	v35 =	vsub.f32 v39, v6;
	v33 =	vsub.f32 $0.0e+00, v32;
	vm2 =	vle.f32 v28, v16  }
0x205: {  	v29 =	vadd.f32 v38, v29;
	v37 =	vmov s15;
	v36 =	vsel vm2, v36, v40  }
0x206: {  	v38 =	vsub.f32 $0.0e+00, v34;
	vm2 =	vlt.u32 v37, v2;
	v36 =	vmax.f32 v36, $0.0e+00  }
0x207: {  	s14 =	sadd.s32 $0x1, s14;
	v37 =	vsub.f32 $0.0e+00, v35;
	v36 =	vnsel vm2, $0x0, v36;
	vm2 =	vle.f32 v28, v7  }
0x208: {  	v16 =	vsel vm1, v34, v38;
	vm1 =	vle.f32 v28, v9;
	v19 =	vadd.f32 v21, v19  }
0x209: {  	v21 =	vsub.f32 $0.0e+00, v31;
	v56 =	vsub.f32 $0.0e+00, v30;
	v16 =	vmax.f32 v16, $0.0e+00  }
0x20a: {  	v18 =	vsel vm2, v35, v37;
	vm2 =	vle.f32 v28, v4;
	v55 =	vadd.f32 v16, v27;
	v27 =	vld.msk [tilespmem:s1+$0x0 ss:$0x0], $0xffff  }
0x20b: {  	v16 =	vmax.f32 v18, $0.0e+00;
	v18 =	vsel vm1, v32, v33;
	vm1 =	vle.f32 v28, v15  }
0x20c: {  	v26 =	vadd.f32 v16, v26;
	v16 =	vsel vm2, v31, v21;
	v18 =	vmax.f32 v18, $0.0e+00;
	v31 =	vld.msk [tilespmem:s31+$0x0 ss:$0x0], $0xffff  }
0x20d: {  	v28 =	vsel vm1, v30, v56;
	v21 =	vmax.f32 v16, $0.0e+00;
	v16 =	vadd.f32 v18, v22  }
0x20e: {  	v18 =	vmax.f32 v28, $0.0e+00;
	v28 =	vadd.f32 v36, v19;
	v22 =	vadd.f32 v21, v23  }
0x20f: {  	s14 =	sadd.s32 $0x1, s1;
	v18 =	vadd.f32 v18, v29;
	v21 =	vsub.f32 v27, v14  }
0x210: {  	v62 =	vmov s9;
	v59 =	vld.msk [tilespmem:s14+$0x0 ss:$0x0], $0xffff;
	v23 =	vsub.f32 v27, v5;
	v57 =	vsub.f32 v27, v10  }
0x211: {  	v29 =	vsub.f32 v27, v6;
	v27 =	vsub.f32 v27, v12;
	vm1 =	vle.f32 v31, v15  }
0x212: {  	vm2 =	vle.f32 v31, v7;
	v19 =	vsub.f32 $0.0e+00, v21;
	v58 =	vsub.f32 $0.0e+00, v57  }
0x213: {  	vm3 =	vle.f32 v31, v4;
	v30 =	vsub.f32 $0.0e+00, v23;
	v61 =	vsub.f32 $0.0e+00, v27  }
0x214: {  	v19 =	vsel vm1, v21, v19;
	vm1 =	vle.f32 v31, v11;
	v21 =	vsub.f32 $0.0e+00, v29  }
0x215: {  	s12 =	sadd.s32 $0x1, s31;
	v23 =	vsel vm3, v23, v30;
	v30 =	vsub.f32 v59, v6;
	v60 =	vmax.f32 v19, $0.0e+00  }
0x216: {  	v19 =	vld.msk [tilespmem:s12+$0x0 ss:$0x0], $0xffff;
	v27 =	vsel vm1, v27, v61;
	v23 =	vmax.f32 v23, $0.0e+00;
	v21 =	vsel vm2, v29, v21  }
0x217: {  	vm1 =	vlt.u32 v62, v2;
	v22 =	vadd.f32 v23, v22;
	v21 =	vmax.f32 v21, $0.0e+00  }
0x218: {  	v37 =	vmax.f32 v27, $0.0e+00;
	v21 =	vadd.f32 v21, v26;
	v26 =	vsub.f32 v59, v14  }
0x219: {  	v29 =	vsub.f32 v59, v5;
	v23 =	vsub.f32 v59, v10;
	vm2 =	vle.f32 v31, v9  }
0x21a: {  	v31 =	vsub.f32 v59, v12;
	v34 =	vnsel vm1, $0x0, v60;
	v63 =	vsub.f32 $0.0e+00, v26  }
0x21b: {  	v32 =	vsel vm2, v57, v58;
	v27 =	vsub.f32 $0.0e+00, v23;
	vm3 =	vle.f32 v19, v15  }
0x21c: {  	s9 =	simm.s32 $0x2;
	s14 =	sadd.s32 $0x1, s14;
	v32 =	vmax.f32 v32, $0.0e+00;
	v33 =	vsel vm3, v26, v63;
	v26 =	vadd.f32 v37, v55  }
.LBB2_21:
0x21d: {  	v35 =	vld.msk [tilespmem:s14+$0x0 ss:$0x0], $0xffff;
	p0 =	sne.s32 s9, $0xF;
	vm1 =	vle.f32 v19, v11;
	v18 =	vadd.f32 v34, v18;
	v16 =	vadd.f32 v32, v16;
	s15 =	smov.u32 s9;
	s9 =	sadd.s32 $0x1, s9  }
0x21e: {  	v34 =	vmax.f32 v33, $0.0e+00;
	v32 =	vsub.f32 $0.0e+00, v30;
	v33 =	vsub.f32 $0.0e+00, v29;
	s12 =	sadd.s32 $0x1, s12  }
0x21f: {  	v37 =	vsub.f32 $0.0e+00, v31;
	vm2 =	vle.f32 v19, v7;
	vm3 =	vle.f32 v19, v4;
	v36 =	vld.msk [tilespmem:s12+$0x0 ss:$0x0], $0xffff  }
0x220: {  	v38 =	vmov s8;
	s8 =	smov.u32 s15;
	v30 =	vsel vm2, v30, v32;
	v29 =	vsel vm3, v29, v33  }
0x221: {  	v31 =	vsel vm1, v31, v37;
	v30 =	vmax.f32 v30, $0.0e+00;
	v29 =	vmax.f32 v29, $0.0e+00  }
0x222: {  	v37 =	vmax.f32 v31, $0.0e+00;
	v21 =	vadd.f32 v30, v21;
	v22 =	vadd.f32 v29, v22  }
.Ltmp9:
0x223: {  	vm1 =	vlt.u32 v38, v2;
	v33 =	vsub.f32 v35, v14;
	v29 =	vsub.f32 v35, v5;
	(pc) =	sbr.rel @p0 .LBB2_21-.Ltmp9, $4  }
0x224: {  	vm2 =	vle.f32 v19, v9;
	v38 =	vsub.f32 v35, v10;
	v30 =	vsub.f32 v35, v6  }
0x225: {  	v40 =	vsel vm2, v23, v27;
	vm3 =	vle.f32 v36, v15;
	v39 =	vsub.f32 $0.0e+00, v33;
	v19 =	vmovc v36  }
0x226: {  	v32 =	vmax.f32 v40, $0.0e+00;
	v31 =	vsub.f32 v35, v12;
	v27 =	vsub.f32 $0.0e+00, v38;
	v23 =	vmovc v38  }
0x227: {  	s14 =	sadd.s32 $0x1, s14;
	v34 =	vnsel vm1, $0x0, v34;
	v26 =	vadd.f32 v37, v26;
	v33 =	vsel vm3, v33, v39  }
0x228: {  	v18 =	vadd.f32 v34, v18  }
0x229: {  	vm1 =	vle.f32 v19, v11;
	v16 =	vadd.f32 v32, v16;
	v14 =	vsub.f32 $0.0e+00, v30  }
0x22a: {  	v59 =	vmax.f32 v33, $0.0e+00;
	v15 =	vsub.f32 $0.0e+00, v29;
	v60 =	vsub.f32 $0.0e+00, v31  }
0x22b: {  	vm2 =	vle.f32 v19, v7;
	vm3 =	vle.f32 v19, v4;
	v61 =	vmov s8  }
0x22c: {  	v14 =	vsel vm2, v30, v14;
	v30 =	vld.msk [tilespmem:s10+$0x0 ss:$0x0], $0xffff;
	v15 =	vsel vm3, v29, v15;
	v29 =	vsel vm1, v31, v60  }
0x22d: {  	vm1 =	vle.f32 v19, v9;
	v14 =	vmax.f32 v14, $0.0e+00;
	v15 =	vmax.f32 v15, $0.0e+00  }
0x22e: {  	v29 =	vmax.f32 v29, $0.0e+00;
	v19 =	vsel vm1, v23, v27;
	vm1 =	vlt.u32 v61, v2  }
0x22f: {  	v14 =	vadd.f32 v14, v21;
	v15 =	vadd.f32 v15, v22;
	v21 =	vld.msk [tilespmem:s0+$0x0 ss:$0x0], $0xffff;
	v22 =	vnsel vm1, $0x0, v59  }
0x230: {  	v19 =	vmax.f32 v19, $0.0e+00;
	v23 =	vadd.f32 v29, v26;
	v31 =	vadd.f32 v22, v18  }
0x231: {  	s22 =	simm.s32 $0x0;
	v18 =	vadd.f32 v19, v16;
	v26 =	vsub.f32 v30, v12  }
0x232: {  	s14 =	sadd.s32 $0x1, s10;
	v22 =	vmov s22;
	v27 =	vsub.f32 v30, v10;
	v63 =	vsub.f32 v30, v6  }
0x233: {  	v62 =	vld.msk [tilespmem:s14+$0x0 ss:$0x0], $0xffff;
	vm1 =	vlt.u32 v22, v2;
	v22 =	vsub.f32 v30, v5;
	v16 =	vsub.f32 $0.0e+00, v26  }
0x234: {  	v19 =	vsub.f32 $0.0e+00, v27;
	vm2 =	vle.f32 v21, v9;
	vm3 =	vle.f32 v21, v11  }
0x235: {  	s12 =	sadd.s32 $0x1, s0;
	s8 =	simm.s32 $0x1;
	v30 =	vsub.f32 $0.0e+00, v63;
	v29 =	vsub.f32 $0.0e+00, v22;
	v16 =	vsel vm3, v26, v16  }
0x236: {  	v19 =	vsel vm2, v27, v19;
	v27 =	vmov s8;
	v26 =	vmax.f32 v16, $0.0e+00;
	v16 =	vld.msk [tilespmem:s12+$0x0 ss:$0x0], $0xffff  }
0x237: {  	vm4 =	vle.f32 v21, v7;
	v19 =	vmax.f32 v19, $0.0e+00;
	vm2 =	vlt.u32 v27, v2  }
0x238: {  	v27 =	vsub.f32 v62, v10;
	v26 =	vnsel vm1, $0x0, v26;
	v19 =	vadd.f32 v19, v18  }
0x239: {  	vm3 =	vle.f32 v21, v4;
	v18 =	vadd.f32 v26, v23;
	v26 =	vsub.f32 v62, v12  }
0x23a: {  	v21 =	vsub.f32 v62, v6;
	v33 =	vsel vm4, v63, v30;
	v23 =	vsub.f32 v62, v5  }
0x23b: {  	s9 =	simm.s32 $0x2;
	s14 =	sadd.s32 $0x1, s14;
	s12 =	sadd.s32 $0x1, s12;
	v32 =	vsub.f32 $0.0e+00, v27;
	v30 =	vsub.f32 $0.0e+00, v26;
	vm4 =	vle.f32 v16, v9  }
.LBB2_23:
0x23c: {  	v34 =	vld.msk [tilespmem:s14+$0x0 ss:$0x0], $0xffff;
	p0 =	sne.s32 s9, $0xF;
	vm5 =	vle.f32 v16, v11;
	v33 =	vmax.f32 v33, $0.0e+00;
	v29 =	vsel vm3, v22, v29;
	v22 =	vmovc v23;
	s15 =	smov.u32 s9;
	s9 =	sadd.s32 $0x1, s9  }
0x23d: {  	v35 =	vld.msk [tilespmem:s12+$0x0 ss:$0x0], $0xffff;
	v23 =	vsel vm5, v26, v30;
	v26 =	vsel vm4, v27, v32;
	v27 =	vmax.f32 v29, $0.0e+00  }
0x23e: {  	v23 =	vmax.f32 v23, $0.0e+00;
	v26 =	vmax.f32 v26, $0.0e+00;
	v15 =	vadd.f32 v27, v15  }
0x23f: {  	v14 =	vadd.f32 v33, v14;
	v23 =	vnsel vm2, $0x0, v23;
	v19 =	vadd.f32 v26, v19  }
.Ltmp10:
0x240: {  	vm3 =	vle.f32 v16, v4;
	v26 =	vmov s15;
	v18 =	vadd.f32 v23, v18;
	(pc) =	sbr.rel @p0 .LBB2_23-.Ltmp10, $4  }
0x241: {  	v30 =	vsub.f32 $0.0e+00, v21;
	v29 =	vsub.f32 $0.0e+00, v22;
	vm2 =	vlt.u32 v26, v2  }
0x242: {  	vm4 =	vle.f32 v16, v7;
	v26 =	vsub.f32 v34, v12;
	v27 =	vsub.f32 v34, v10  }
0x243: {  	v33 =	vsel vm4, v21, v30;
	v23 =	vsub.f32 v34, v5;
	v21 =	vsub.f32 v34, v6;
	v16 =	vmovc v35  }
0x244: {  	s14 =	sadd.s32 $0x1, s14;
	s12 =	sadd.s32 $0x1, s12;
	v30 =	vsub.f32 $0.0e+00, v26;
	vm4 =	vle.f32 v16, v9;
	v32 =	vsub.f32 $0.0e+00, v27  }
0x245: {  	vm5 =	vle.f32 v16, v11;
	v12 =	vmax.f32 v33, $0.0e+00  }
0x246: {  	v11 =	vsel vm3, v22, v29;
	v29 =	vsub.f32 $0.0e+00, v23;
	v22 =	vsel vm5, v26, v30  }
0x247: {  	v26 =	vsel vm4, v27, v32;
	v27 =	vld.msk [tilespmem:s3+$0x0 ss:$0x0], $0xffff;
	v11 =	vmax.f32 v11, $0.0e+00;
	v12 =	vadd.f32 v12, v14  }
0x248: {  	v14 =	vsub.f32 $0.0e+00, v21;
	v22 =	vmax.f32 v22, $0.0e+00;
	v26 =	vmax.f32 v26, $0.0e+00  }
0x249: {  	v15 =	vadd.f32 v11, v15;
	v22 =	vnsel vm2, $0x0, v22;
	vm2 =	vle.f32 v16, v4  }
0x24a: {  	v11 =	vadd.f32 v26, v19;
	v19 =	vld.msk [tilespmem:s11+$0x0 ss:$0x0], $0xffff;
	v34 =	vadd.f32 v22, v18;
	v18 =	vsel vm2, v23, v29  }
0x24b: {  	vm2 =	vle.f32 v16, v7;
	v16 =	vmax.f32 v18, $0.0e+00  }
0x24c: {  	v21 =	vsel vm2, v21, v14;
	v18 =	vsub.f32 v27, v10;
	v14 =	vadd.f32 v16, v15  }
0x24d: {  	s14 =	sadd.s32 $0x1, s3;
	v16 =	vsub.f32 v27, v6;
	v21 =	vmax.f32 v21, $0.0e+00;
	v22 =	vsub.f32 v27, v5  }
0x24e: {  	v15 =	vld.msk [tilespmem:s14+$0x0 ss:$0x0], $0xffff;
	v12 =	vadd.f32 v21, v12;
	v23 =	vsub.f32 $0.0e+00, v18  }
0x24f: {  	s9 =	sadd.s32 $0x1, s11;
	vm2 =	vle.f32 v19, v9;
	v21 =	vsub.f32 $0.0e+00, v16;
	vm3 =	vle.f32 v19, v4  }
0x250: {  	v18 =	vsel vm2, v18, v23;
	vm2 =	vle.f32 v19, v7;
	v23 =	vsub.f32 $0.0e+00, v22;
	v19 =	vld.msk [tilespmem:s9+$0x0 ss:$0x0], $0xffff  }
0x251: {  	v18 =	vmax.f32 v18, $0.0e+00;
	v16 =	vsel vm2, v16, v21  }
0x252: {  	v21 =	vnsel vm1, $0x0, v18;
	v16 =	vmax.f32 v16, $0.0e+00;
	v23 =	vsel vm3, v22, v23  }
0x253: {  	s12 =	simm.s32 $0x2;
	s14 =	sadd.s32 $0x1, s14;
	v22 =	vsub.f32 v15, v10;
	v18 =	vsub.f32 v15, v5;
	v23 =	vmax.f32 v23, $0.0e+00  }
.LBB2_25:
0x254: {  	p0 =	sne.s32 s12, $0xF;
	v29 =	vmov s8;
	v27 =	vsub.f32 v15, v6;
	v15 =	vld.msk [tilespmem:s14+$0x0 ss:$0x0], $0xffff;
	v14 =	vadd.f32 v23, v14;
	s8 =	smov.u32 s12;
	s12 =	sadd.s32 $0x1, s12  }
0x255: {  	vm2 =	vle.f32 v19, v4;
	s9 =	sadd.s32 $0x1, s9;
	v26 =	vmovc v19;
	vm1 =	vlt.u32 v29, v2;
	v23 =	vsub.f32 $0.0e+00, v22  }
.Ltmp11:
0x256: {  	v11 =	vadd.f32 v21, v11;
	vm3 =	vle.f32 v26, v9;
	v19 =	vld.msk [tilespmem:s9+$0x0 ss:$0x0], $0xffff;
	v29 =	vsub.f32 $0.0e+00, v27;
	(pc) =	sbr.rel @p0 .LBB2_25-.Ltmp11, $4  }
0x257: {  	v21 =	vsel vm3, v22, v23;
	vm3 =	vle.f32 v26, v7;
	v22 =	vsub.f32 $0.0e+00, v18  }
0x258: {  	v12 =	vadd.f32 v16, v12;
	v21 =	vmax.f32 v21, $0.0e+00;
	v23 =	vsel vm3, v27, v29  }
0x259: {  	v21 =	vnsel vm1, $0x0, v21;
	v16 =	vmax.f32 v23, $0.0e+00;
	v23 =	vsel vm2, v18, v22  }
0x25a: {  	s14 =	sadd.s32 $0x1, s14;
	v22 =	vsub.f32 v15, v10;
	v18 =	vsub.f32 v15, v5;
	v23 =	vmax.f32 v23, $0.0e+00  }
0x25b: {  	v10 =	vsub.f32 v15, v6  }
0x25c: {  	v15 =	vmov s8;
	v14 =	vadd.f32 v23, v14;
	v26 =	vld.msk [tilespmem:s5+$0x0 ss:$0x0], $0xffff;
	v23 =	vsub.f32 $0.0e+00, v22  }
0x25d: {  	vm2 =	vle.f32 v19, v4;
	vm3 =	vle.f32 v19, v9;
	v11 =	vadd.f32 v21, v11  }
0x25e: {  	v12 =	vadd.f32 v16, v12;
	v9 =	vsel vm3, v22, v23;
	v22 =	vsub.f32 $0.0e+00, v18  }
0x25f: {  	vm1 =	vlt.u32 v15, v2;
	vm3 =	vle.f32 v19, v7;
	v19 =	vld.msk [tilespmem:s4+$0x0 ss:$0x0], $0xffff;
	v9 =	vmax.f32 v9, $0.0e+00  }
0x260: {  	v15 =	vsub.f32 $0.0e+00, v10;
	v9 =	vnsel vm1, $0x0, v9;
	v16 =	vsel vm2, v18, v22  }
0x261: {  	s15 =	sadd.s32 $0x1, s5;
	v18 =	vsub.f32 v26, v6;
	v21 =	vsub.f32 v26, v5;
	v16 =	vmax.f32 v16, $0.0e+00  }
0x262: {  	v15 =	vsel vm3, v10, v15;
	v39 =	vadd.f32 v9, v11;
	v10 =	vadd.f32 v16, v14;
	v14 =	vld.msk [tilespmem:s15+$0x0 ss:$0x0], $0xffff  }
0x263: {  	v9 =	vmax.f32 v15, $0.0e+00;
	v15 =	vsub.f32 $0.0e+00, v18;
	v16 =	vsub.f32 $0.0e+00, v21  }
0x264: {  	s9 =	simm.s32 $0x0;
	s12 =	sadd.s32 $0x1, s4;
	v11 =	vadd.f32 v9, v12;
	vm1 =	vle.f32 v19, v7;
	vm2 =	vle.f32 v19, v4  }
0x265: {  	s8 =	simm.s32 $0x1;
	v9 =	vmov s9;
	v12 =	vld.msk [tilespmem:s12+$0x0 ss:$0x0], $0xffff;
	v15 =	vsel vm1, v18, v15;
	v18 =	vsel vm2, v21, v16  }
0x266: {  	s14 =	simm.s32 $0x2;
	s22 =	sadd.s32 $0x1, s15;
	s9 =	simm.s32 $0x1;
	vm1 =	vlt.u32 v9, v2;
	v16 =	vmax.f32 v15, $0.0e+00;
	v15 =	vmax.f32 v18, $0.0e+00  }
.LBB2_27:
0x267: {  	p0 =	sne.s32 s14, $0xF;
	v18 =	vsub.f32 v14, v6;
	v19 =	vsub.f32 v14, v5;
	v14 =	vld.msk [tilespmem:s22+$0x0 ss:$0x0], $0xffff;
	v16 =	vnsel vm1, $0x0, v16;
	s15 =	smov.u32 s14;
	s14 =	sadd.s32 $0x1, s14  }
.Ltmp12:
0x268: {  	v10 =	vadd.f32 v15, v10;
	v11 =	vadd.f32 v16, v11;
	(pc) =	sbr.rel @p0 .LBB2_27-.Ltmp12, $4  }
0x269: {  	s12 =	sadd.s32 $0x1, s12;
	v15 =	vsub.f32 $0.0e+00, v18;
	v16 =	vsub.f32 $0.0e+00, v19  }
0x26a: {  	vm1 =	vle.f32 v12, v7;
	vm2 =	vle.f32 v12, v4;
	v12 =	vld.msk [tilespmem:s12+$0x0 ss:$0x0], $0xffff  }
0x26b: {  	v21 =	vmov s9;
	s9 =	smov.u32 s15;
	v15 =	vsel vm1, v18, v15;
	v18 =	vsel vm2, v19, v16  }
0x26c: {  	s22 =	sadd.s32 $0x1, s22;
	vm1 =	vlt.u32 v21, v2;
	v16 =	vmax.f32 v15, $0.0e+00;
	v15 =	vmax.f32 v18, $0.0e+00  }
0x26d: {  	v18 =	vld.msk [tilespmem:s2+$0x0 ss:$0x0], $0xffff;
	_ =	sdelay $0x1  }
0x26e: {  	v6 =	vsub.f32 v14, v6;
	v14 =	vsub.f32 v14, v5;
	v16 =	vnsel vm1, $0x0, v16  }
0x26f: {  	v15 =	vadd.f32 v15, v10;
	v11 =	vadd.f32 v16, v11;
	v16 =	vld.msk [tilespmem:s6+$0x0 ss:$0x0], $0xffff  }
0x270: {  	v19 =	vsub.f32 $0.0e+00, v6;
	v21 =	vsub.f32 $0.0e+00, v14  }
0x271: {  	s14 =	sadd.s32 $0x1, s2;
	vm1 =	vle.f32 v12, v7;
	vm2 =	vle.f32 v12, v4;
	v7 =	vsub.f32 v18, v5  }
0x272: {  	v10 =	vld.msk [tilespmem:s14+$0x0 ss:$0x0], $0xffff;
	v6 =	vsel vm1, v6, v19;
	v12 =	vsel vm2, v14, v21;
	v14 =	vmov s9  }
0x273: {  	vm1 =	vlt.u32 v14, v2;
	v6 =	vmax.f32 v6, $0.0e+00;
	v14 =	vsub.f32 $0.0e+00, v7  }
0x274: {  	s9 =	sadd.s32 $0x1, s6;
	v6 =	vnsel vm1, $0x0, v6;
	vm1 =	vle.f32 v16, v4  }
0x275: {  	v12 =	vmax.f32 v12, $0.0e+00;
	v37 =	vadd.f32 v6, v11;
	v11 =	vsel vm1, v7, v14;
	v7 =	vld.msk [tilespmem:s9+$0x0 ss:$0x0], $0xffff  }
0x276: {  	s12 =	simm.s32 $0x2;
	s14 =	sadd.s32 $0x1, s14;
	v6 =	vadd.f32 v12, v15;
	vm1 =	vlt.u32 v9, v2;
	v9 =	vmax.f32 v11, $0.0e+00  }
.LBB2_29:
0x277: {  	p0 =	sne.s32 s12, $0xF;
	v11 =	vsub.f32 v10, v5;
	v10 =	vld.msk [tilespmem:s14+$0x0 ss:$0x0], $0xffff;
	v9 =	vnsel vm1, $0x0, v9;
	s15 =	smov.u32 s12;
	s12 =	sadd.s32 $0x1, s12  }
.Ltmp13:
0x278: {  	v6 =	vadd.f32 v9, v6;
	(pc) =	sbr.rel @p0 .LBB2_29-.Ltmp13, $4  }
0x279: {  	s9 =	sadd.s32 $0x1, s9;
	v9 =	vsub.f32 $0.0e+00, v11  }
0x27a: {  	vm1 =	vle.f32 v7, v4;
	v7 =	vld.msk [tilespmem:s9+$0x0 ss:$0x0], $0xffff  }
0x27b: {  	v12 =	vmov s8;
	s8 =	smov.u32 s15;
	v9 =	vsel vm1, v11, v9  }
0x27c: {  	s14 =	sadd.s32 $0x1, s14;
	vm1 =	vlt.u32 v12, v2;
	v9 =	vmax.f32 v9, $0.0e+00  }
0x27d: {  	s15 =	rddreg [dreg:$0x9]  }
0x27e: {  	s7 =	sadd.s32 $0x1, s7;
	s22 =	rddreg [dreg:$0xa];
	s16 =	sadd.s32 $0xD0, s16  }
0x27f: {  	s17 =	sadd.s32 $0xD0, s17;
	s18 =	sadd.s32 $0xD0, s18;
	s19 =	sadd.s32 $0xD0, s19  }
0x280: {  	v5 =	vsub.f32 v10, v5;
	s20 =	sadd.s32 $0xD0, s20;
	s21 =	sadd.s32 $0xD0, s21;
	s13 =	sadd.s32 $0xD0, s13  }
0x281: {  	s23 =	sadd.s32 $0xD0, s23;
	s24 =	sadd.s32 $0xD0, s24;
	s25 =	sadd.s32 $0xD0, s25  }
0x282: {  	s26 =	sadd.s32 $0xD0, s26;
	s28 =	sadd.s32 $0xD0, s28;
	p0 =	sne.s32 s7, $0x13;
	v10 =	vsub.f32 $0.0e+00, v5  }
.Ltmp14:
0x283: {  	s29 =	sadd.s32 $0xD0, s29;
	s30 =	sadd.s32 $0xD0, s30;
	vm2 =	vle.f32 v7, v4;
	(pc) =	sbr.rel @p0 .LBB2_4-.Ltmp14, $4  }
0x284: {  	s31 =	sadd.s32 $0xD0, s31;
	s1 =	sadd.s32 $0xD0, s1;
	s0 =	sadd.s32 $0xD0, s0;
	v4 =	vmov s8;
	v7 =	vnsel vm1, $0x0, v9;
	v5 =	vsel vm2, v5, v10  }
0x285: {  	s10 =	sadd.s32 $0xD0, s10;
	s11 =	sadd.s32 $0xD0, s11;
	s3 =	sadd.s32 $0xD0, s3;
	v6 =	vadd.f32 v7, v6;
	vm1 =	vlt.u32 v4, v2;
	v4 =	vmax.f32 v5, $0.0e+00  }
0x286: {  	s4 =	sadd.s32 $0xD0, s4;
	s5 =	sadd.s32 $0xD0, s5;
	s6 =	sadd.s32 $0xD0, s6;
	v4 =	vnsel vm1, $0x0, v4  }
0x287: {  	s2 =	sadd.s32 $0xD0, s2;
	s15 =	sadd.s32 $0xD0, s15;
	s22 =	sadd.s32 $0xD0, s22;
	v38 =	vadd.f32 v4, v6  }
0x288: {  	v3 =	vadd.f32 v8, v3;
	_ =	sdelay $0x1  }
0x289: {  	v3 =	vadd.f32 v13, v3;
	_ =	sdelay $0x1  }
0x28a: {  	v3 =	vadd.f32 v17, v3;
	_ =	sdelay $0x1  }
0x28b: {  	v3 =	vadd.f32 v20, v3;
	_ =	sdelay $0x1  }
0x28c: {  	v3 =	vadd.f32 v24, v3;
	_ =	sdelay $0x1  }
0x28d: {  	v3 =	vadd.f32 v25, v3;
	_ =	sdelay $0x1  }
0x28e: {  	v3 =	vadd.f32 v28, v3;
	_ =	sdelay $0x1  }
0x28f: {  	v3 =	vadd.f32 v31, v3;
	_ =	sdelay $0x1  }
0x290: {  	v3 =	vadd.f32 v34, v3;
	_ =	sdelay $0x1  }
0x291: {  	v3 =	vadd.f32 v39, v3;
	_ =	sdelay $0x1  }
0x292: {  	v3 =	vadd.f32 v37, v3;
	_ =	sdelay $0x1  }
0x293: {  	v3 =	vadd.f32 v38, v3  }
0x294: {  	s7 =	simm.s32 $0x0  }
0x295: {  	s0 =	rddreg [dreg:$0x4];
	s1 =	simm.s32 $0x5F00;
	s2 =	simm.s32 $0x1;
	[tilespmem:$0x5F00] =	vst v3  }
0x296: {  	[hbm4b:s0+s7] =	stream.linear.scatter [tilespmem:s1], [sflag:$0x1], $0x80, $0x38;
	[tilespmem:$0x5F80] =	vst v63  }
0x297: {  	_ =	swait.ge [sflag:s2], $0x80  }
0x298: {  	s30 =	rddreg [dreg:$0x8]  }
0x299: {  	s31 =	rddreg [dreg:$0x5];
	s1 =	sadd.s32 $0x1, s30  }
0x29a: {  	p0 =	sne.s32 s1, s31  }
.Ltmp15:
0x29b: {  	_ = 	snop;
	(pc) =	sbr.rel @p0 .LBB2_1-.Ltmp15, $3  }
0x29c: {  	_ =	sdelay $0x1  }
0x29d: {  	[sflag:s2] =	ssyncset.done $0x0  }
0x29e: {  	[sflag:s2] =	ssyncadd.s32 $0xFFFFFF80  }
0x29f: {  	_ =	sfence.sel $0x180000  }
0x2a0: {  	[bflag:$0x0] =	sbarrier.arrive $0xFFFF  }
0x2a1: {  	_ =	strace $0x90000047  }
0x2a2: {  	s0 =	stileid.u32;
	[bflag:$0x2] =	sbarrier.arrive $0xFFFF  }
0x2a3: {  	p0 =	sne.s32 s0, $0x0;
	s0 =	rddreg [dreg:$0x1]  }
0x2a4: {  	s0 =	sadd.s32 @!p0 $0x100000, s0  }
0x2a5: {  	[sflag:s0] =	ssyncadd.tile.s32 @!p0 $0x1;
	_ =	shalt  }
.Lfunc_end2:
_tile_overlayer_lowered:
.L_overlay_start_2:
0x2a6: {  	(tag) =	ssettag $0x2  }
0x2a7: {  	s0 =	rddreg [dreg:$0x0];
	s2 =	stileid.u32  }
0x2a8: {  	s1 =	rddreg [dreg:$0x1];
	p0 =	sne.s32 s2, $0x0  }
0x2a9: {  	s3 =	rddreg [dreg:$0x2];
	[bflag:$0x3] =	sbarrier.arrive $0xFFFF;
	s2 =	simm.s32 @!p0 $0x1C01  }
0x2aa: {  	[timem:s3], [sflag:s2] =	dma.local @!p0 [hbm:s0], s1  }
0x2ab: {  	s0 =	simm.s32 @!p0 $0x1  }
0x2ac: {  	_ =	swait.ge @!p0 [sflag:s0], s1  }
0x2ad: {  	s1 =	ssub.s32 @!p0 $0x0, s1;
	[sflag:s0] =	ssyncset.done @!p0 $0x0  }
0x2ae: {  	[sflag:s0] =	ssyncadd.s32 @!p0 s1  }
0x2af: {  	[bflag:$0x3] =	sbarrier.arrive $0xFFFF  }
0x2b0: {  	_ =	shalt  }

</sc_bundles>
